<compile_context>
chip_gen: v7x
topology: tpu7x:2x2x1
jax: 0.10.2.dev20260603
libtpu: 0.0.44.dev20260713+nightly
codegen_flags: <defaults>
</compile_context>

<pallas_src>
import jax
import jax.numpy as jnp
from jax import lax
from jax.experimental import pallas as pl
from jax.experimental.pallas import tpu as pltpu
from jax.experimental.pallas import tpu_sc as plsc

N = 10000
E = 320000
D = 128

NC = 2
NS = 16
L = 16
NW = NC * NS
RPW = 320
LAST = N - RPW * (NW - 1)
WIN = 512
JUNK = RPW
SLAB = RPW + 8
K = 128
NB = 4
NQ = 6
RP_PAD = 10440


def _mm_body(x_ref, w_ref, o_ref):
    o_ref[...] = jnp.dot(x_ref[...], w_ref[...],
                         preferred_element_type=jnp.float32)


def _matmul(X, W):
    M, BM = X.shape[0], 1000
    return pl.pallas_call(
        _mm_body,
        grid=(M // BM,),
        in_specs=[pl.BlockSpec((BM, D), lambda i: (i, 0)),
                  pl.BlockSpec((D, D), lambda i: (0, 0))],
        out_specs=pl.BlockSpec((BM, D), lambda i: (i, 0)),
        out_shape=jax.ShapeDtypeStruct((M, D), jnp.float32),
    )(X, W)


def _sc_body(xp_hbm, col_hbm, rp_hbm, out_hbm,
             win_v, idx_v, seg_v, rows_v, part_sh, gsem, isem, ssem):
    c = lax.axis_index("c")
    s = lax.axis_index("s")
    wid = c * NS + s
    row_base = wid * RPW
    slab = s * SLAB

    pltpu.sync_copy(rp_hbm.at[pl.ds(row_base, WIN)], win_v)

    def _zrow(i, carry):
        for f in range(D // L):
            rows_v[0, i, pl.ds(f * L, L)] = jnp.zeros((L,), jnp.float32)
        return carry
    lax.fori_loop(0, K, _zrow, 0)
    pltpu.sync_copy(rows_v.at[0], part_sh.at[pl.ds(slab, K)])
    pltpu.sync_copy(rows_v.at[0], part_sh.at[pl.ds(slab + K, K)])
    pltpu.sync_copy(rows_v.at[0, pl.ds(0, SLAB - 2 * K)],
                    part_sh.at[pl.ds(slab + 2 * K, SLAB - 2 * K)])

    e_lo = win_v[pl.ds(0, L)][0]
    e_hi = win_v[pl.ds(RPW, L)][0]
    e_al = jnp.bitwise_and(e_lo, -8)
    nchunk = (e_hi - e_al + (K - 1)) // K
    iota = lax.broadcasted_iota(jnp.int32, (L,), 0)

    def _coff(j):
        return pl.multiple_of(e_al + j * K, 8)

    def _idx_start(j, q):
        pltpu.async_copy(col_hbm.at[pl.ds(_coff(j), K)],
                         idx_v.at[q], isem.at[q])

    def _idx_wait(j, q):
        pltpu.make_async_copy(col_hbm.at[pl.ds(_coff(j), K)],
                              idx_v.at[q], isem.at[q]).wait()

    def _gat_start(q, b):
        pltpu.async_copy(xp_hbm.at[idx_v.at[q]], rows_v.at[b], gsem.at[b])

    def _gat_wait(q, b):
        pltpu.make_async_copy(xp_hbm.at[idx_v.at[q]], rows_v.at[b],
                              gsem.at[b]).wait()

    def _sct_start(b):
        pltpu.async_copy(rows_v.at[b], part_sh.at[seg_v.at[b]], ssem.at[b],
                         add=True)

    def _sct_wait(b):
        pltpu.make_async_copy(rows_v.at[b], part_sh.at[seg_v.at[b]],
                              ssem.at[b]).wait()

    for j in range(NQ):
        @pl.when(j < nchunk)
        def _(j=j):
            _idx_start(j, j)
    for j in range(NB - 1):
        @pl.when(j < nchunk)
        def _(j=j):
            _idx_wait(j, j)
            _gat_start(j, j)

    def _chunk(i, carry):
        b = lax.rem(i, NB)
        q = lax.rem(i, NQ)
        _gat_wait(q, b)

        off = e_al + i * K
        for v in range(K // L):
            evec = off + v * L + iota
            pos = jnp.zeros((L,), jnp.int32)
            bit = WIN // 2
            while bit:
                cand = pos + bit
                val = plsc.load_gather(win_v, [cand])
                pos = jnp.where(val <= evec, cand, pos)
                bit //= 2
            valid = (evec >= e_lo) & (evec < e_hi)
            seg_v[b, pl.ds(v * L, L)] = slab + jnp.where(valid, pos, JUNK)

        @pl.when(i >= 1)
        def _():
            _sct_wait(lax.rem(i + NB - 1, NB))
        _sct_start(b)

        @pl.when(i + NB - 1 < nchunk)
        def _():
            j2 = i + NB - 1
            _idx_wait(j2, lax.rem(j2, NQ))
            _gat_start(lax.rem(j2, NQ), lax.rem(j2, NB))

        @pl.when(i + NQ < nchunk)
        def _():
            j4 = i + NQ
            _idx_start(j4, lax.rem(j4, NQ))

        return carry

    lax.fori_loop(0, nchunk, _chunk, 0)

    @pl.when(nchunk >= 1)
    def _():
        _sct_wait(lax.rem(nchunk - 1, NB))

    @pl.when(wid < NW - 1)
    def _():
        pltpu.sync_copy(part_sh.at[pl.ds(slab, RPW)],
                        out_hbm.at[pl.ds(row_base, RPW)])

    @pl.when(wid == NW - 1)
    def _():
        pltpu.sync_copy(part_sh.at[pl.ds(slab, LAST)],
                        out_hbm.at[pl.ds(row_base, LAST)])


def _sc_spmm(Xp, column_index, rp_pad):
    mesh = plsc.VectorSubcoreMesh(core_axis_name="c", subcore_axis_name="s")
    k = pl.kernel(
        _sc_body,
        out_type=jax.ShapeDtypeStruct((N, D), jnp.float32),
        mesh=mesh,
        scratch_types=[
            pltpu.VMEM((WIN,), jnp.int32),
            pltpu.VMEM((NQ, K), jnp.int32),
            pltpu.VMEM((NB, K), jnp.int32),
            pltpu.VMEM((NB, K, D), jnp.float32),
            pltpu.VMEM_SHARED((NS * SLAB, D), jnp.float32),
            pltpu.SemaphoreType.DMA((NB,)),
            pltpu.SemaphoreType.DMA((NQ,)),
            pltpu.SemaphoreType.DMA((NB,)),
        ],
        compiler_params=pltpu.CompilerParams(needs_layout_passes=False),
    )
    return k(Xp, column_index, rp_pad)


def kernel(X, row_pointers, column_index, blockPartition, edgeToColumn,
           edgeToRow, W):
    rp_pad = jnp.concatenate([
        jnp.zeros((1,), jnp.int32),
        lax.slice(row_pointers, (1,), (N,)),
        jnp.full((RP_PAD - N,), E, dtype=jnp.int32),
    ])

    col_pad = jnp.concatenate(
        [column_index, jnp.zeros((K,), dtype=jnp.int32)])
    Xp = _matmul(X, W)
    return _sc_spmm(Xp, col_pad, rp_pad)

# --- scband reference (transcript-rebuilt; emitter-appended) ---
"""Pipeline reference for scband-gcnconv-15187004358855 (READ-ONLY COPY).

The authoritative reference and input builder live on the scoring server;
editing this copy changes nothing except your own understanding.
"""

import jax, jax.numpy as jnp
import numpy as np

N = 10000
E = 320000
D_IN = 128
D_OUT = 128
NUM_ROW_WINDOWS = 625  # ceil(N/16), TC-GNN row-window metadata


def setup_inputs(seed: int = 0) -> dict:
    key = jax.random.key(seed)
    k1, k2, k3, k4, k5, k6, k7 = jax.random.split(key, 7)
    X = jax.random.normal(k1, (N, D_IN), dtype=jnp.float32)
    row_pointers = jnp.sort(jax.random.randint(k2, (N + 1,), 0, E)).astype(jnp.int32)
    column_index = jax.random.randint(k3, (E,), 0, N).astype(jnp.int32)
    blockPartition = jax.random.randint(k4, (NUM_ROW_WINDOWS,), 0, 64).astype(jnp.int32)
    edgeToColumn = jax.random.randint(k5, (E,), 0, N).astype(jnp.int32)
    edgeToRow = jax.random.randint(k6, (E,), 0, N).astype(jnp.int32)
    W = jax.random.normal(k7, (D_IN, D_OUT), dtype=jnp.float32)
    return {
        "X": X,
        "row_pointers": row_pointers,
        "column_index": column_index,
        "blockPartition": blockPartition,
        "edgeToColumn": edgeToColumn,
        "edgeToRow": edgeToRow,
        "W": W,
    }


def _csr_spmm(Xp, row_pointers, column_index):
    # GAcc.forward semantics: out[r] = sum_{e in [row_pointers[r], row_pointers[r+1])} Xp[column_index[e]]
    E_ = column_index.shape[0]
    n_rows = row_pointers.shape[0] - 1
    edge_ids = jnp.arange(E_)
    seg = jnp.searchsorted(row_pointers, edge_ids, side="right") - 1
    seg = jnp.clip(seg, 0, n_rows - 1)
    gathered = jnp.take(Xp, column_index, axis=0)
    return jax.ops.segment_sum(gathered, seg, num_segments=n_rows)


def reference(X, row_pointers, column_index, blockPartition, edgeToColumn, edgeToRow, W):
    # GCNConv.forward: X' = X @ W, then neighbor aggregation (SpMM over CSR adjacency).
    # blockPartition/edgeToColumn/edgeToRow are TC-GNN kernel tiling metadata encoding
    # the same sparsity pattern; the math is fully determined by (row_pointers, column_index).
    Xp = jnp.dot(X, W)
    return _csr_spmm(Xp, row_pointers, column_index)

if __name__ == "__main__":
    import jax
    _d = setup_inputs()
    print(jax.jit(kernel)(*tuple(_d.values())))

</pallas_src>

<mosaic_0001>
#map = affine_map<(d0, d1) -> (0, 0)>
#map1 = affine_map<(d0, d1) -> (0)>
module attributes {stable_mosaic.version = 14 : i64} {
  func.func @_sc_body(%arg0: i32, %arg1: i32, %arg2: memref<10000x128xf32, #tpu.memory_space<hbm>>, %arg3: memref<320128xi32, #tpu.memory_space<hbm>>, %arg4: memref<10440xi32, #tpu.memory_space<hbm>>, %arg5: memref<10000x128xf32, #tpu.memory_space<hbm>>, %arg6: memref<512xi32, #tpu.memory_space<vmem>>, %arg7: memref<6x128xi32, #tpu.memory_space<vmem>>, %arg8: memref<4x128xi32, #tpu.memory_space<vmem>>, %arg9: memref<4x128x128xf32, #tpu.memory_space<vmem>>, %arg10: memref<5248x128xf32, #tpu.memory_space<vmem_shared>>, %arg11: memref<4x!tpu.dma_semaphore, #tpu.memory_space<semaphore_mem>>, %arg12: memref<6x!tpu.dma_semaphore, #tpu.memory_space<semaphore_mem>>, %arg13: memref<4x!tpu.dma_semaphore, #tpu.memory_space<semaphore_mem>>) attributes {dimension_semantics = [#tpu.dimension_semantics<core_parallel>, #tpu.dimension_semantics<subcore_parallel>], iteration_bounds = array<i64: 2, 16>, scalar_prefetch = 0 : i64, scratch_operands = 8 : i64, tpu.core_type = #tpu.core_type<sc_vector_subcore>, window_params = [{transform_indices = #map}, {transform_indices = #map1}, {transform_indices = #map1}, {transform_indices = #map}]} {
    %mul3A = arith.constant 16 : i32
    %mul3A_0 = arith.muli %arg0, %mul3A : i32
    %add3A = arith.addi %mul3A_0, %arg1 : i32
    %mul3A_1 = arith.constant 320 : i32
    %mul3A_2 = arith.muli %add3A, %mul3A_1 : i32
    %mul3A_3 = arith.constant 328 : i32
    %mul3A_4 = arith.muli %arg1, %mul3A_3 : i32
    "tpu.region"() ({
      %run_scoped3A_105 = tpu.sem_alloc : memref<!tpu.dma_semaphore, #tpu.memory_space<semaphore_mem>>
      %dma_start3A = tpu.memref_slice %arg4[%mul3A_2] : memref<10440xi32, #tpu.memory_space<hbm>> -> memref<512xi32, #tpu.memory_space<hbm>>
      %dma_start3A_106 = tpu.memref_slice %arg4[%mul3A_2] : memref<10440xi32, #tpu.memory_space<hbm>> -> memref<512xi32, #tpu.memory_space<hbm>>
      tpu.enqueue_dma source(%dma_start3A_106 : memref<512xi32, #tpu.memory_space<hbm>>) target(%arg6 : memref<512xi32, #tpu.memory_space<vmem>>) target_semaphore(%run_scoped3A_105 : memref<!tpu.dma_semaphore, #tpu.memory_space<semaphore_mem>>)
      %dma_wait3A = tpu.memref_slice %arg4[%mul3A_2] : memref<10440xi32, #tpu.memory_space<hbm>> -> memref<512xi32, #tpu.memory_space<hbm>>
      %dma_wait3A_107 = tpu.memref_slice %arg4[%mul3A_2] : memref<10440xi32, #tpu.memory_space<hbm>> -> memref<512xi32, #tpu.memory_space<hbm>>
      tpu.wait_dma2 semaphore(%run_scoped3A_105 : memref<!tpu.dma_semaphore, #tpu.memory_space<semaphore_mem>>) src(%dma_wait3A_107 : memref<512xi32, #tpu.memory_space<hbm>>) dst(%arg6 : memref<512xi32, #tpu.memory_space<vmem>>)
      tpu.yield
    }) : () -> ()
    %scan3A = arith.constant 0 : i32
    %scan3A_5 = arith.constant 0 : i32
    %scan3A_6 = arith.constant 128 : i32
    %scan3A_7 = arith.addi %scan3A_5, %scan3A_6 : i32
    %scan3A_8 = arith.constant 1 : i32
    scf.for %scan3A_105 = %scan3A_5 to %scan3A_7 step %scan3A_8  : i32 {
      %broadcast_in_dim3A = arith.constant 0.000000e+00 : f32
      %broadcast_in_dim3A_106 = vector.broadcast %broadcast_in_dim3A : f32 to vector<16xf32>
      %swap3A = arith.constant 0 : i32
      %swap3A_107 = arith.index_cast %swap3A : i32 to index
      %swap3A_108 = arith.index_cast %scan3A_105 : i32 to index
      %swap3A_109 = arith.constant 0 : index
      %swap3A_110 = tpu.vector_load %arg9[%swap3A_107, %swap3A_108, %swap3A_109] {strides = array<i32>} : memref<4x128x128xf32, #tpu.memory_space<vmem>>, vector<16xf32>,
      tpu.vector_store %arg9[%swap3A_107, %swap3A_108, %swap3A_109], %broadcast_in_dim3A_106 {strides = array<i32>} : memref<4x128x128xf32, #tpu.memory_space<vmem>>, vector<16xf32>,
      %broadcast_in_dim3A_111 = arith.constant 0.000000e+00 : f32
      %broadcast_in_dim3A_112 = vector.broadcast %broadcast_in_dim3A_111 : f32 to vector<16xf32>
      %swap3A_113 = arith.constant 0 : i32
      %swap3A_114 = arith.index_cast %swap3A_113 : i32 to index
      %swap3A_115 = arith.index_cast %scan3A_105 : i32 to index
      %swap3A_116 = arith.constant 16 : index
      %swap3A_117 = tpu.vector_load %arg9[%swap3A_114, %swap3A_115, %swap3A_116] {strides = array<i32>} : memref<4x128x128xf32, #tpu.memory_space<vmem>>, vector<16xf32>,
      tpu.vector_store %arg9[%swap3A_114, %swap3A_115, %swap3A_116], %broadcast_in_dim3A_112 {strides = array<i32>} : memref<4x128x128xf32, #tpu.memory_space<vmem>>, vector<16xf32>,
      %broadcast_in_dim3A_118 = arith.constant 0.000000e+00 : f32
      %broadcast_in_dim3A_119 = vector.broadcast %broadcast_in_dim3A_118 : f32 to vector<16xf32>
      %swap3A_120 = arith.constant 0 : i32
      %swap3A_121 = arith.index_cast %swap3A_120 : i32 to index
      %swap3A_122 = arith.index_cast %scan3A_105 : i32 to index
      %swap3A_123 = arith.constant 32 : index
      %swap3A_124 = tpu.vector_load %arg9[%swap3A_121, %swap3A_122, %swap3A_123] {strides = array<i32>} : memref<4x128x128xf32, #tpu.memory_space<vmem>>, vector<16xf32>,
      tpu.vector_store %arg9[%swap3A_121, %swap3A_122, %swap3A_123], %broadcast_in_dim3A_119 {strides = array<i32>} : memref<4x128x128xf32, #tpu.memory_space<vmem>>, vector<16xf32>,
      %broadcast_in_dim3A_125 = arith.constant 0.000000e+00 : f32
      %broadcast_in_dim3A_126 = vector.broadcast %broadcast_in_dim3A_125 : f32 to vector<16xf32>
      %swap3A_127 = arith.constant 0 : i32
      %swap3A_128 = arith.index_cast %swap3A_127 : i32 to index
      %swap3A_129 = arith.index_cast %scan3A_105 : i32 to index
      %swap3A_130 = arith.constant 48 : index
      %swap3A_131 = tpu.vector_load %arg9[%swap3A_128, %swap3A_129, %swap3A_130] {strides = array<i32>} : memref<4x128x128xf32, #tpu.memory_space<vmem>>, vector<16xf32>,
      tpu.vector_store %arg9[%swap3A_128, %swap3A_129, %swap3A_130], %broadcast_in_dim3A_126 {strides = array<i32>} : memref<4x128x128xf32, #tpu.memory_space<vmem>>, vector<16xf32>,
      %broadcast_in_dim3A_132 = arith.constant 0.000000e+00 : f32
      %broadcast_in_dim3A_133 = vector.broadcast %broadcast_in_dim3A_132 : f32 to vector<16xf32>
      %swap3A_134 = arith.constant 0 : i32
      %swap3A_135 = arith.index_cast %swap3A_134 : i32 to index
      %swap3A_136 = arith.index_cast %scan3A_105 : i32 to index
      %swap3A_137 = arith.constant 64 : index
      %swap3A_138 = tpu.vector_load %arg9[%swap3A_135, %swap3A_136, %swap3A_137] {strides = array<i32>} : memref<4x128x128xf32, #tpu.memory_space<vmem>>, vector<16xf32>,
      tpu.vector_store %arg9[%swap3A_135, %swap3A_136, %swap3A_137], %broadcast_in_dim3A_133 {strides = array<i32>} : memref<4x128x128xf32, #tpu.memory_space<vmem>>, vector<16xf32>,
      %broadcast_in_dim3A_139 = arith.constant 0.000000e+00 : f32
      %broadcast_in_dim3A_140 = vector.broadcast %broadcast_in_dim3A_139 : f32 to vector<16xf32>
      %swap3A_141 = arith.constant 0 : i32
      %swap3A_142 = arith.index_cast %swap3A_141 : i32 to index
      %swap3A_143 = arith.index_cast %scan3A_105 : i32 to index
      %swap3A_144 = arith.constant 80 : index
      %swap3A_145 = tpu.vector_load %arg9[%swap3A_142, %swap3A_143, %swap3A_144] {strides = array<i32>} : memref<4x128x128xf32, #tpu.memory_space<vmem>>, vector<16xf32>,
      tpu.vector_store %arg9[%swap3A_142, %swap3A_143, %swap3A_144], %broadcast_in_dim3A_140 {strides = array<i32>} : memref<4x128x128xf32, #tpu.memory_space<vmem>>, vector<16xf32>,
      %broadcast_in_dim3A_146 = arith.constant 0.000000e+00 : f32
      %broadcast_in_dim3A_147 = vector.broadcast %broadcast_in_dim3A_146 : f32 to vector<16xf32>
      %swap3A_148 = arith.constant 0 : i32
      %swap3A_149 = arith.index_cast %swap3A_148 : i32 to index
      %swap3A_150 = arith.index_cast %scan3A_105 : i32 to index
      %swap3A_151 = arith.constant 96 : index
      %swap3A_152 = tpu.vector_load %arg9[%swap3A_149, %swap3A_150, %swap3A_151] {strides = array<i32>} : memref<4x128x128xf32, #tpu.memory_space<vmem>>, vector<16xf32>,
      tpu.vector_store %arg9[%swap3A_149, %swap3A_150, %swap3A_151], %broadcast_in_dim3A_147 {strides = array<i32>} : memref<4x128x128xf32, #tpu.memory_space<vmem>>, vector<16xf32>,
      %broadcast_in_dim3A_153 = arith.constant 0.000000e+00 : f32
      %broadcast_in_dim3A_154 = vector.broadcast %broadcast_in_dim3A_153 : f32 to vector<16xf32>
      %swap3A_155 = arith.constant 0 : i32
      %swap3A_156 = arith.index_cast %swap3A_155 : i32 to index
      %swap3A_157 = arith.index_cast %scan3A_105 : i32 to index
      %swap3A_158 = arith.constant 112 : index
      %swap3A_159 = tpu.vector_load %arg9[%swap3A_156, %swap3A_157, %swap3A_158] {strides = array<i32>} : memref<4x128x128xf32, #tpu.memory_space<vmem>>, vector<16xf32>,
      tpu.vector_store %arg9[%swap3A_156, %swap3A_157, %swap3A_158], %broadcast_in_dim3A_154 {strides = array<i32>} : memref<4x128x128xf32, #tpu.memory_space<vmem>>, vector<16xf32>,
    }
    %scan3A_9 = arith.constant 128 : i32
    %run_scoped3A = arith.constant 0 : i32
    "tpu.region"() ({
      %run_scoped3A_105 = tpu.sem_alloc : memref<!tpu.dma_semaphore, #tpu.memory_space<semaphore_mem>>
      %dma_start3A = arith.constant 0 : i32
      %dma_start3A_106 = arith.constant 0 : i32
      %dma_start3A_107 = tpu.memref_slice %arg9[%run_scoped3A, %dma_start3A, %dma_start3A_106] : memref<4x128x128xf32, #tpu.memory_space<vmem>> -> memref<1x128x128xf32, #tpu.memory_space<vmem>>
      %dma_start3A_108 = tpu.memref_squeeze %dma_start3A_107 : memref<1x128x128xf32, #tpu.memory_space<vmem>> -> memref<128x128xf32, #tpu.memory_space<vmem>>
      %dma_start3A_109 = arith.constant 0 : i32
      %dma_start3A_110 = tpu.memref_slice %arg10[%mul3A_4, %dma_start3A_109] : memref<5248x128xf32, #tpu.memory_space<vmem_shared>> -> memref<128x128xf32, #tpu.memory_space<vmem_shared>>
      %dma_start3A_111 = arith.constant 0 : i32
      %dma_start3A_112 = tpu.memref_slice %arg10[%mul3A_4, %dma_start3A_111] : memref<5248x128xf32, #tpu.memory_space<vmem_shared>> -> memref<128x128xf32, #tpu.memory_space<vmem_shared>>
      %dma_start3A_113 = arith.constant 0 : i32
      %dma_start3A_114 = arith.constant 0 : i32
      %dma_start3A_115 = tpu.memref_slice %arg9[%run_scoped3A, %dma_start3A_113, %dma_start3A_114] : memref<4x128x128xf32, #tpu.memory_space<vmem>> -> memref<1x128x128xf32, #tpu.memory_space<vmem>>
      %dma_start3A_116 = tpu.memref_squeeze %dma_start3A_115 : memref<1x128x128xf32, #tpu.memory_space<vmem>> -> memref<128x128xf32, #tpu.memory_space<vmem>>
      tpu.enqueue_dma source(%dma_start3A_116 : memref<128x128xf32, #tpu.memory_space<vmem>>) target(%dma_start3A_112 : memref<128x128xf32, #tpu.memory_space<vmem_shared>>) target_semaphore(%run_scoped3A_105 : memref<!tpu.dma_semaphore, #tpu.memory_space<semaphore_mem>>)
      %dma_wait3A = arith.constant 0 : i32
      %dma_wait3A_117 = arith.constant 0 : i32
      %dma_wait3A_118 = tpu.memref_slice %arg9[%run_scoped3A, %dma_wait3A, %dma_wait3A_117] : memref<4x128x128xf32, #tpu.memory_space<vmem>> -> memref<1x128x128xf32, #tpu.memory_space<vmem>>
      %dma_wait3A_119 = tpu.memref_squeeze %dma_wait3A_118 : memref<1x128x128xf32, #tpu.memory_space<vmem>> -> memref<128x128xf32, #tpu.memory_space<vmem>>
      %dma_wait3A_120 = arith.constant 0 : i32
      %dma_wait3A_121 = tpu.memref_slice %arg10[%mul3A_4, %dma_wait3A_120] : memref<5248x128xf32, #tpu.memory_space<vmem_shared>> -> memref<128x128xf32, #tpu.memory_space<vmem_shared>>
      %dma_wait3A_122 = arith.constant 0 : i32
      %dma_wait3A_123 = tpu.memref_slice %arg10[%mul3A_4, %dma_wait3A_122] : memref<5248x128xf32, #tpu.memory_space<vmem_shared>> -> memref<128x128xf32, #tpu.memory_space<vmem_shared>>
      %dma_wait3A_124 = arith.constant 0 : i32
      %dma_wait3A_125 = arith.constant 0 : i32
      %dma_wait3A_126 = tpu.memref_slice %arg9[%run_scoped3A, %dma_wait3A_124, %dma_wait3A_125] : memref<4x128x128xf32, #tpu.memory_space<vmem>> -> memref<1x128x128xf32, #tpu.memory_space<vmem>>
      %dma_wait3A_127 = tpu.memref_squeeze %dma_wait3A_126 : memref<1x128x128xf32, #tpu.memory_space<vmem>> -> memref<128x128xf32, #tpu.memory_space<vmem>>
      tpu.wait_dma2 semaphore(%run_scoped3A_105 : memref<!tpu.dma_semaphore, #tpu.memory_space<semaphore_mem>>) src(%dma_wait3A_127 : memref<128x128xf32, #tpu.memory_space<vmem>>) dst(%dma_wait3A_123 : memref<128x128xf32, #tpu.memory_space<vmem_shared>>)
      tpu.yield
    }) : () -> ()
    %add3A_10 = arith.constant 128 : i32
    %add3A_11 = arith.addi %mul3A_4, %add3A_10 : i32
    %run_scoped3A_12 = arith.constant 0 : i32
    "tpu.region"() ({
      %run_scoped3A_105 = tpu.sem_alloc : memref<!tpu.dma_semaphore, #tpu.memory_space<semaphore_mem>>
      %dma_start3A = arith.constant 0 : i32
      %dma_start3A_106 = arith.constant 0 : i32
      %dma_start3A_107 = tpu.memref_slice %arg9[%run_scoped3A_12, %dma_start3A, %dma_start3A_106] : memref<4x128x128xf32, #tpu.memory_space<vmem>> -> memref<1x128x128xf32, #tpu.memory_space<vmem>>
      %dma_start3A_108 = tpu.memref_squeeze %dma_start3A_107 : memref<1x128x128xf32, #tpu.memory_space<vmem>> -> memref<128x128xf32, #tpu.memory_space<vmem>>
      %dma_start3A_109 = arith.constant 0 : i32
      %dma_start3A_110 = tpu.memref_slice %arg10[%add3A_11, %dma_start3A_109] : memref<5248x128xf32, #tpu.memory_space<vmem_shared>> -> memref<128x128xf32, #tpu.memory_space<vmem_shared>>
      %dma_start3A_111 = arith.constant 0 : i32
      %dma_start3A_112 = tpu.memref_slice %arg10[%add3A_11, %dma_start3A_111] : memref<5248x128xf32, #tpu.memory_space<vmem_shared>> -> memref<128x128xf32, #tpu.memory_space<vmem_shared>>
      %dma_start3A_113 = arith.constant 0 : i32
      %dma_start3A_114 = arith.constant 0 : i32
      %dma_start3A_115 = tpu.memref_slice %arg9[%run_scoped3A_12, %dma_start3A_113, %dma_start3A_114] : memref<4x128x128xf32, #tpu.memory_space<vmem>> -> memref<1x128x128xf32, #tpu.memory_space<vmem>>
      %dma_start3A_116 = tpu.memref_squeeze %dma_start3A_115 : memref<1x128x128xf32, #tpu.memory_space<vmem>> -> memref<128x128xf32, #tpu.memory_space<vmem>>
      tpu.enqueue_dma source(%dma_start3A_116 : memref<128x128xf32, #tpu.memory_space<vmem>>) target(%dma_start3A_112 : memref<128x128xf32, #tpu.memory_space<vmem_shared>>) target_semaphore(%run_scoped3A_105 : memref<!tpu.dma_semaphore, #tpu.memory_space<semaphore_mem>>)
      %dma_wait3A = arith.constant 0 : i32
      %dma_wait3A_117 = arith.constant 0 : i32
      %dma_wait3A_118 = tpu.memref_slice %arg9[%run_scoped3A_12, %dma_wait3A, %dma_wait3A_117] : memref<4x128x128xf32, #tpu.memory_space<vmem>> -> memref<1x128x128xf32, #tpu.memory_space<vmem>>
      %dma_wait3A_119 = tpu.memref_squeeze %dma_wait3A_118 : memref<1x128x128xf32, #tpu.memory_space<vmem>> -> memref<128x128xf32, #tpu.memory_space<vmem>>
      %dma_wait3A_120 = arith.constant 0 : i32
      %dma_wait3A_121 = tpu.memref_slice %arg10[%add3A_11, %dma_wait3A_120] : memref<5248x128xf32, #tpu.memory_space<vmem_shared>> -> memref<128x128xf32, #tpu.memory_space<vmem_shared>>
      %dma_wait3A_122 = arith.constant 0 : i32
      %dma_wait3A_123 = tpu.memref_slice %arg10[%add3A_11, %dma_wait3A_122] : memref<5248x128xf32, #tpu.memory_space<vmem_shared>> -> memref<128x128xf32, #tpu.memory_space<vmem_shared>>
      %dma_wait3A_124 = arith.constant 0 : i32
      %dma_wait3A_125 = arith.constant 0 : i32
      %dma_wait3A_126 = tpu.memref_slice %arg9[%run_scoped3A_12, %dma_wait3A_124, %dma_wait3A_125] : memref<4x128x128xf32, #tpu.memory_space<vmem>> -> memref<1x128x128xf32, #tpu.memory_space<vmem>>
      %dma_wait3A_127 = tpu.memref_squeeze %dma_wait3A_126 : memref<1x128x128xf32, #tpu.memory_space<vmem>> -> memref<128x128xf32, #tpu.memory_space<vmem>>
      tpu.wait_dma2 semaphore(%run_scoped3A_105 : memref<!tpu.dma_semaphore, #tpu.memory_space<semaphore_mem>>) src(%dma_wait3A_127 : memref<128x128xf32, #tpu.memory_space<vmem>>) dst(%dma_wait3A_123 : memref<128x128xf32, #tpu.memory_space<vmem_shared>>)
      tpu.yield
    }) : () -> ()
    %add3A_13 = arith.constant 256 : i32
    %add3A_14 = arith.addi %mul3A_4, %add3A_13 : i32
    %run_scoped3A_15 = arith.constant 0 : i32
    "tpu.region"() ({
      %run_scoped3A_105 = tpu.sem_alloc : memref<!tpu.dma_semaphore, #tpu.memory_space<semaphore_mem>>
      %dma_start3A = arith.constant 0 : i32
      %dma_start3A_106 = arith.constant 0 : i32
      %dma_start3A_107 = tpu.memref_slice %arg9[%run_scoped3A_15, %dma_start3A, %dma_start3A_106] : memref<4x128x128xf32, #tpu.memory_space<vmem>> -> memref<1x72x128xf32, #tpu.memory_space<vmem>>
      %dma_start3A_108 = tpu.memref_squeeze %dma_start3A_107 : memref<1x72x128xf32, #tpu.memory_space<vmem>> -> memref<72x128xf32, #tpu.memory_space<vmem>>
      %dma_start3A_109 = arith.constant 0 : i32
      %dma_start3A_110 = tpu.memref_slice %arg10[%add3A_14, %dma_start3A_109] : memref<5248x128xf32, #tpu.memory_space<vmem_shared>> -> memref<72x128xf32, #tpu.memory_space<vmem_shared>>
      %dma_start3A_111 = arith.constant 0 : i32
      %dma_start3A_112 = tpu.memref_slice %arg10[%add3A_14, %dma_start3A_111] : memref<5248x128xf32, #tpu.memory_space<vmem_shared>> -> memref<72x128xf32, #tpu.memory_space<vmem_shared>>
      %dma_start3A_113 = arith.constant 0 : i32
      %dma_start3A_114 = arith.constant 0 : i32
      %dma_start3A_115 = tpu.memref_slice %arg9[%run_scoped3A_15, %dma_start3A_113, %dma_start3A_114] : memref<4x128x128xf32, #tpu.memory_space<vmem>> -> memref<1x72x128xf32, #tpu.memory_space<vmem>>
      %dma_start3A_116 = tpu.memref_squeeze %dma_start3A_115 : memref<1x72x128xf32, #tpu.memory_space<vmem>> -> memref<72x128xf32, #tpu.memory_space<vmem>>
      tpu.enqueue_dma source(%dma_start3A_116 : memref<72x128xf32, #tpu.memory_space<vmem>>) target(%dma_start3A_112 : memref<72x128xf32, #tpu.memory_space<vmem_shared>>) target_semaphore(%run_scoped3A_105 : memref<!tpu.dma_semaphore, #tpu.memory_space<semaphore_mem>>)
      %dma_wait3A = arith.constant 0 : i32
      %dma_wait3A_117 = arith.constant 0 : i32
      %dma_wait3A_118 = tpu.memref_slice %arg9[%run_scoped3A_15, %dma_wait3A, %dma_wait3A_117] : memref<4x128x128xf32, #tpu.memory_space<vmem>> -> memref<1x72x128xf32, #tpu.memory_space<vmem>>
      %dma_wait3A_119 = tpu.memref_squeeze %dma_wait3A_118 : memref<1x72x128xf32, #tpu.memory_space<vmem>> -> memref<72x128xf32, #tpu.memory_space<vmem>>
      %dma_wait3A_120 = arith.constant 0 : i32
      %dma_wait3A_121 = tpu.memref_slice %arg10[%add3A_14, %dma_wait3A_120] : memref<5248x128xf32, #tpu.memory_space<vmem_shared>> -> memref<72x128xf32, #tpu.memory_space<vmem_shared>>
      %dma_wait3A_122 = arith.constant 0 : i32
      %dma_wait3A_123 = tpu.memref_slice %arg10[%add3A_14, %dma_wait3A_122] : memref<5248x128xf32, #tpu.memory_space<vmem_shared>> -> memref<72x128xf32, #tpu.memory_space<vmem_shared>>
      %dma_wait3A_124 = arith.constant 0 : i32
      %dma_wait3A_125 = arith.constant 0 : i32
      %dma_wait3A_126 = tpu.memref_slice %arg9[%run_scoped3A_15, %dma_wait3A_124, %dma_wait3A_125] : memref<4x128x128xf32, #tpu.memory_space<vmem>> -> memref<1x72x128xf32, #tpu.memory_space<vmem>>
      %dma_wait3A_127 = tpu.memref_squeeze %dma_wait3A_126 : memref<1x72x128xf32, #tpu.memory_space<vmem>> -> memref<72x128xf32, #tpu.memory_space<vmem>>
      tpu.wait_dma2 semaphore(%run_scoped3A_105 : memref<!tpu.dma_semaphore, #tpu.memory_space<semaphore_mem>>) src(%dma_wait3A_127 : memref<72x128xf32, #tpu.memory_space<vmem>>) dst(%dma_wait3A_123 : memref<72x128xf32, #tpu.memory_space<vmem_shared>>)
      tpu.yield
    }) : () -> ()
    %get3A = arith.constant 0 : index
    %get3A_16 = tpu.vector_load %arg6[%get3A] {strides = array<i32>} : memref<512xi32, #tpu.memory_space<vmem>>, vector<16xi32>,
    %slice3A = vector.extract_strided_slice %get3A_16 {offsets = [0], sizes = [1], strides = [1]} : vector<16xi32> to vector<1xi32>
    %squeeze3A = vector.extract %slice3A[0] : i32 from vector<1xi32>
    %get3A_17 = arith.constant 320 : index
    %get3A_18 = tpu.vector_load %arg6[%get3A_17] {strides = array<i32>} : memref<512xi32, #tpu.memory_space<vmem>>, vector<16xi32>,
    %slice3A_19 = vector.extract_strided_slice %get3A_18 {offsets = [0], sizes = [1], strides = [1]} : vector<16xi32> to vector<1xi32>
    %squeeze3A_20 = vector.extract %slice3A_19[0] : i32 from vector<1xi32>
    %and3A = arith.constant -8 : i32
    %and3A_21 = arith.andi %squeeze3A, %and3A : i32
    %sub3A = arith.subi %squeeze3A_20, %and3A_21 : i32
    %add3A_22 = arith.constant 127 : i32
    %add3A_23 = arith.addi %sub3A, %add3A_22 : i32
    %jit3A = arith.constant 128 : i32
    %div3A = arith.divsi %add3A_23, %jit3A : i32
    %sign3A = arith.constant 0 : i32
    %sign3A_24 = arith.cmpi sgt, %add3A_23, %sign3A : i32
    %sign3A_25 = arith.extui %sign3A_24 : i1 to i32
    %sign3A_26 = arith.constant 0 : i32
    %sign3A_27 = arith.cmpi slt, %add3A_23, %sign3A_26 : i32
    %sign3A_28 = arith.extui %sign3A_27 : i1 to i32
    %sign3A_29 = arith.subi %sign3A_25, %sign3A_28 : i32
    %sign3A_30 = arith.constant 0 : i32
    %sign3A_31 = arith.cmpi sgt, %jit3A, %sign3A_30 : i32
    %sign3A_32 = arith.extui %sign3A_31 : i1 to i32
    %sign3A_33 = arith.constant 0 : i32
    %sign3A_34 = arith.cmpi slt, %jit3A, %sign3A_33 : i32
    %sign3A_35 = arith.extui %sign3A_34 : i1 to i32
    %sign3A_36 = arith.subi %sign3A_32, %sign3A_35 : i32
    %ne3A = arith.cmpi ne, %sign3A_29, %sign3A_36 : i32
    %rem3A = arith.remsi %add3A_23, %jit3A : i32
    %ne3A_37 = arith.constant 0 : i32
    %ne3A_38 = arith.cmpi ne, %rem3A, %ne3A_37 : i32
    %and3A_39 = arith.andi %ne3A, %ne3A_38 : i1
    %sub3A_40 = arith.constant 1 : i32
    %sub3A_41 = arith.subi %div3A, %sub3A_40 : i32
    %select_n3A = arith.select %and3A_39, %sub3A_41, %div3A : i32
    %iota3A = tpu.iota {dimensions = array<i32: 0>} : vector<16xi32>
    %gt3A = arith.constant 0 : i32
    %gt3A_42 = arith.cmpi sgt, %select_n3A, %gt3A : i32
    %convert_element_type3A = arith.extui %gt3A_42 : i1 to i32
    %cond3A = arith.constant 0 : i32
    %cond3A_43 = arith.cmpi ne, %convert_element_type3A, %cond3A : i32
    scf.if %cond3A_43 {
      %add3A_105 = arith.constant 0 : i32
      %add3A_106 = arith.addi %and3A_21, %add3A_105 : i32
      %multiple_of3A = tpu.assume_multiple %add3A_106, 8 : i32
      %dma_start3A = arith.constant 0 : i32
      %dma_start3A_107 = arith.constant 0 : i32
      %dma_start3A_108 = arith.constant 0 : i32
      %dma_start3A_109 = tpu.memref_slice %arg7[%dma_start3A, %dma_start3A_108] : memref<6x128xi32, #tpu.memory_space<vmem>> -> memref<1x128xi32, #tpu.memory_space<vmem>>
      %dma_start3A_110 = tpu.memref_squeeze %dma_start3A_109 : memref<1x128xi32, #tpu.memory_space<vmem>> -> memref<128xi32, #tpu.memory_space<vmem>>
      %dma_start3A_111 = tpu.memref_slice %arg3[%multiple_of3A] : memref<320128xi32, #tpu.memory_space<hbm>> -> memref<128xi32, #tpu.memory_space<hbm>>
      %dma_start3A_112 = tpu.memref_slice %arg12[%dma_start3A_107] : memref<6x!tpu.dma_semaphore, #tpu.memory_space<semaphore_mem>> -> memref<1x!tpu.dma_semaphore, #tpu.memory_space<semaphore_mem>>
      %dma_start3A_113 = tpu.memref_squeeze %dma_start3A_112 : memref<1x!tpu.dma_semaphore, #tpu.memory_space<semaphore_mem>> -> memref<!tpu.dma_semaphore, #tpu.memory_space<semaphore_mem>>
      %dma_start3A_114 = arith.constant 0 : i32
      %dma_start3A_115 = tpu.memref_slice %arg7[%dma_start3A, %dma_start3A_114] : memref<6x128xi32, #tpu.memory_space<vmem>> -> memref<1x128xi32, #tpu.memory_space<vmem>>
      %dma_start3A_116 = tpu.memref_squeeze %dma_start3A_115 : memref<1x128xi32, #tpu.memory_space<vmem>> -> memref<128xi32, #tpu.memory_space<vmem>>
      %dma_start3A_117 = tpu.memref_slice %arg3[%multiple_of3A] : memref<320128xi32, #tpu.memory_space<hbm>> -> memref<128xi32, #tpu.memory_space<hbm>>
      tpu.enqueue_dma source(%dma_start3A_117 : memref<128xi32, #tpu.memory_space<hbm>>) target(%dma_start3A_116 : memref<128xi32, #tpu.memory_space<vmem>>) target_semaphore(%dma_start3A_113 : memref<!tpu.dma_semaphore, #tpu.memory_space<semaphore_mem>>)
    } else {
    }
    %gt3A_44 = arith.constant 1 : i32
    %gt3A_45 = arith.cmpi sgt, %select_n3A, %gt3A_44 : i32
    %convert_element_type3A_46 = arith.extui %gt3A_45 : i1 to i32
    %cond3A_47 = arith.constant 0 : i32
    %cond3A_48 = arith.cmpi ne, %convert_element_type3A_46, %cond3A_47 : i32
    scf.if %cond3A_48 {
      %add3A_105 = arith.constant 128 : i32
      %add3A_106 = arith.addi %and3A_21, %add3A_105 : i32
      %multiple_of3A = tpu.assume_multiple %add3A_106, 8 : i32
      %dma_start3A = arith.constant 1 : i32
      %dma_start3A_107 = arith.constant 1 : i32
      %dma_start3A_108 = arith.constant 0 : i32
      %dma_start3A_109 = tpu.memref_slice %arg7[%dma_start3A, %dma_start3A_108] : memref<6x128xi32, #tpu.memory_space<vmem>> -> memref<1x128xi32, #tpu.memory_space<vmem>>
      %dma_start3A_110 = tpu.memref_squeeze %dma_start3A_109 : memref<1x128xi32, #tpu.memory_space<vmem>> -> memref<128xi32, #tpu.memory_space<vmem>>
      %dma_start3A_111 = tpu.memref_slice %arg3[%multiple_of3A] : memref<320128xi32, #tpu.memory_space<hbm>> -> memref<128xi32, #tpu.memory_space<hbm>>
      %dma_start3A_112 = tpu.memref_slice %arg12[%dma_start3A_107] : memref<6x!tpu.dma_semaphore, #tpu.memory_space<semaphore_mem>> -> memref<1x!tpu.dma_semaphore, #tpu.memory_space<semaphore_mem>>
      %dma_start3A_113 = tpu.memref_squeeze %dma_start3A_112 : memref<1x!tpu.dma_semaphore, #tpu.memory_space<semaphore_mem>> -> memref<!tpu.dma_semaphore, #tpu.memory_space<semaphore_mem>>
      %dma_start3A_114 = arith.constant 0 : i32
      %dma_start3A_115 = tpu.memref_slice %arg7[%dma_start3A, %dma_start3A_114] : memref<6x128xi32, #tpu.memory_space<vmem>> -> memref<1x128xi32, #tpu.memory_space<vmem>>
      %dma_start3A_116 = tpu.memref_squeeze %dma_start3A_115 : memref<1x128xi32, #tpu.memory_space<vmem>> -> memref<128xi32, #tpu.memory_space<vmem>>
      %dma_start3A_117 = tpu.memref_slice %arg3[%multiple_of3A] : memref<320128xi32, #tpu.memory_space<hbm>> -> memref<128xi32, #tpu.memory_space<hbm>>
      tpu.enqueue_dma source(%dma_start3A_117 : memref<128xi32, #tpu.memory_space<hbm>>) target(%dma_start3A_116 : memref<128xi32, #tpu.memory_space<vmem>>) target_semaphore(%dma_start3A_113 : memref<!tpu.dma_semaphore, #tpu.memory_space<semaphore_mem>>)
    } else {
    }
    %gt3A_49 = arith.constant 2 : i32
    %gt3A_50 = arith.cmpi sgt, %select_n3A, %gt3A_49 : i32
    %convert_element_type3A_51 = arith.extui %gt3A_50 : i1 to i32
    %cond3A_52 = arith.constant 0 : i32
    %cond3A_53 = arith.cmpi ne, %convert_element_type3A_51, %cond3A_52 : i32
    scf.if %cond3A_53 {
      %add3A_105 = arith.constant 256 : i32
      %add3A_106 = arith.addi %and3A_21, %add3A_105 : i32
      %multiple_of3A = tpu.assume_multiple %add3A_106, 8 : i32
      %dma_start3A = arith.constant 2 : i32
      %dma_start3A_107 = arith.constant 2 : i32
      %dma_start3A_108 = arith.constant 0 : i32
      %dma_start3A_109 = tpu.memref_slice %arg7[%dma_start3A, %dma_start3A_108] : memref<6x128xi32, #tpu.memory_space<vmem>> -> memref<1x128xi32, #tpu.memory_space<vmem>>
      %dma_start3A_110 = tpu.memref_squeeze %dma_start3A_109 : memref<1x128xi32, #tpu.memory_space<vmem>> -> memref<128xi32, #tpu.memory_space<vmem>>
      %dma_start3A_111 = tpu.memref_slice %arg3[%multiple_of3A] : memref<320128xi32, #tpu.memory_space<hbm>> -> memref<128xi32, #tpu.memory_space<hbm>>
      %dma_start3A_112 = tpu.memref_slice %arg12[%dma_start3A_107] : memref<6x!tpu.dma_semaphore, #tpu.memory_space<semaphore_mem>> -> memref<1x!tpu.dma_semaphore, #tpu.memory_space<semaphore_mem>>
      %dma_start3A_113 = tpu.memref_squeeze %dma_start3A_112 : memref<1x!tpu.dma_semaphore, #tpu.memory_space<semaphore_mem>> -> memref<!tpu.dma_semaphore, #tpu.memory_space<semaphore_mem>>
      %dma_start3A_114 = arith.constant 0 : i32
      %dma_start3A_115 = tpu.memref_slice %arg7[%dma_start3A, %dma_start3A_114] : memref<6x128xi32, #tpu.memory_space<vmem>> -> memref<1x128xi32, #tpu.memory_space<vmem>>
      %dma_start3A_116 = tpu.memref_squeeze %dma_start3A_115 : memref<1x128xi32, #tpu.memory_space<vmem>> -> memref<128xi32, #tpu.memory_space<vmem>>
      %dma_start3A_117 = tpu.memref_slice %arg3[%multiple_of3A] : memref<320128xi32, #tpu.memory_space<hbm>> -> memref<128xi32, #tpu.memory_space<hbm>>
      tpu.enqueue_dma source(%dma_start3A_117 : memref<128xi32, #tpu.memory_space<hbm>>) target(%dma_start3A_116 : memref<128xi32, #tpu.memory_space<vmem>>) target_semaphore(%dma_start3A_113 : memref<!tpu.dma_semaphore, #tpu.memory_space<semaphore_mem>>)
    } else {
    }
    %gt3A_54 = arith.constant 3 : i32
    %gt3A_55 = arith.cmpi sgt, %select_n3A, %gt3A_54 : i32
    %convert_element_type3A_56 = arith.extui %gt3A_55 : i1 to i32
    %cond3A_57 = arith.constant 0 : i32
    %cond3A_58 = arith.cmpi ne, %convert_element_type3A_56, %cond3A_57 : i32
    scf.if %cond3A_58 {
      %add3A_105 = arith.constant 384 : i32
      %add3A_106 = arith.addi %and3A_21, %add3A_105 : i32
      %multiple_of3A = tpu.assume_multiple %add3A_106, 8 : i32
      %dma_start3A = arith.constant 3 : i32
      %dma_start3A_107 = arith.constant 3 : i32
      %dma_start3A_108 = arith.constant 0 : i32
      %dma_start3A_109 = tpu.memref_slice %arg7[%dma_start3A, %dma_start3A_108] : memref<6x128xi32, #tpu.memory_space<vmem>> -> memref<1x128xi32, #tpu.memory_space<vmem>>
      %dma_start3A_110 = tpu.memref_squeeze %dma_start3A_109 : memref<1x128xi32, #tpu.memory_space<vmem>> -> memref<128xi32, #tpu.memory_space<vmem>>
      %dma_start3A_111 = tpu.memref_slice %arg3[%multiple_of3A] : memref<320128xi32, #tpu.memory_space<hbm>> -> memref<128xi32, #tpu.memory_space<hbm>>
      %dma_start3A_112 = tpu.memref_slice %arg12[%dma_start3A_107] : memref<6x!tpu.dma_semaphore, #tpu.memory_space<semaphore_mem>> -> memref<1x!tpu.dma_semaphore, #tpu.memory_space<semaphore_mem>>
      %dma_start3A_113 = tpu.memref_squeeze %dma_start3A_112 : memref<1x!tpu.dma_semaphore, #tpu.memory_space<semaphore_mem>> -> memref<!tpu.dma_semaphore, #tpu.memory_space<semaphore_mem>>
      %dma_start3A_114 = arith.constant 0 : i32
      %dma_start3A_115 = tpu.memref_slice %arg7[%dma_start3A, %dma_start3A_114] : memref<6x128xi32, #tpu.memory_space<vmem>> -> memref<1x128xi32, #tpu.memory_space<vmem>>
      %dma_start3A_116 = tpu.memref_squeeze %dma_start3A_115 : memref<1x128xi32, #tpu.memory_space<vmem>> -> memref<128xi32, #tpu.memory_space<vmem>>
      %dma_start3A_117 = tpu.memref_slice %arg3[%multiple_of3A] : memref<320128xi32, #tpu.memory_space<hbm>> -> memref<128xi32, #tpu.memory_space<hbm>>
      tpu.enqueue_dma source(%dma_start3A_117 : memref<128xi32, #tpu.memory_space<hbm>>) target(%dma_start3A_116 : memref<128xi32, #tpu.memory_space<vmem>>) target_semaphore(%dma_start3A_113 : memref<!tpu.dma_semaphore, #tpu.memory_space<semaphore_mem>>)
    } else {
    }
    %gt3A_59 = arith.constant 4 : i32
    %gt3A_60 = arith.cmpi sgt, %select_n3A, %gt3A_59 : i32
    %convert_element_type3A_61 = arith.extui %gt3A_60 : i1 to i32
    %cond3A_62 = arith.constant 0 : i32
    %cond3A_63 = arith.cmpi ne, %convert_element_type3A_61, %cond3A_62 : i32
    scf.if %cond3A_63 {
      %add3A_105 = arith.constant 512 : i32
      %add3A_106 = arith.addi %and3A_21, %add3A_105 : i32
      %multiple_of3A = tpu.assume_multiple %add3A_106, 8 : i32
      %dma_start3A = arith.constant 4 : i32
      %dma_start3A_107 = arith.constant 4 : i32
      %dma_start3A_108 = arith.constant 0 : i32
      %dma_start3A_109 = tpu.memref_slice %arg7[%dma_start3A, %dma_start3A_108] : memref<6x128xi32, #tpu.memory_space<vmem>> -> memref<1x128xi32, #tpu.memory_space<vmem>>
      %dma_start3A_110 = tpu.memref_squeeze %dma_start3A_109 : memref<1x128xi32, #tpu.memory_space<vmem>> -> memref<128xi32, #tpu.memory_space<vmem>>
      %dma_start3A_111 = tpu.memref_slice %arg3[%multiple_of3A] : memref<320128xi32, #tpu.memory_space<hbm>> -> memref<128xi32, #tpu.memory_space<hbm>>
      %dma_start3A_112 = tpu.memref_slice %arg12[%dma_start3A_107] : memref<6x!tpu.dma_semaphore, #tpu.memory_space<semaphore_mem>> -> memref<1x!tpu.dma_semaphore, #tpu.memory_space<semaphore_mem>>
      %dma_start3A_113 = tpu.memref_squeeze %dma_start3A_112 : memref<1x!tpu.dma_semaphore, #tpu.memory_space<semaphore_mem>> -> memref<!tpu.dma_semaphore, #tpu.memory_space<semaphore_mem>>
      %dma_start3A_114 = arith.constant 0 : i32
      %dma_start3A_115 = tpu.memref_slice %arg7[%dma_start3A, %dma_start3A_114] : memref<6x128xi32, #tpu.memory_space<vmem>> -> memref<1x128xi32, #tpu.memory_space<vmem>>
      %dma_start3A_116 = tpu.memref_squeeze %dma_start3A_115 : memref<1x128xi32, #tpu.memory_space<vmem>> -> memref<128xi32, #tpu.memory_space<vmem>>
      %dma_start3A_117 = tpu.memref_slice %arg3[%multiple_of3A] : memref<320128xi32, #tpu.memory_space<hbm>> -> memref<128xi32, #tpu.memory_space<hbm>>
      tpu.enqueue_dma source(%dma_start3A_117 : memref<128xi32, #tpu.memory_space<hbm>>) target(%dma_start3A_116 : memref<128xi32, #tpu.memory_space<vmem>>) target_semaphore(%dma_start3A_113 : memref<!tpu.dma_semaphore, #tpu.memory_space<semaphore_mem>>)
    } else {
    }
    %gt3A_64 = arith.constant 5 : i32
    %gt3A_65 = arith.cmpi sgt, %select_n3A, %gt3A_64 : i32
    %convert_element_type3A_66 = arith.extui %gt3A_65 : i1 to i32
    %cond3A_67 = arith.constant 0 : i32
    %cond3A_68 = arith.cmpi ne, %convert_element_type3A_66, %cond3A_67 : i32
    scf.if %cond3A_68 {
      %add3A_105 = arith.constant 640 : i32
      %add3A_106 = arith.addi %and3A_21, %add3A_105 : i32
      %multiple_of3A = tpu.assume_multiple %add3A_106, 8 : i32
      %dma_start3A = arith.constant 5 : i32
      %dma_start3A_107 = arith.constant 5 : i32
      %dma_start3A_108 = arith.constant 0 : i32
      %dma_start3A_109 = tpu.memref_slice %arg7[%dma_start3A, %dma_start3A_108] : memref<6x128xi32, #tpu.memory_space<vmem>> -> memref<1x128xi32, #tpu.memory_space<vmem>>
      %dma_start3A_110 = tpu.memref_squeeze %dma_start3A_109 : memref<1x128xi32, #tpu.memory_space<vmem>> -> memref<128xi32, #tpu.memory_space<vmem>>
      %dma_start3A_111 = tpu.memref_slice %arg3[%multiple_of3A] : memref<320128xi32, #tpu.memory_space<hbm>> -> memref<128xi32, #tpu.memory_space<hbm>>
      %dma_start3A_112 = tpu.memref_slice %arg12[%dma_start3A_107] : memref<6x!tpu.dma_semaphore, #tpu.memory_space<semaphore_mem>> -> memref<1x!tpu.dma_semaphore, #tpu.memory_space<semaphore_mem>>
      %dma_start3A_113 = tpu.memref_squeeze %dma_start3A_112 : memref<1x!tpu.dma_semaphore, #tpu.memory_space<semaphore_mem>> -> memref<!tpu.dma_semaphore, #tpu.memory_space<semaphore_mem>>
      %dma_start3A_114 = arith.constant 0 : i32
      %dma_start3A_115 = tpu.memref_slice %arg7[%dma_start3A, %dma_start3A_114] : memref<6x128xi32, #tpu.memory_space<vmem>> -> memref<1x128xi32, #tpu.memory_space<vmem>>
      %dma_start3A_116 = tpu.memref_squeeze %dma_start3A_115 : memref<1x128xi32, #tpu.memory_space<vmem>> -> memref<128xi32, #tpu.memory_space<vmem>>
      %dma_start3A_117 = tpu.memref_slice %arg3[%multiple_of3A] : memref<320128xi32, #tpu.memory_space<hbm>> -> memref<128xi32, #tpu.memory_space<hbm>>
      tpu.enqueue_dma source(%dma_start3A_117 : memref<128xi32, #tpu.memory_space<hbm>>) target(%dma_start3A_116 : memref<128xi32, #tpu.memory_space<vmem>>) target_semaphore(%dma_start3A_113 : memref<!tpu.dma_semaphore, #tpu.memory_space<semaphore_mem>>)
    } else {
    }
    %gt3A_69 = arith.constant 0 : i32
    %gt3A_70 = arith.cmpi sgt, %select_n3A, %gt3A_69 : i32
    %convert_element_type3A_71 = arith.extui %gt3A_70 : i1 to i32
    %cond3A_72 = arith.constant 0 : i32
    %cond3A_73 = arith.cmpi ne, %convert_element_type3A_71, %cond3A_72 : i32
    scf.if %cond3A_73 {
      %add3A_105 = arith.constant 0 : i32
      %add3A_106 = arith.addi %and3A_21, %add3A_105 : i32
      %multiple_of3A = tpu.assume_multiple %add3A_106, 8 : i32
      %dma_wait3A = arith.constant 0 : i32
      %dma_wait3A_107 = arith.constant 0 : i32
      %dma_wait3A_108 = arith.constant 0 : i32
      %dma_wait3A_109 = tpu.memref_slice %arg7[%dma_wait3A, %dma_wait3A_108] : memref<6x128xi32, #tpu.memory_space<vmem>> -> memref<1x128xi32, #tpu.memory_space<vmem>>
      %dma_wait3A_110 = tpu.memref_squeeze %dma_wait3A_109 : memref<1x128xi32, #tpu.memory_space<vmem>> -> memref<128xi32, #tpu.memory_space<vmem>>
      %dma_wait3A_111 = tpu.memref_slice %arg3[%multiple_of3A] : memref<320128xi32, #tpu.memory_space<hbm>> -> memref<128xi32, #tpu.memory_space<hbm>>
      %dma_wait3A_112 = tpu.memref_slice %arg12[%dma_wait3A_107] : memref<6x!tpu.dma_semaphore, #tpu.memory_space<semaphore_mem>> -> memref<1x!tpu.dma_semaphore, #tpu.memory_space<semaphore_mem>>
      %dma_wait3A_113 = tpu.memref_squeeze %dma_wait3A_112 : memref<1x!tpu.dma_semaphore, #tpu.memory_space<semaphore_mem>> -> memref<!tpu.dma_semaphore, #tpu.memory_space<semaphore_mem>>
      %dma_wait3A_114 = arith.constant 0 : i32
      %dma_wait3A_115 = tpu.memref_slice %arg7[%dma_wait3A, %dma_wait3A_114] : memref<6x128xi32, #tpu.memory_space<vmem>> -> memref<1x128xi32, #tpu.memory_space<vmem>>
      %dma_wait3A_116 = tpu.memref_squeeze %dma_wait3A_115 : memref<1x128xi32, #tpu.memory_space<vmem>> -> memref<128xi32, #tpu.memory_space<vmem>>
      %dma_wait3A_117 = tpu.memref_slice %arg3[%multiple_of3A] : memref<320128xi32, #tpu.memory_space<hbm>> -> memref<128xi32, #tpu.memory_space<hbm>>
      tpu.wait_dma2 semaphore(%dma_wait3A_113 : memref<!tpu.dma_semaphore, #tpu.memory_space<semaphore_mem>>) src(%dma_wait3A_117 : memref<128xi32, #tpu.memory_space<hbm>>) dst(%dma_wait3A_116 : memref<128xi32, #tpu.memory_space<vmem>>)
      %dma_start3A = arith.constant 0 : i32
      %dma_start3A_118 = arith.constant 0 : i32
      %dma_start3A_119 = arith.constant 0 : i32
      %dma_start3A_120 = arith.constant 0 : i32
      %dma_start3A_121 = arith.constant 0 : i32
      %dma_start3A_122 = tpu.memref_slice %arg9[%dma_start3A_118, %dma_start3A_120, %dma_start3A_121] : memref<4x128x128xf32, #tpu.memory_space<vmem>> -> memref<1x128x128xf32, #tpu.memory_space<vmem>>
      %dma_start3A_123 = tpu.memref_squeeze %dma_start3A_122 : memref<1x128x128xf32, #tpu.memory_space<vmem>> -> memref<128x128xf32, #tpu.memory_space<vmem>>
      %dma_start3A_124 = arith.constant 0 : i32
      %dma_start3A_125 = tpu.memref_slice %arg7[%dma_start3A, %dma_start3A_124] : memref<6x128xi32, #tpu.memory_space<vmem>> -> memref<1x128xi32, #tpu.memory_space<vmem>>
      %dma_start3A_126 = tpu.memref_squeeze %dma_start3A_125 : memref<1x128xi32, #tpu.memory_space<vmem>> -> memref<128xi32, #tpu.memory_space<vmem>>
      %dma_start3A_127 = arith.constant 0 : i32
      %dma_start3A_128 = arith.constant 0 : i32
      %dma_start3A_129 = tpu.memref_slice %arg2[%dma_start3A_127, %dma_start3A_128] : memref<10000x128xf32, #tpu.memory_space<hbm>> -> memref<10000x128xf32, #tpu.memory_space<hbm>>
      %dma_start3A_130 = tpu.memref_slice %arg11[%dma_start3A_119] : memref<4x!tpu.dma_semaphore, #tpu.memory_space<semaphore_mem>> -> memref<1x!tpu.dma_semaphore, #tpu.memory_space<semaphore_mem>>
      %dma_start3A_131 = tpu.memref_squeeze %dma_start3A_130 : memref<1x!tpu.dma_semaphore, #tpu.memory_space<semaphore_mem>> -> memref<!tpu.dma_semaphore, #tpu.memory_space<semaphore_mem>>
      tpu.enqueue_indirect_dma source(%dma_start3A_129 : memref<10000x128xf32, #tpu.memory_space<hbm>>) target(%dma_start3A_123 : memref<128x128xf32, #tpu.memory_space<vmem>>) offsets(%dma_start3A_126 : memref<128xi32, #tpu.memory_space<vmem>>) semaphore(%dma_start3A_131 : memref<!tpu.dma_semaphore, #tpu.memory_space<semaphore_mem>>)
    } else {
    }
    %gt3A_74 = arith.constant 1 : i32
    %gt3A_75 = arith.cmpi sgt, %select_n3A, %gt3A_74 : i32
    %convert_element_type3A_76 = arith.extui %gt3A_75 : i1 to i32
    %cond3A_77 = arith.constant 0 : i32
    %cond3A_78 = arith.cmpi ne, %convert_element_type3A_76, %cond3A_77 : i32
    scf.if %cond3A_78 {
      %add3A_105 = arith.constant 128 : i32
      %add3A_106 = arith.addi %and3A_21, %add3A_105 : i32
      %multiple_of3A = tpu.assume_multiple %add3A_106, 8 : i32
      %dma_wait3A = arith.constant 1 : i32
      %dma_wait3A_107 = arith.constant 1 : i32
      %dma_wait3A_108 = arith.constant 0 : i32
      %dma_wait3A_109 = tpu.memref_slice %arg7[%dma_wait3A, %dma_wait3A_108] : memref<6x128xi32, #tpu.memory_space<vmem>> -> memref<1x128xi32, #tpu.memory_space<vmem>>
      %dma_wait3A_110 = tpu.memref_squeeze %dma_wait3A_109 : memref<1x128xi32, #tpu.memory_space<vmem>> -> memref<128xi32, #tpu.memory_space<vmem>>
      %dma_wait3A_111 = tpu.memref_slice %arg3[%multiple_of3A] : memref<320128xi32, #tpu.memory_space<hbm>> -> memref<128xi32, #tpu.memory_space<hbm>>
      %dma_wait3A_112 = tpu.memref_slice %arg12[%dma_wait3A_107] : memref<6x!tpu.dma_semaphore, #tpu.memory_space<semaphore_mem>> -> memref<1x!tpu.dma_semaphore, #tpu.memory_space<semaphore_mem>>
      %dma_wait3A_113 = tpu.memref_squeeze %dma_wait3A_112 : memref<1x!tpu.dma_semaphore, #tpu.memory_space<semaphore_mem>> -> memref<!tpu.dma_semaphore, #tpu.memory_space<semaphore_mem>>
      %dma_wait3A_114 = arith.constant 0 : i32
      %dma_wait3A_115 = tpu.memref_slice %arg7[%dma_wait3A, %dma_wait3A_114] : memref<6x128xi32, #tpu.memory_space<vmem>> -> memref<1x128xi32, #tpu.memory_space<vmem>>
      %dma_wait3A_116 = tpu.memref_squeeze %dma_wait3A_115 : memref<1x128xi32, #tpu.memory_space<vmem>> -> memref<128xi32, #tpu.memory_space<vmem>>
      %dma_wait3A_117 = tpu.memref_slice %arg3[%multiple_of3A] : memref<320128xi32, #tpu.memory_space<hbm>> -> memref<128xi32, #tpu.memory_space<hbm>>
      tpu.wait_dma2 semaphore(%dma_wait3A_113 : memref<!tpu.dma_semaphore, #tpu.memory_space<semaphore_mem>>) src(%dma_wait3A_117 : memref<128xi32, #tpu.memory_space<hbm>>) dst(%dma_wait3A_116 : memref<128xi32, #tpu.memory_space<vmem>>)
      %dma_start3A = arith.constant 1 : i32
      %dma_start3A_118 = arith.constant 1 : i32
      %dma_start3A_119 = arith.constant 1 : i32
      %dma_start3A_120 = arith.constant 0 : i32
      %dma_start3A_121 = arith.constant 0 : i32
      %dma_start3A_122 = tpu.memref_slice %arg9[%dma_start3A_118, %dma_start3A_120, %dma_start3A_121] : memref<4x128x128xf32, #tpu.memory_space<vmem>> -> memref<1x128x128xf32, #tpu.memory_space<vmem>>
      %dma_start3A_123 = tpu.memref_squeeze %dma_start3A_122 : memref<1x128x128xf32, #tpu.memory_space<vmem>> -> memref<128x128xf32, #tpu.memory_space<vmem>>
      %dma_start3A_124 = arith.constant 0 : i32
      %dma_start3A_125 = tpu.memref_slice %arg7[%dma_start3A, %dma_start3A_124] : memref<6x128xi32, #tpu.memory_space<vmem>> -> memref<1x128xi32, #tpu.memory_space<vmem>>
      %dma_start3A_126 = tpu.memref_squeeze %dma_start3A_125 : memref<1x128xi32, #tpu.memory_space<vmem>> -> memref<128xi32, #tpu.memory_space<vmem>>
      %dma_start3A_127 = arith.constant 0 : i32
      %dma_start3A_128 = arith.constant 0 : i32
      %dma_start3A_129 = tpu.memref_slice %arg2[%dma_start3A_127, %dma_start3A_128] : memref<10000x128xf32, #tpu.memory_space<hbm>> -> memref<10000x128xf32, #tpu.memory_space<hbm>>
      %dma_start3A_130 = tpu.memref_slice %arg11[%dma_start3A_119] : memref<4x!tpu.dma_semaphore, #tpu.memory_space<semaphore_mem>> -> memref<1x!tpu.dma_semaphore, #tpu.memory_space<semaphore_mem>>
      %dma_start3A_131 = tpu.memref_squeeze %dma_start3A_130 : memref<1x!tpu.dma_semaphore, #tpu.memory_space<semaphore_mem>> -> memref<!tpu.dma_semaphore, #tpu.memory_space<semaphore_mem>>
      tpu.enqueue_indirect_dma source(%dma_start3A_129 : memref<10000x128xf32, #tpu.memory_space<hbm>>) target(%dma_start3A_123 : memref<128x128xf32, #tpu.memory_space<vmem>>) offsets(%dma_start3A_126 : memref<128xi32, #tpu.memory_space<vmem>>) semaphore(%dma_start3A_131 : memref<!tpu.dma_semaphore, #tpu.memory_space<semaphore_mem>>)
    } else {
    }
    %gt3A_79 = arith.constant 2 : i32
    %gt3A_80 = arith.cmpi sgt, %select_n3A, %gt3A_79 : i32
    %convert_element_type3A_81 = arith.extui %gt3A_80 : i1 to i32
    %cond3A_82 = arith.constant 0 : i32
    %cond3A_83 = arith.cmpi ne, %convert_element_type3A_81, %cond3A_82 : i32
    scf.if %cond3A_83 {
      %add3A_105 = arith.constant 256 : i32
      %add3A_106 = arith.addi %and3A_21, %add3A_105 : i32
      %multiple_of3A = tpu.assume_multiple %add3A_106, 8 : i32
      %dma_wait3A = arith.constant 2 : i32
      %dma_wait3A_107 = arith.constant 2 : i32
      %dma_wait3A_108 = arith.constant 0 : i32
      %dma_wait3A_109 = tpu.memref_slice %arg7[%dma_wait3A, %dma_wait3A_108] : memref<6x128xi32, #tpu.memory_space<vmem>> -> memref<1x128xi32, #tpu.memory_space<vmem>>
      %dma_wait3A_110 = tpu.memref_squeeze %dma_wait3A_109 : memref<1x128xi32, #tpu.memory_space<vmem>> -> memref<128xi32, #tpu.memory_space<vmem>>
      %dma_wait3A_111 = tpu.memref_slice %arg3[%multiple_of3A] : memref<320128xi32, #tpu.memory_space<hbm>> -> memref<128xi32, #tpu.memory_space<hbm>>
      %dma_wait3A_112 = tpu.memref_slice %arg12[%dma_wait3A_107] : memref<6x!tpu.dma_semaphore, #tpu.memory_space<semaphore_mem>> -> memref<1x!tpu.dma_semaphore, #tpu.memory_space<semaphore_mem>>
      %dma_wait3A_113 = tpu.memref_squeeze %dma_wait3A_112 : memref<1x!tpu.dma_semaphore, #tpu.memory_space<semaphore_mem>> -> memref<!tpu.dma_semaphore, #tpu.memory_space<semaphore_mem>>
      %dma_wait3A_114 = arith.constant 0 : i32
      %dma_wait3A_115 = tpu.memref_slice %arg7[%dma_wait3A, %dma_wait3A_114] : memref<6x128xi32, #tpu.memory_space<vmem>> -> memref<1x128xi32, #tpu.memory_space<vmem>>
      %dma_wait3A_116 = tpu.memref_squeeze %dma_wait3A_115 : memref<1x128xi32, #tpu.memory_space<vmem>> -> memref<128xi32, #tpu.memory_space<vmem>>
      %dma_wait3A_117 = tpu.memref_slice %arg3[%multiple_of3A] : memref<320128xi32, #tpu.memory_space<hbm>> -> memref<128xi32, #tpu.memory_space<hbm>>
      tpu.wait_dma2 semaphore(%dma_wait3A_113 : memref<!tpu.dma_semaphore, #tpu.memory_space<semaphore_mem>>) src(%dma_wait3A_117 : memref<128xi32, #tpu.memory_space<hbm>>) dst(%dma_wait3A_116 : memref<128xi32, #tpu.memory_space<vmem>>)
      %dma_start3A = arith.constant 2 : i32
      %dma_start3A_118 = arith.constant 2 : i32
      %dma_start3A_119 = arith.constant 2 : i32
      %dma_start3A_120 = arith.constant 0 : i32
      %dma_start3A_121 = arith.constant 0 : i32
      %dma_start3A_122 = tpu.memref_slice %arg9[%dma_start3A_118, %dma_start3A_120, %dma_start3A_121] : memref<4x128x128xf32, #tpu.memory_space<vmem>> -> memref<1x128x128xf32, #tpu.memory_space<vmem>>
      %dma_start3A_123 = tpu.memref_squeeze %dma_start3A_122 : memref<1x128x128xf32, #tpu.memory_space<vmem>> -> memref<128x128xf32, #tpu.memory_space<vmem>>
      %dma_start3A_124 = arith.constant 0 : i32
      %dma_start3A_125 = tpu.memref_slice %arg7[%dma_start3A, %dma_start3A_124] : memref<6x128xi32, #tpu.memory_space<vmem>> -> memref<1x128xi32, #tpu.memory_space<vmem>>
      %dma_start3A_126 = tpu.memref_squeeze %dma_start3A_125 : memref<1x128xi32, #tpu.memory_space<vmem>> -> memref<128xi32, #tpu.memory_space<vmem>>
      %dma_start3A_127 = arith.constant 0 : i32
      %dma_start3A_128 = arith.constant 0 : i32
      %dma_start3A_129 = tpu.memref_slice %arg2[%dma_start3A_127, %dma_start3A_128] : memref<10000x128xf32, #tpu.memory_space<hbm>> -> memref<10000x128xf32, #tpu.memory_space<hbm>>
      %dma_start3A_130 = tpu.memref_slice %arg11[%dma_start3A_119] : memref<4x!tpu.dma_semaphore, #tpu.memory_space<semaphore_mem>> -> memref<1x!tpu.dma_semaphore, #tpu.memory_space<semaphore_mem>>
      %dma_start3A_131 = tpu.memref_squeeze %dma_start3A_130 : memref<1x!tpu.dma_semaphore, #tpu.memory_space<semaphore_mem>> -> memref<!tpu.dma_semaphore, #tpu.memory_space<semaphore_mem>>
      tpu.enqueue_indirect_dma source(%dma_start3A_129 : memref<10000x128xf32, #tpu.memory_space<hbm>>) target(%dma_start3A_123 : memref<128x128xf32, #tpu.memory_space<vmem>>) offsets(%dma_start3A_126 : memref<128xi32, #tpu.memory_space<vmem>>) semaphore(%dma_start3A_131 : memref<!tpu.dma_semaphore, #tpu.memory_space<semaphore_mem>>)
    } else {
    }
    %while3A = arith.constant 0 : i32
    %while3A_84 = arith.constant 0 : i32
    %while3A_85 = arith.subi %select_n3A, %while3A_84 : i32
    %while3A_86 = arith.addi %while3A_84, %while3A_85 : i32
    %while3A_87 = arith.constant 1 : i32
    %while3A_88 = arith.divsi %while3A_85, %while3A_87 : i32
    %while3A_89 = arith.muli %while3A_88, %while3A_87 : i32
    %while3A_90 = arith.addi %while3A_84, %while3A_89 : i32
    %while3A_91 = arith.constant 1 : i32
    scf.for %while3A_105 = %while3A_84 to %while3A_90 step %while3A_91  : i32 {
      %rem3A_106 = arith.constant 4 : i32
      %rem3A_107 = arith.remsi %while3A_105, %rem3A_106 : i32
      %rem3A_108 = arith.constant 6 : i32
      %rem3A_109 = arith.remsi %while3A_105, %rem3A_108 : i32
      %dma_wait3A = arith.constant 0 : i32
      %dma_wait3A_110 = arith.constant 0 : i32
      %dma_wait3A_111 = tpu.memref_slice %arg9[%rem3A_107, %dma_wait3A, %dma_wait3A_110] : memref<4x128x128xf32, #tpu.memory_space<vmem>> -> memref<1x128x128xf32, #tpu.memory_space<vmem>>
      %dma_wait3A_112 = tpu.memref_squeeze %dma_wait3A_111 : memref<1x128x128xf32, #tpu.memory_space<vmem>> -> memref<128x128xf32, #tpu.memory_space<vmem>>
      %dma_wait3A_113 = arith.constant 0 : i32
      %dma_wait3A_114 = tpu.memref_slice %arg7[%rem3A_109, %dma_wait3A_113] : memref<6x128xi32, #tpu.memory_space<vmem>> -> memref<1x128xi32, #tpu.memory_space<vmem>>
      %dma_wait3A_115 = tpu.memref_squeeze %dma_wait3A_114 : memref<1x128xi32, #tpu.memory_space<vmem>> -> memref<128xi32, #tpu.memory_space<vmem>>
      %dma_wait3A_116 = arith.constant 0 : i32
      %dma_wait3A_117 = arith.constant 0 : i32
      %dma_wait3A_118 = tpu.memref_slice %arg2[%dma_wait3A_116, %dma_wait3A_117] : memref<10000x128xf32, #tpu.memory_space<hbm>> -> memref<10000x128xf32, #tpu.memory_space<hbm>>
      %dma_wait3A_119 = tpu.memref_slice %arg11[%rem3A_107] : memref<4x!tpu.dma_semaphore, #tpu.memory_space<semaphore_mem>> -> memref<1x!tpu.dma_semaphore, #tpu.memory_space<semaphore_mem>>
      %dma_wait3A_120 = tpu.memref_squeeze %dma_wait3A_119 : memref<1x!tpu.dma_semaphore, #tpu.memory_space<semaphore_mem>> -> memref<!tpu.dma_semaphore, #tpu.memory_space<semaphore_mem>>
      tpu.wait_indirect_dma semaphore(%dma_wait3A_120 : memref<!tpu.dma_semaphore, #tpu.memory_space<semaphore_mem>>) src(%dma_wait3A_118 : memref<10000x128xf32, #tpu.memory_space<hbm>>) dst(%dma_wait3A_112 : memref<128x128xf32, #tpu.memory_space<vmem>>)
      %mul3A_121 = arith.constant 128 : i32
      %mul3A_122 = arith.muli %while3A_105, %mul3A_121 : i32
      %add3A_123 = arith.addi %and3A_21, %mul3A_122 : i32
      %add3A_124 = arith.constant 0 : i32
      %add3A_125 = arith.addi %add3A_123, %add3A_124 : i32
      %add3A_126 = vector.broadcast %add3A_125 : i32 to vector<16xi32>
      %add3A_127 = arith.addi %add3A_126, %iota3A : vector<16xi32>
      %broadcast_in_dim3A = arith.constant 0 : i32
      %broadcast_in_dim3A_128 = vector.broadcast %broadcast_in_dim3A : i32 to vector<16xi32>
      %add3A_129 = arith.constant 256 : i32
      %add3A_130 = vector.broadcast %add3A_129 : i32 to vector<16xi32>
      %add3A_131 = arith.addi %broadcast_in_dim3A_128, %add3A_130 : vector<16xi32>
      %gather3A = tpu.vector_load_idx %arg6[%add3A_131] : memref<512xi32, #tpu.memory_space<vmem>>[vector<16xi32>], vector<16xi32>,
      %le3A = arith.cmpi sle, %gather3A, %add3A_127 : vector<16xi32>
      %select_n3A_132 = arith.select %le3A, %add3A_131, %broadcast_in_dim3A_128 : vector<16xi1>, vector<16xi32>
      %add3A_133 = arith.constant 128 : i32
      %add3A_134 = vector.broadcast %add3A_133 : i32 to vector<16xi32>
      %add3A_135 = arith.addi %select_n3A_132, %add3A_134 : vector<16xi32>
      %gather3A_136 = tpu.vector_load_idx %arg6[%add3A_135] : memref<512xi32, #tpu.memory_space<vmem>>[vector<16xi32>], vector<16xi32>,
      %le3A_137 = arith.cmpi sle, %gather3A_136, %add3A_127 : vector<16xi32>
      %select_n3A_138 = arith.select %le3A_137, %add3A_135, %select_n3A_132 : vector<16xi1>, vector<16xi32>
      %add3A_139 = arith.constant 64 : i32
      %add3A_140 = vector.broadcast %add3A_139 : i32 to vector<16xi32>
      %add3A_141 = arith.addi %select_n3A_138, %add3A_140 : vector<16xi32>
      %gather3A_142 = tpu.vector_load_idx %arg6[%add3A_141] : memref<512xi32, #tpu.memory_space<vmem>>[vector<16xi32>], vector<16xi32>,
      %le3A_143 = arith.cmpi sle, %gather3A_142, %add3A_127 : vector<16xi32>
      %select_n3A_144 = arith.select %le3A_143, %add3A_141, %select_n3A_138 : vector<16xi1>, vector<16xi32>
      %add3A_145 = arith.constant 32 : i32
      %add3A_146 = vector.broadcast %add3A_145 : i32 to vector<16xi32>
      %add3A_147 = arith.addi %select_n3A_144, %add3A_146 : vector<16xi32>
      %gather3A_148 = tpu.vector_load_idx %arg6[%add3A_147] : memref<512xi32, #tpu.memory_space<vmem>>[vector<16xi32>], vector<16xi32>,
      %le3A_149 = arith.cmpi sle, %gather3A_148, %add3A_127 : vector<16xi32>
      %select_n3A_150 = arith.select %le3A_149, %add3A_147, %select_n3A_144 : vector<16xi1>, vector<16xi32>
      %add3A_151 = arith.constant 16 : i32
      %add3A_152 = vector.broadcast %add3A_151 : i32 to vector<16xi32>
      %add3A_153 = arith.addi %select_n3A_150, %add3A_152 : vector<16xi32>
      %gather3A_154 = tpu.vector_load_idx %arg6[%add3A_153] : memref<512xi32, #tpu.memory_space<vmem>>[vector<16xi32>], vector<16xi32>,
      %le3A_155 = arith.cmpi sle, %gather3A_154, %add3A_127 : vector<16xi32>
      %select_n3A_156 = arith.select %le3A_155, %add3A_153, %select_n3A_150 : vector<16xi1>, vector<16xi32>
      %add3A_157 = arith.constant 8 : i32
      %add3A_158 = vector.broadcast %add3A_157 : i32 to vector<16xi32>
      %add3A_159 = arith.addi %select_n3A_156, %add3A_158 : vector<16xi32>
      %gather3A_160 = tpu.vector_load_idx %arg6[%add3A_159] : memref<512xi32, #tpu.memory_space<vmem>>[vector<16xi32>], vector<16xi32>,
      %le3A_161 = arith.cmpi sle, %gather3A_160, %add3A_127 : vector<16xi32>
      %select_n3A_162 = arith.select %le3A_161, %add3A_159, %select_n3A_156 : vector<16xi1>, vector<16xi32>
      %add3A_163 = arith.constant 4 : i32
      %add3A_164 = vector.broadcast %add3A_163 : i32 to vector<16xi32>
      %add3A_165 = arith.addi %select_n3A_162, %add3A_164 : vector<16xi32>
      %gather3A_166 = tpu.vector_load_idx %arg6[%add3A_165] : memref<512xi32, #tpu.memory_space<vmem>>[vector<16xi32>], vector<16xi32>,
      %le3A_167 = arith.cmpi sle, %gather3A_166, %add3A_127 : vector<16xi32>
      %select_n3A_168 = arith.select %le3A_167, %add3A_165, %select_n3A_162 : vector<16xi1>, vector<16xi32>
      %add3A_169 = arith.constant 2 : i32
      %add3A_170 = vector.broadcast %add3A_169 : i32 to vector<16xi32>
      %add3A_171 = arith.addi %select_n3A_168, %add3A_170 : vector<16xi32>
      %gather3A_172 = tpu.vector_load_idx %arg6[%add3A_171] : memref<512xi32, #tpu.memory_space<vmem>>[vector<16xi32>], vector<16xi32>,
      %le3A_173 = arith.cmpi sle, %gather3A_172, %add3A_127 : vector<16xi32>
      %select_n3A_174 = arith.select %le3A_173, %add3A_171, %select_n3A_168 : vector<16xi1>, vector<16xi32>
      %add3A_175 = arith.constant 1 : i32
      %add3A_176 = vector.broadcast %add3A_175 : i32 to vector<16xi32>
      %add3A_177 = arith.addi %select_n3A_174, %add3A_176 : vector<16xi32>
      %gather3A_178 = tpu.vector_load_idx %arg6[%add3A_177] : memref<512xi32, #tpu.memory_space<vmem>>[vector<16xi32>], vector<16xi32>,
      %le3A_179 = arith.cmpi sle, %gather3A_178, %add3A_127 : vector<16xi32>
      %select_n3A_180 = arith.select %le3A_179, %add3A_177, %select_n3A_174 : vector<16xi1>, vector<16xi32>
      %ge3A_181 = vector.broadcast %squeeze3A : i32 to vector<16xi32>
      %ge3A_182 = arith.cmpi sge, %add3A_127, %ge3A_181 : vector<16xi32>
      %lt3A_183 = vector.broadcast %squeeze3A_20 : i32 to vector<16xi32>
      %lt3A_184 = arith.cmpi slt, %add3A_127, %lt3A_183 : vector<16xi32>
      %and3A_185 = arith.andi %ge3A_182, %lt3A_184 : vector<16xi1>
      %jit3A_186 = arith.constant 320 : i32
      %broadcast_in_dim3A_187 = vector.broadcast %jit3A_186 : i32 to vector<16xi32>
      %select_n3A_188 = arith.select %and3A_185, %select_n3A_180, %broadcast_in_dim3A_187 : vector<16xi1>, vector<16xi32>
      %add3A_189 = vector.broadcast %mul3A_4 : i32 to vector<16xi32>
      %add3A_190 = arith.addi %add3A_189, %select_n3A_188 : vector<16xi32>
      %swap3A = arith.index_cast %rem3A_107 : i32 to index
      %swap3A_191 = arith.constant 0 : index
      %swap3A_192 = tpu.vector_load %arg8[%swap3A, %swap3A_191] {strides = array<i32>} : memref<4x128xi32, #tpu.memory_space<vmem>>, vector<16xi32>,
      tpu.vector_store %arg8[%swap3A, %swap3A_191], %add3A_190 {strides = array<i32>} : memref<4x128xi32, #tpu.memory_space<vmem>>, vector<16xi32>,
      %add3A_193 = arith.constant 16 : i32
      %add3A_194 = arith.addi %add3A_123, %add3A_193 : i32
      %add3A_195 = vector.broadcast %add3A_194 : i32 to vector<16xi32>
      %add3A_196 = arith.addi %add3A_195, %iota3A : vector<16xi32>
      %broadcast_in_dim3A_197 = arith.constant 0 : i32
      %broadcast_in_dim3A_198 = vector.broadcast %broadcast_in_dim3A_197 : i32 to vector<16xi32>
      %add3A_199 = arith.constant 256 : i32
      %add3A_200 = vector.broadcast %add3A_199 : i32 to vector<16xi32>
      %add3A_201 = arith.addi %broadcast_in_dim3A_198, %add3A_200 : vector<16xi32>
      %gather3A_202 = tpu.vector_load_idx %arg6[%add3A_201] : memref<512xi32, #tpu.memory_space<vmem>>[vector<16xi32>], vector<16xi32>,
      %le3A_203 = arith.cmpi sle, %gather3A_202, %add3A_196 : vector<16xi32>
      %select_n3A_204 = arith.select %le3A_203, %add3A_201, %broadcast_in_dim3A_198 : vector<16xi1>, vector<16xi32>
      %add3A_205 = arith.constant 128 : i32
      %add3A_206 = vector.broadcast %add3A_205 : i32 to vector<16xi32>
      %add3A_207 = arith.addi %select_n3A_204, %add3A_206 : vector<16xi32>
      %gather3A_208 = tpu.vector_load_idx %arg6[%add3A_207] : memref<512xi32, #tpu.memory_space<vmem>>[vector<16xi32>], vector<16xi32>,
      %le3A_209 = arith.cmpi sle, %gather3A_208, %add3A_196 : vector<16xi32>
      %select_n3A_210 = arith.select %le3A_209, %add3A_207, %select_n3A_204 : vector<16xi1>, vector<16xi32>
      %add3A_211 = arith.constant 64 : i32
      %add3A_212 = vector.broadcast %add3A_211 : i32 to vector<16xi32>
      %add3A_213 = arith.addi %select_n3A_210, %add3A_212 : vector<16xi32>
      %gather3A_214 = tpu.vector_load_idx %arg6[%add3A_213] : memref<512xi32, #tpu.memory_space<vmem>>[vector<16xi32>], vector<16xi32>,
      %le3A_215 = arith.cmpi sle, %gather3A_214, %add3A_196 : vector<16xi32>
      %select_n3A_216 = arith.select %le3A_215, %add3A_213, %select_n3A_210 : vector<16xi1>, vector<16xi32>
      %add3A_217 = arith.constant 32 : i32
      %add3A_218 = vector.broadcast %add3A_217 : i32 to vector<16xi32>
      %add3A_219 = arith.addi %select_n3A_216, %add3A_218 : vector<16xi32>
      %gather3A_220 = tpu.vector_load_idx %arg6[%add3A_219] : memref<512xi32, #tpu.memory_space<vmem>>[vector<16xi32>], vector<16xi32>,
      %le3A_221 = arith.cmpi sle, %gather3A_220, %add3A_196 : vector<16xi32>
      %select_n3A_222 = arith.select %le3A_221, %add3A_219, %select_n3A_216 : vector<16xi1>, vector<16xi32>
      %add3A_223 = arith.constant 16 : i32
      %add3A_224 = vector.broadcast %add3A_223 : i32 to vector<16xi32>
      %add3A_225 = arith.addi %select_n3A_222, %add3A_224 : vector<16xi32>
      %gather3A_226 = tpu.vector_load_idx %arg6[%add3A_225] : memref<512xi32, #tpu.memory_space<vmem>>[vector<16xi32>], vector<16xi32>,
      %le3A_227 = arith.cmpi sle, %gather3A_226, %add3A_196 : vector<16xi32>
      %select_n3A_228 = arith.select %le3A_227, %add3A_225, %select_n3A_222 : vector<16xi1>, vector<16xi32>
      %add3A_229 = arith.constant 8 : i32
      %add3A_230 = vector.broadcast %add3A_229 : i32 to vector<16xi32>
      %add3A_231 = arith.addi %select_n3A_228, %add3A_230 : vector<16xi32>
      %gather3A_232 = tpu.vector_load_idx %arg6[%add3A_231] : memref<512xi32, #tpu.memory_space<vmem>>[vector<16xi32>], vector<16xi32>,
      %le3A_233 = arith.cmpi sle, %gather3A_232, %add3A_196 : vector<16xi32>
      %select_n3A_234 = arith.select %le3A_233, %add3A_231, %select_n3A_228 : vector<16xi1>, vector<16xi32>
      %add3A_235 = arith.constant 4 : i32
      %add3A_236 = vector.broadcast %add3A_235 : i32 to vector<16xi32>
      %add3A_237 = arith.addi %select_n3A_234, %add3A_236 : vector<16xi32>
      %gather3A_238 = tpu.vector_load_idx %arg6[%add3A_237] : memref<512xi32, #tpu.memory_space<vmem>>[vector<16xi32>], vector<16xi32>,
      %le3A_239 = arith.cmpi sle, %gather3A_238, %add3A_196 : vector<16xi32>
      %select_n3A_240 = arith.select %le3A_239, %add3A_237, %select_n3A_234 : vector<16xi1>, vector<16xi32>
      %add3A_241 = arith.constant 2 : i32
      %add3A_242 = vector.broadcast %add3A_241 : i32 to vector<16xi32>
      %add3A_243 = arith.addi %select_n3A_240, %add3A_242 : vector<16xi32>
      %gather3A_244 = tpu.vector_load_idx %arg6[%add3A_243] : memref<512xi32, #tpu.memory_space<vmem>>[vector<16xi32>], vector<16xi32>,
      %le3A_245 = arith.cmpi sle, %gather3A_244, %add3A_196 : vector<16xi32>
      %select_n3A_246 = arith.select %le3A_245, %add3A_243, %select_n3A_240 : vector<16xi1>, vector<16xi32>
      %add3A_247 = arith.constant 1 : i32
      %add3A_248 = vector.broadcast %add3A_247 : i32 to vector<16xi32>
      %add3A_249 = arith.addi %select_n3A_246, %add3A_248 : vector<16xi32>
      %gather3A_250 = tpu.vector_load_idx %arg6[%add3A_249] : memref<512xi32, #tpu.memory_space<vmem>>[vector<16xi32>], vector<16xi32>,
      %le3A_251 = arith.cmpi sle, %gather3A_250, %add3A_196 : vector<16xi32>
      %select_n3A_252 = arith.select %le3A_251, %add3A_249, %select_n3A_246 : vector<16xi1>, vector<16xi32>
      %ge3A_253 = vector.broadcast %squeeze3A : i32 to vector<16xi32>
      %ge3A_254 = arith.cmpi sge, %add3A_196, %ge3A_253 : vector<16xi32>
      %lt3A_255 = vector.broadcast %squeeze3A_20 : i32 to vector<16xi32>
      %lt3A_256 = arith.cmpi slt, %add3A_196, %lt3A_255 : vector<16xi32>
      %and3A_257 = arith.andi %ge3A_254, %lt3A_256 : vector<16xi1>
      %jit3A_258 = arith.constant 320 : i32
      %broadcast_in_dim3A_259 = vector.broadcast %jit3A_258 : i32 to vector<16xi32>
      %select_n3A_260 = arith.select %and3A_257, %select_n3A_252, %broadcast_in_dim3A_259 : vector<16xi1>, vector<16xi32>
      %add3A_261 = vector.broadcast %mul3A_4 : i32 to vector<16xi32>
      %add3A_262 = arith.addi %add3A_261, %select_n3A_260 : vector<16xi32>
      %swap3A_263 = arith.index_cast %rem3A_107 : i32 to index
      %swap3A_264 = arith.constant 16 : index
      %swap3A_265 = tpu.vector_load %arg8[%swap3A_263, %swap3A_264] {strides = array<i32>} : memref<4x128xi32, #tpu.memory_space<vmem>>, vector<16xi32>,
      tpu.vector_store %arg8[%swap3A_263, %swap3A_264], %add3A_262 {strides = array<i32>} : memref<4x128xi32, #tpu.memory_space<vmem>>, vector<16xi32>,
      %add3A_266 = arith.constant 32 : i32
      %add3A_267 = arith.addi %add3A_123, %add3A_266 : i32
      %add3A_268 = vector.broadcast %add3A_267 : i32 to vector<16xi32>
      %add3A_269 = arith.addi %add3A_268, %iota3A : vector<16xi32>
      %broadcast_in_dim3A_270 = arith.constant 0 : i32
      %broadcast_in_dim3A_271 = vector.broadcast %broadcast_in_dim3A_270 : i32 to vector<16xi32>
      %add3A_272 = arith.constant 256 : i32
      %add3A_273 = vector.broadcast %add3A_272 : i32 to vector<16xi32>
      %add3A_274 = arith.addi %broadcast_in_dim3A_271, %add3A_273 : vector<16xi32>
      %gather3A_275 = tpu.vector_load_idx %arg6[%add3A_274] : memref<512xi32, #tpu.memory_space<vmem>>[vector<16xi32>], vector<16xi32>,
      %le3A_276 = arith.cmpi sle, %gather3A_275, %add3A_269 : vector<16xi32>
      %select_n3A_277 = arith.select %le3A_276, %add3A_274, %broadcast_in_dim3A_271 : vector<16xi1>, vector<16xi32>
      %add3A_278 = arith.constant 128 : i32
      %add3A_279 = vector.broadcast %add3A_278 : i32 to vector<16xi32>
      %add3A_280 = arith.addi %select_n3A_277, %add3A_279 : vector<16xi32>
      %gather3A_281 = tpu.vector_load_idx %arg6[%add3A_280] : memref<512xi32, #tpu.memory_space<vmem>>[vector<16xi32>], vector<16xi32>,
      %le3A_282 = arith.cmpi sle, %gather3A_281, %add3A_269 : vector<16xi32>
      %select_n3A_283 = arith.select %le3A_282, %add3A_280, %select_n3A_277 : vector<16xi1>, vector<16xi32>
      %add3A_284 = arith.constant 64 : i32
      %add3A_285 = vector.broadcast %add3A_284 : i32 to vector<16xi32>
      %add3A_286 = arith.addi %select_n3A_283, %add3A_285 : vector<16xi32>
      %gather3A_287 = tpu.vector_load_idx %arg6[%add3A_286] : memref<512xi32, #tpu.memory_space<vmem>>[vector<16xi32>], vector<16xi32>,
      %le3A_288 = arith.cmpi sle, %gather3A_287, %add3A_269 : vector<16xi32>
      %select_n3A_289 = arith.select %le3A_288, %add3A_286, %select_n3A_283 : vector<16xi1>, vector<16xi32>
      %add3A_290 = arith.constant 32 : i32
      %add3A_291 = vector.broadcast %add3A_290 : i32 to vector<16xi32>
      %add3A_292 = arith.addi %select_n3A_289, %add3A_291 : vector<16xi32>
      %gather3A_293 = tpu.vector_load_idx %arg6[%add3A_292] : memref<512xi32, #tpu.memory_space<vmem>>[vector<16xi32>], vector<16xi32>,
      %le3A_294 = arith.cmpi sle, %gather3A_293, %add3A_269 : vector<16xi32>
      %select_n3A_295 = arith.select %le3A_294, %add3A_292, %select_n3A_289 : vector<16xi1>, vector<16xi32>
      %add3A_296 = arith.constant 16 : i32
      %add3A_297 = vector.broadcast %add3A_296 : i32 to vector<16xi32>
      %add3A_298 = arith.addi %select_n3A_295, %add3A_297 : vector<16xi32>
      %gather3A_299 = tpu.vector_load_idx %arg6[%add3A_298] : memref<512xi32, #tpu.memory_space<vmem>>[vector<16xi32>], vector<16xi32>,
      %le3A_300 = arith.cmpi sle, %gather3A_299, %add3A_269 : vector<16xi32>
      %select_n3A_301 = arith.select %le3A_300, %add3A_298, %select_n3A_295 : vector<16xi1>, vector<16xi32>
      %add3A_302 = arith.constant 8 : i32
      %add3A_303 = vector.broadcast %add3A_302 : i32 to vector<16xi32>
      %add3A_304 = arith.addi %select_n3A_301, %add3A_303 : vector<16xi32>
      %gather3A_305 = tpu.vector_load_idx %arg6[%add3A_304] : memref<512xi32, #tpu.memory_space<vmem>>[vector<16xi32>], vector<16xi32>,
      %le3A_306 = arith.cmpi sle, %gather3A_305, %add3A_269 : vector<16xi32>
      %select_n3A_307 = arith.select %le3A_306, %add3A_304, %select_n3A_301 : vector<16xi1>, vector<16xi32>
      %add3A_308 = arith.constant 4 : i32
      %add3A_309 = vector.broadcast %add3A_308 : i32 to vector<16xi32>
      %add3A_310 = arith.addi %select_n3A_307, %add3A_309 : vector<16xi32>
      %gather3A_311 = tpu.vector_load_idx %arg6[%add3A_310] : memref<512xi32, #tpu.memory_space<vmem>>[vector<16xi32>], vector<16xi32>,
      %le3A_312 = arith.cmpi sle, %gather3A_311, %add3A_269 : vector<16xi32>
      %select_n3A_313 = arith.select %le3A_312, %add3A_310, %select_n3A_307 : vector<16xi1>, vector<16xi32>
      %add3A_314 = arith.constant 2 : i32
      %add3A_315 = vector.broadcast %add3A_314 : i32 to vector<16xi32>
      %add3A_316 = arith.addi %select_n3A_313, %add3A_315 : vector<16xi32>
      %gather3A_317 = tpu.vector_load_idx %arg6[%add3A_316] : memref<512xi32, #tpu.memory_space<vmem>>[vector<16xi32>], vector<16xi32>,
      %le3A_318 = arith.cmpi sle, %gather3A_317, %add3A_269 : vector<16xi32>
      %select_n3A_319 = arith.select %le3A_318, %add3A_316, %select_n3A_313 : vector<16xi1>, vector<16xi32>
      %add3A_320 = arith.constant 1 : i32
      %add3A_321 = vector.broadcast %add3A_320 : i32 to vector<16xi32>
      %add3A_322 = arith.addi %select_n3A_319, %add3A_321 : vector<16xi32>
      %gather3A_323 = tpu.vector_load_idx %arg6[%add3A_322] : memref<512xi32, #tpu.memory_space<vmem>>[vector<16xi32>], vector<16xi32>,
      %le3A_324 = arith.cmpi sle, %gather3A_323, %add3A_269 : vector<16xi32>
      %select_n3A_325 = arith.select %le3A_324, %add3A_322, %select_n3A_319 : vector<16xi1>, vector<16xi32>
      %ge3A_326 = vector.broadcast %squeeze3A : i32 to vector<16xi32>
      %ge3A_327 = arith.cmpi sge, %add3A_269, %ge3A_326 : vector<16xi32>
      %lt3A_328 = vector.broadcast %squeeze3A_20 : i32 to vector<16xi32>
      %lt3A_329 = arith.cmpi slt, %add3A_269, %lt3A_328 : vector<16xi32>
      %and3A_330 = arith.andi %ge3A_327, %lt3A_329 : vector<16xi1>
      %jit3A_331 = arith.constant 320 : i32
      %broadcast_in_dim3A_332 = vector.broadcast %jit3A_331 : i32 to vector<16xi32>
      %select_n3A_333 = arith.select %and3A_330, %select_n3A_325, %broadcast_in_dim3A_332 : vector<16xi1>, vector<16xi32>
      %add3A_334 = vector.broadcast %mul3A_4 : i32 to vector<16xi32>
      %add3A_335 = arith.addi %add3A_334, %select_n3A_333 : vector<16xi32>
      %swap3A_336 = arith.index_cast %rem3A_107 : i32 to index
      %swap3A_337 = arith.constant 32 : index
      %swap3A_338 = tpu.vector_load %arg8[%swap3A_336, %swap3A_337] {strides = array<i32>} : memref<4x128xi32, #tpu.memory_space<vmem>>, vector<16xi32>,
      tpu.vector_store %arg8[%swap3A_336, %swap3A_337], %add3A_335 {strides = array<i32>} : memref<4x128xi32, #tpu.memory_space<vmem>>, vector<16xi32>,
      %add3A_339 = arith.constant 48 : i32
      %add3A_340 = arith.addi %add3A_123, %add3A_339 : i32
      %add3A_341 = vector.broadcast %add3A_340 : i32 to vector<16xi32>
      %add3A_342 = arith.addi %add3A_341, %iota3A : vector<16xi32>
      %broadcast_in_dim3A_343 = arith.constant 0 : i32
      %broadcast_in_dim3A_344 = vector.broadcast %broadcast_in_dim3A_343 : i32 to vector<16xi32>
      %add3A_345 = arith.constant 256 : i32
      %add3A_346 = vector.broadcast %add3A_345 : i32 to vector<16xi32>
      %add3A_347 = arith.addi %broadcast_in_dim3A_344, %add3A_346 : vector<16xi32>
      %gather3A_348 = tpu.vector_load_idx %arg6[%add3A_347] : memref<512xi32, #tpu.memory_space<vmem>>[vector<16xi32>], vector<16xi32>,
      %le3A_349 = arith.cmpi sle, %gather3A_348, %add3A_342 : vector<16xi32>
      %select_n3A_350 = arith.select %le3A_349, %add3A_347, %broadcast_in_dim3A_344 : vector<16xi1>, vector<16xi32>
      %add3A_351 = arith.constant 128 : i32
      %add3A_352 = vector.broadcast %add3A_351 : i32 to vector<16xi32>
      %add3A_353 = arith.addi %select_n3A_350, %add3A_352 : vector<16xi32>
      %gather3A_354 = tpu.vector_load_idx %arg6[%add3A_353] : memref<512xi32, #tpu.memory_space<vmem>>[vector<16xi32>], vector<16xi32>,
      %le3A_355 = arith.cmpi sle, %gather3A_354, %add3A_342 : vector<16xi32>
      %select_n3A_356 = arith.select %le3A_355, %add3A_353, %select_n3A_350 : vector<16xi1>, vector<16xi32>
      %add3A_357 = arith.constant 64 : i32
      %add3A_358 = vector.broadcast %add3A_357 : i32 to vector<16xi32>
      %add3A_359 = arith.addi %select_n3A_356, %add3A_358 : vector<16xi32>
      %gather3A_360 = tpu.vector_load_idx %arg6[%add3A_359] : memref<512xi32, #tpu.memory_space<vmem>>[vector<16xi32>], vector<16xi32>,
      %le3A_361 = arith.cmpi sle, %gather3A_360, %add3A_342 : vector<16xi32>
      %select_n3A_362 = arith.select %le3A_361, %add3A_359, %select_n3A_356 : vector<16xi1>, vector<16xi32>
      %add3A_363 = arith.constant 32 : i32
      %add3A_364 = vector.broadcast %add3A_363 : i32 to vector<16xi32>
      %add3A_365 = arith.addi %select_n3A_362, %add3A_364 : vector<16xi32>
      %gather3A_366 = tpu.vector_load_idx %arg6[%add3A_365] : memref<512xi32, #tpu.memory_space<vmem>>[vector<16xi32>], vector<16xi32>,
      %le3A_367 = arith.cmpi sle, %gather3A_366, %add3A_342 : vector<16xi32>
      %select_n3A_368 = arith.select %le3A_367, %add3A_365, %select_n3A_362 : vector<16xi1>, vector<16xi32>
      %add3A_369 = arith.constant 16 : i32
      %add3A_370 = vector.broadcast %add3A_369 : i32 to vector<16xi32>
      %add3A_371 = arith.addi %select_n3A_368, %add3A_370 : vector<16xi32>
      %gather3A_372 = tpu.vector_load_idx %arg6[%add3A_371] : memref<512xi32, #tpu.memory_space<vmem>>[vector<16xi32>], vector<16xi32>,
      %le3A_373 = arith.cmpi sle, %gather3A_372, %add3A_342 : vector<16xi32>
      %select_n3A_374 = arith.select %le3A_373, %add3A_371, %select_n3A_368 : vector<16xi1>, vector<16xi32>
      %add3A_375 = arith.constant 8 : i32
      %add3A_376 = vector.broadcast %add3A_375 : i32 to vector<16xi32>
      %add3A_377 = arith.addi %select_n3A_374, %add3A_376 : vector<16xi32>
      %gather3A_378 = tpu.vector_load_idx %arg6[%add3A_377] : memref<512xi32, #tpu.memory_space<vmem>>[vector<16xi32>], vector<16xi32>,
      %le3A_379 = arith.cmpi sle, %gather3A_378, %add3A_342 : vector<16xi32>
      %select_n3A_380 = arith.select %le3A_379, %add3A_377, %select_n3A_374 : vector<16xi1>, vector<16xi32>
      %add3A_381 = arith.constant 4 : i32
      %add3A_382 = vector.broadcast %add3A_381 : i32 to vector<16xi32>
      %add3A_383 = arith.addi %select_n3A_380, %add3A_382 : vector<16xi32>
      %gather3A_384 = tpu.vector_load_idx %arg6[%add3A_383] : memref<512xi32, #tpu.memory_space<vmem>>[vector<16xi32>], vector<16xi32>,
      %le3A_385 = arith.cmpi sle, %gather3A_384, %add3A_342 : vector<16xi32>
      %select_n3A_386 = arith.select %le3A_385, %add3A_383, %select_n3A_380 : vector<16xi1>, vector<16xi32>
      %add3A_387 = arith.constant 2 : i32
      %add3A_388 = vector.broadcast %add3A_387 : i32 to vector<16xi32>
      %add3A_389 = arith.addi %select_n3A_386, %add3A_388 : vector<16xi32>
      %gather3A_390 = tpu.vector_load_idx %arg6[%add3A_389] : memref<512xi32, #tpu.memory_space<vmem>>[vector<16xi32>], vector<16xi32>,
      %le3A_391 = arith.cmpi sle, %gather3A_390, %add3A_342 : vector<16xi32>
      %select_n3A_392 = arith.select %le3A_391, %add3A_389, %select_n3A_386 : vector<16xi1>, vector<16xi32>
      %add3A_393 = arith.constant 1 : i32
      %add3A_394 = vector.broadcast %add3A_393 : i32 to vector<16xi32>
      %add3A_395 = arith.addi %select_n3A_392, %add3A_394 : vector<16xi32>
      %gather3A_396 = tpu.vector_load_idx %arg6[%add3A_395] : memref<512xi32, #tpu.memory_space<vmem>>[vector<16xi32>], vector<16xi32>,
      %le3A_397 = arith.cmpi sle, %gather3A_396, %add3A_342 : vector<16xi32>
      %select_n3A_398 = arith.select %le3A_397, %add3A_395, %select_n3A_392 : vector<16xi1>, vector<16xi32>
      %ge3A_399 = vector.broadcast %squeeze3A : i32 to vector<16xi32>
      %ge3A_400 = arith.cmpi sge, %add3A_342, %ge3A_399 : vector<16xi32>
      %lt3A_401 = vector.broadcast %squeeze3A_20 : i32 to vector<16xi32>
      %lt3A_402 = arith.cmpi slt, %add3A_342, %lt3A_401 : vector<16xi32>
      %and3A_403 = arith.andi %ge3A_400, %lt3A_402 : vector<16xi1>
      %jit3A_404 = arith.constant 320 : i32
      %broadcast_in_dim3A_405 = vector.broadcast %jit3A_404 : i32 to vector<16xi32>
      %select_n3A_406 = arith.select %and3A_403, %select_n3A_398, %broadcast_in_dim3A_405 : vector<16xi1>, vector<16xi32>
      %add3A_407 = vector.broadcast %mul3A_4 : i32 to vector<16xi32>
      %add3A_408 = arith.addi %add3A_407, %select_n3A_406 : vector<16xi32>
      %swap3A_409 = arith.index_cast %rem3A_107 : i32 to index
      %swap3A_410 = arith.constant 48 : index
      %swap3A_411 = tpu.vector_load %arg8[%swap3A_409, %swap3A_410] {strides = array<i32>} : memref<4x128xi32, #tpu.memory_space<vmem>>, vector<16xi32>,
      tpu.vector_store %arg8[%swap3A_409, %swap3A_410], %add3A_408 {strides = array<i32>} : memref<4x128xi32, #tpu.memory_space<vmem>>, vector<16xi32>,
      %add3A_412 = arith.constant 64 : i32
      %add3A_413 = arith.addi %add3A_123, %add3A_412 : i32
      %add3A_414 = vector.broadcast %add3A_413 : i32 to vector<16xi32>
      %add3A_415 = arith.addi %add3A_414, %iota3A : vector<16xi32>
      %broadcast_in_dim3A_416 = arith.constant 0 : i32
      %broadcast_in_dim3A_417 = vector.broadcast %broadcast_in_dim3A_416 : i32 to vector<16xi32>
      %add3A_418 = arith.constant 256 : i32
      %add3A_419 = vector.broadcast %add3A_418 : i32 to vector<16xi32>
      %add3A_420 = arith.addi %broadcast_in_dim3A_417, %add3A_419 : vector<16xi32>
      %gather3A_421 = tpu.vector_load_idx %arg6[%add3A_420] : memref<512xi32, #tpu.memory_space<vmem>>[vector<16xi32>], vector<16xi32>,
      %le3A_422 = arith.cmpi sle, %gather3A_421, %add3A_415 : vector<16xi32>
      %select_n3A_423 = arith.select %le3A_422, %add3A_420, %broadcast_in_dim3A_417 : vector<16xi1>, vector<16xi32>
      %add3A_424 = arith.constant 128 : i32
      %add3A_425 = vector.broadcast %add3A_424 : i32 to vector<16xi32>
      %add3A_426 = arith.addi %select_n3A_423, %add3A_425 : vector<16xi32>
      %gather3A_427 = tpu.vector_load_idx %arg6[%add3A_426] : memref<512xi32, #tpu.memory_space<vmem>>[vector<16xi32>], vector<16xi32>,
      %le3A_428 = arith.cmpi sle, %gather3A_427, %add3A_415 : vector<16xi32>
      %select_n3A_429 = arith.select %le3A_428, %add3A_426, %select_n3A_423 : vector<16xi1>, vector<16xi32>
      %add3A_430 = arith.constant 64 : i32
      %add3A_431 = vector.broadcast %add3A_430 : i32 to vector<16xi32>
      %add3A_432 = arith.addi %select_n3A_429, %add3A_431 : vector<16xi32>
      %gather3A_433 = tpu.vector_load_idx %arg6[%add3A_432] : memref<512xi32, #tpu.memory_space<vmem>>[vector<16xi32>], vector<16xi32>,
      %le3A_434 = arith.cmpi sle, %gather3A_433, %add3A_415 : vector<16xi32>
      %select_n3A_435 = arith.select %le3A_434, %add3A_432, %select_n3A_429 : vector<16xi1>, vector<16xi32>
      %add3A_436 = arith.constant 32 : i32
      %add3A_437 = vector.broadcast %add3A_436 : i32 to vector<16xi32>
      %add3A_438 = arith.addi %select_n3A_435, %add3A_437 : vector<16xi32>
      %gather3A_439 = tpu.vector_load_idx %arg6[%add3A_438] : memref<512xi32, #tpu.memory_space<vmem>>[vector<16xi32>], vector<16xi32>,
      %le3A_440 = arith.cmpi sle, %gather3A_439, %add3A_415 : vector<16xi32>
      %select_n3A_441 = arith.select %le3A_440, %add3A_438, %select_n3A_435 : vector<16xi1>, vector<16xi32>
      %add3A_442 = arith.constant 16 : i32
      %add3A_443 = vector.broadcast %add3A_442 : i32 to vector<16xi32>
      %add3A_444 = arith.addi %select_n3A_441, %add3A_443 : vector<16xi32>
      %gather3A_445 = tpu.vector_load_idx %arg6[%add3A_444] : memref<512xi32, #tpu.memory_space<vmem>>[vector<16xi32>], vector<16xi32>,
      %le3A_446 = arith.cmpi sle, %gather3A_445, %add3A_415 : vector<16xi32>
      %select_n3A_447 = arith.select %le3A_446, %add3A_444, %select_n3A_441 : vector<16xi1>, vector<16xi32>
      %add3A_448 = arith.constant 8 : i32
      %add3A_449 = vector.broadcast %add3A_448 : i32 to vector<16xi32>
      %add3A_450 = arith.addi %select_n3A_447, %add3A_449 : vector<16xi32>
      %gather3A_451 = tpu.vector_load_idx %arg6[%add3A_450] : memref<512xi32, #tpu.memory_space<vmem>>[vector<16xi32>], vector<16xi32>,
      %le3A_452 = arith.cmpi sle, %gather3A_451, %add3A_415 : vector<16xi32>
      %select_n3A_453 = arith.select %le3A_452, %add3A_450, %select_n3A_447 : vector<16xi1>, vector<16xi32>
      %add3A_454 = arith.constant 4 : i32
      %add3A_455 = vector.broadcast %add3A_454 : i32 to vector<16xi32>
      %add3A_456 = arith.addi %select_n3A_453, %add3A_455 : vector<16xi32>
      %gather3A_457 = tpu.vector_load_idx %arg6[%add3A_456] : memref<512xi32, #tpu.memory_space<vmem>>[vector<16xi32>], vector<16xi32>,
      %le3A_458 = arith.cmpi sle, %gather3A_457, %add3A_415 : vector<16xi32>
      %select_n3A_459 = arith.select %le3A_458, %add3A_456, %select_n3A_453 : vector<16xi1>, vector<16xi32>
      %add3A_460 = arith.constant 2 : i32
      %add3A_461 = vector.broadcast %add3A_460 : i32 to vector<16xi32>
      %add3A_462 = arith.addi %select_n3A_459, %add3A_461 : vector<16xi32>
      %gather3A_463 = tpu.vector_load_idx %arg6[%add3A_462] : memref<512xi32, #tpu.memory_space<vmem>>[vector<16xi32>], vector<16xi32>,
      %le3A_464 = arith.cmpi sle, %gather3A_463, %add3A_415 : vector<16xi32>
      %select_n3A_465 = arith.select %le3A_464, %add3A_462, %select_n3A_459 : vector<16xi1>, vector<16xi32>
      %add3A_466 = arith.constant 1 : i32
      %add3A_467 = vector.broadcast %add3A_466 : i32 to vector<16xi32>
      %add3A_468 = arith.addi %select_n3A_465, %add3A_467 : vector<16xi32>
      %gather3A_469 = tpu.vector_load_idx %arg6[%add3A_468] : memref<512xi32, #tpu.memory_space<vmem>>[vector<16xi32>], vector<16xi32>,
      %le3A_470 = arith.cmpi sle, %gather3A_469, %add3A_415 : vector<16xi32>
      %select_n3A_471 = arith.select %le3A_470, %add3A_468, %select_n3A_465 : vector<16xi1>, vector<16xi32>
      %ge3A_472 = vector.broadcast %squeeze3A : i32 to vector<16xi32>
      %ge3A_473 = arith.cmpi sge, %add3A_415, %ge3A_472 : vector<16xi32>
      %lt3A_474 = vector.broadcast %squeeze3A_20 : i32 to vector<16xi32>
      %lt3A_475 = arith.cmpi slt, %add3A_415, %lt3A_474 : vector<16xi32>
      %and3A_476 = arith.andi %ge3A_473, %lt3A_475 : vector<16xi1>
      %jit3A_477 = arith.constant 320 : i32
      %broadcast_in_dim3A_478 = vector.broadcast %jit3A_477 : i32 to vector<16xi32>
      %select_n3A_479 = arith.select %and3A_476, %select_n3A_471, %broadcast_in_dim3A_478 : vector<16xi1>, vector<16xi32>
      %add3A_480 = vector.broadcast %mul3A_4 : i32 to vector<16xi32>
      %add3A_481 = arith.addi %add3A_480, %select_n3A_479 : vector<16xi32>
      %swap3A_482 = arith.index_cast %rem3A_107 : i32 to index
      %swap3A_483 = arith.constant 64 : index
      %swap3A_484 = tpu.vector_load %arg8[%swap3A_482, %swap3A_483] {strides = array<i32>} : memref<4x128xi32, #tpu.memory_space<vmem>>, vector<16xi32>,
      tpu.vector_store %arg8[%swap3A_482, %swap3A_483], %add3A_481 {strides = array<i32>} : memref<4x128xi32, #tpu.memory_space<vmem>>, vector<16xi32>,
      %add3A_485 = arith.constant 80 : i32
      %add3A_486 = arith.addi %add3A_123, %add3A_485 : i32
      %add3A_487 = vector.broadcast %add3A_486 : i32 to vector<16xi32>
      %add3A_488 = arith.addi %add3A_487, %iota3A : vector<16xi32>
      %broadcast_in_dim3A_489 = arith.constant 0 : i32
      %broadcast_in_dim3A_490 = vector.broadcast %broadcast_in_dim3A_489 : i32 to vector<16xi32>
      %add3A_491 = arith.constant 256 : i32
      %add3A_492 = vector.broadcast %add3A_491 : i32 to vector<16xi32>
      %add3A_493 = arith.addi %broadcast_in_dim3A_490, %add3A_492 : vector<16xi32>
      %gather3A_494 = tpu.vector_load_idx %arg6[%add3A_493] : memref<512xi32, #tpu.memory_space<vmem>>[vector<16xi32>], vector<16xi32>,
      %le3A_495 = arith.cmpi sle, %gather3A_494, %add3A_488 : vector<16xi32>
      %select_n3A_496 = arith.select %le3A_495, %add3A_493, %broadcast_in_dim3A_490 : vector<16xi1>, vector<16xi32>
      %add3A_497 = arith.constant 128 : i32
      %add3A_498 = vector.broadcast %add3A_497 : i32 to vector<16xi32>
      %add3A_499 = arith.addi %select_n3A_496, %add3A_498 : vector<16xi32>
      %gather3A_500 = tpu.vector_load_idx %arg6[%add3A_499] : memref<512xi32, #tpu.memory_space<vmem>>[vector<16xi32>], vector<16xi32>,
      %le3A_501 = arith.cmpi sle, %gather3A_500, %add3A_488 : vector<16xi32>
      %select_n3A_502 = arith.select %le3A_501, %add3A_499, %select_n3A_496 : vector<16xi1>, vector<16xi32>
      %add3A_503 = arith.constant 64 : i32
      %add3A_504 = vector.broadcast %add3A_503 : i32 to vector<16xi32>
      %add3A_505 = arith.addi %select_n3A_502, %add3A_504 : vector<16xi32>
      %gather3A_506 = tpu.vector_load_idx %arg6[%add3A_505] : memref<512xi32, #tpu.memory_space<vmem>>[vector<16xi32>], vector<16xi32>,
      %le3A_507 = arith.cmpi sle, %gather3A_506, %add3A_488 : vector<16xi32>
      %select_n3A_508 = arith.select %le3A_507, %add3A_505, %select_n3A_502 : vector<16xi1>, vector<16xi32>
      %add3A_509 = arith.constant 32 : i32
      %add3A_510 = vector.broadcast %add3A_509 : i32 to vector<16xi32>
      %add3A_511 = arith.addi %select_n3A_508, %add3A_510 : vector<16xi32>
      %gather3A_512 = tpu.vector_load_idx %arg6[%add3A_511] : memref<512xi32, #tpu.memory_space<vmem>>[vector<16xi32>], vector<16xi32>,
      %le3A_513 = arith.cmpi sle, %gather3A_512, %add3A_488 : vector<16xi32>
      %select_n3A_514 = arith.select %le3A_513, %add3A_511, %select_n3A_508 : vector<16xi1>, vector<16xi32>
      %add3A_515 = arith.constant 16 : i32
      %add3A_516 = vector.broadcast %add3A_515 : i32 to vector<16xi32>
      %add3A_517 = arith.addi %select_n3A_514, %add3A_516 : vector<16xi32>
      %gather3A_518 = tpu.vector_load_idx %arg6[%add3A_517] : memref<512xi32, #tpu.memory_space<vmem>>[vector<16xi32>], vector<16xi32>,
      %le3A_519 = arith.cmpi sle, %gather3A_518, %add3A_488 : vector<16xi32>
      %select_n3A_520 = arith.select %le3A_519, %add3A_517, %select_n3A_514 : vector<16xi1>, vector<16xi32>
      %add3A_521 = arith.constant 8 : i32
      %add3A_522 = vector.broadcast %add3A_521 : i32 to vector<16xi32>
      %add3A_523 = arith.addi %select_n3A_520, %add3A_522 : vector<16xi32>
      %gather3A_524 = tpu.vector_load_idx %arg6[%add3A_523] : memref<512xi32, #tpu.memory_space<vmem>>[vector<16xi32>], vector<16xi32>,
      %le3A_525 = arith.cmpi sle, %gather3A_524, %add3A_488 : vector<16xi32>
      %select_n3A_526 = arith.select %le3A_525, %add3A_523, %select_n3A_520 : vector<16xi1>, vector<16xi32>
      %add3A_527 = arith.constant 4 : i32
      %add3A_528 = vector.broadcast %add3A_527 : i32 to vector<16xi32>
      %add3A_529 = arith.addi %select_n3A_526, %add3A_528 : vector<16xi32>
      %gather3A_530 = tpu.vector_load_idx %arg6[%add3A_529] : memref<512xi32, #tpu.memory_space<vmem>>[vector<16xi32>], vector<16xi32>,
      %le3A_531 = arith.cmpi sle, %gather3A_530, %add3A_488 : vector<16xi32>
      %select_n3A_532 = arith.select %le3A_531, %add3A_529, %select_n3A_526 : vector<16xi1>, vector<16xi32>
      %add3A_533 = arith.constant 2 : i32
      %add3A_534 = vector.broadcast %add3A_533 : i32 to vector<16xi32>
      %add3A_535 = arith.addi %select_n3A_532, %add3A_534 : vector<16xi32>
      %gather3A_536 = tpu.vector_load_idx %arg6[%add3A_535] : memref<512xi32, #tpu.memory_space<vmem>>[vector<16xi32>], vector<16xi32>,
      %le3A_537 = arith.cmpi sle, %gather3A_536, %add3A_488 : vector<16xi32>
      %select_n3A_538 = arith.select %le3A_537, %add3A_535, %select_n3A_532 : vector<16xi1>, vector<16xi32>
      %add3A_539 = arith.constant 1 : i32
      %add3A_540 = vector.broadcast %add3A_539 : i32 to vector<16xi32>
      %add3A_541 = arith.addi %select_n3A_538, %add3A_540 : vector<16xi32>
      %gather3A_542 = tpu.vector_load_idx %arg6[%add3A_541] : memref<512xi32, #tpu.memory_space<vmem>>[vector<16xi32>], vector<16xi32>,
      %le3A_543 = arith.cmpi sle, %gather3A_542, %add3A_488 : vector<16xi32>
      %select_n3A_544 = arith.select %le3A_543, %add3A_541, %select_n3A_538 : vector<16xi1>, vector<16xi32>
      %ge3A_545 = vector.broadcast %squeeze3A : i32 to vector<16xi32>
      %ge3A_546 = arith.cmpi sge, %add3A_488, %ge3A_545 : vector<16xi32>
      %lt3A_547 = vector.broadcast %squeeze3A_20 : i32 to vector<16xi32>
      %lt3A_548 = arith.cmpi slt, %add3A_488, %lt3A_547 : vector<16xi32>
      %and3A_549 = arith.andi %ge3A_546, %lt3A_548 : vector<16xi1>
      %jit3A_550 = arith.constant 320 : i32
      %broadcast_in_dim3A_551 = vector.broadcast %jit3A_550 : i32 to vector<16xi32>
      %select_n3A_552 = arith.select %and3A_549, %select_n3A_544, %broadcast_in_dim3A_551 : vector<16xi1>, vector<16xi32>
      %add3A_553 = vector.broadcast %mul3A_4 : i32 to vector<16xi32>
      %add3A_554 = arith.addi %add3A_553, %select_n3A_552 : vector<16xi32>
      %swap3A_555 = arith.index_cast %rem3A_107 : i32 to index
      %swap3A_556 = arith.constant 80 : index
      %swap3A_557 = tpu.vector_load %arg8[%swap3A_555, %swap3A_556] {strides = array<i32>} : memref<4x128xi32, #tpu.memory_space<vmem>>, vector<16xi32>,
      tpu.vector_store %arg8[%swap3A_555, %swap3A_556], %add3A_554 {strides = array<i32>} : memref<4x128xi32, #tpu.memory_space<vmem>>, vector<16xi32>,
      %add3A_558 = arith.constant 96 : i32
      %add3A_559 = arith.addi %add3A_123, %add3A_558 : i32
      %add3A_560 = vector.broadcast %add3A_559 : i32 to vector<16xi32>
      %add3A_561 = arith.addi %add3A_560, %iota3A : vector<16xi32>
      %broadcast_in_dim3A_562 = arith.constant 0 : i32
      %broadcast_in_dim3A_563 = vector.broadcast %broadcast_in_dim3A_562 : i32 to vector<16xi32>
      %add3A_564 = arith.constant 256 : i32
      %add3A_565 = vector.broadcast %add3A_564 : i32 to vector<16xi32>
      %add3A_566 = arith.addi %broadcast_in_dim3A_563, %add3A_565 : vector<16xi32>
      %gather3A_567 = tpu.vector_load_idx %arg6[%add3A_566] : memref<512xi32, #tpu.memory_space<vmem>>[vector<16xi32>], vector<16xi32>,
      %le3A_568 = arith.cmpi sle, %gather3A_567, %add3A_561 : vector<16xi32>
      %select_n3A_569 = arith.select %le3A_568, %add3A_566, %broadcast_in_dim3A_563 : vector<16xi1>, vector<16xi32>
      %add3A_570 = arith.constant 128 : i32
      %add3A_571 = vector.broadcast %add3A_570 : i32 to vector<16xi32>
      %add3A_572 = arith.addi %select_n3A_569, %add3A_571 : vector<16xi32>
      %gather3A_573 = tpu.vector_load_idx %arg6[%add3A_572] : memref<512xi32, #tpu.memory_space<vmem>>[vector<16xi32>], vector<16xi32>,
      %le3A_574 = arith.cmpi sle, %gather3A_573, %add3A_561 : vector<16xi32>
      %select_n3A_575 = arith.select %le3A_574, %add3A_572, %select_n3A_569 : vector<16xi1>, vector<16xi32>
      %add3A_576 = arith.constant 64 : i32
      %add3A_577 = vector.broadcast %add3A_576 : i32 to vector<16xi32>
      %add3A_578 = arith.addi %select_n3A_575, %add3A_577 : vector<16xi32>
      %gather3A_579 = tpu.vector_load_idx %arg6[%add3A_578] : memref<512xi32, #tpu.memory_space<vmem>>[vector<16xi32>], vector<16xi32>,
      %le3A_580 = arith.cmpi sle, %gather3A_579, %add3A_561 : vector<16xi32>
      %select_n3A_581 = arith.select %le3A_580, %add3A_578, %select_n3A_575 : vector<16xi1>, vector<16xi32>
      %add3A_582 = arith.constant 32 : i32
      %add3A_583 = vector.broadcast %add3A_582 : i32 to vector<16xi32>
      %add3A_584 = arith.addi %select_n3A_581, %add3A_583 : vector<16xi32>
      %gather3A_585 = tpu.vector_load_idx %arg6[%add3A_584] : memref<512xi32, #tpu.memory_space<vmem>>[vector<16xi32>], vector<16xi32>,
      %le3A_586 = arith.cmpi sle, %gather3A_585, %add3A_561 : vector<16xi32>
      %select_n3A_587 = arith.select %le3A_586, %add3A_584, %select_n3A_581 : vector<16xi1>, vector<16xi32>
      %add3A_588 = arith.constant 16 : i32
      %add3A_589 = vector.broadcast %add3A_588 : i32 to vector<16xi32>
      %add3A_590 = arith.addi %select_n3A_587, %add3A_589 : vector<16xi32>
      %gather3A_591 = tpu.vector_load_idx %arg6[%add3A_590] : memref<512xi32, #tpu.memory_space<vmem>>[vector<16xi32>], vector<16xi32>,
      %le3A_592 = arith.cmpi sle, %gather3A_591, %add3A_561 : vector<16xi32>
      %select_n3A_593 = arith.select %le3A_592, %add3A_590, %select_n3A_587 : vector<16xi1>, vector<16xi32>
      %add3A_594 = arith.constant 8 : i32
      %add3A_595 = vector.broadcast %add3A_594 : i32 to vector<16xi32>
      %add3A_596 = arith.addi %select_n3A_593, %add3A_595 : vector<16xi32>
      %gather3A_597 = tpu.vector_load_idx %arg6[%add3A_596] : memref<512xi32, #tpu.memory_space<vmem>>[vector<16xi32>], vector<16xi32>,
      %le3A_598 = arith.cmpi sle, %gather3A_597, %add3A_561 : vector<16xi32>
      %select_n3A_599 = arith.select %le3A_598, %add3A_596, %select_n3A_593 : vector<16xi1>, vector<16xi32>
      %add3A_600 = arith.constant 4 : i32
      %add3A_601 = vector.broadcast %add3A_600 : i32 to vector<16xi32>
      %add3A_602 = arith.addi %select_n3A_599, %add3A_601 : vector<16xi32>
      %gather3A_603 = tpu.vector_load_idx %arg6[%add3A_602] : memref<512xi32, #tpu.memory_space<vmem>>[vector<16xi32>], vector<16xi32>,
      %le3A_604 = arith.cmpi sle, %gather3A_603, %add3A_561 : vector<16xi32>
      %select_n3A_605 = arith.select %le3A_604, %add3A_602, %select_n3A_599 : vector<16xi1>, vector<16xi32>
      %add3A_606 = arith.constant 2 : i32
      %add3A_607 = vector.broadcast %add3A_606 : i32 to vector<16xi32>
      %add3A_608 = arith.addi %select_n3A_605, %add3A_607 : vector<16xi32>
      %gather3A_609 = tpu.vector_load_idx %arg6[%add3A_608] : memref<512xi32, #tpu.memory_space<vmem>>[vector<16xi32>], vector<16xi32>,
      %le3A_610 = arith.cmpi sle, %gather3A_609, %add3A_561 : vector<16xi32>
      %select_n3A_611 = arith.select %le3A_610, %add3A_608, %select_n3A_605 : vector<16xi1>, vector<16xi32>
      %add3A_612 = arith.constant 1 : i32
      %add3A_613 = vector.broadcast %add3A_612 : i32 to vector<16xi32>
      %add3A_614 = arith.addi %select_n3A_611, %add3A_613 : vector<16xi32>
      %gather3A_615 = tpu.vector_load_idx %arg6[%add3A_614] : memref<512xi32, #tpu.memory_space<vmem>>[vector<16xi32>], vector<16xi32>,
      %le3A_616 = arith.cmpi sle, %gather3A_615, %add3A_561 : vector<16xi32>
      %select_n3A_617 = arith.select %le3A_616, %add3A_614, %select_n3A_611 : vector<16xi1>, vector<16xi32>
      %ge3A_618 = vector.broadcast %squeeze3A : i32 to vector<16xi32>
      %ge3A_619 = arith.cmpi sge, %add3A_561, %ge3A_618 : vector<16xi32>
      %lt3A_620 = vector.broadcast %squeeze3A_20 : i32 to vector<16xi32>
      %lt3A_621 = arith.cmpi slt, %add3A_561, %lt3A_620 : vector<16xi32>
      %and3A_622 = arith.andi %ge3A_619, %lt3A_621 : vector<16xi1>
      %jit3A_623 = arith.constant 320 : i32
      %broadcast_in_dim3A_624 = vector.broadcast %jit3A_623 : i32 to vector<16xi32>
      %select_n3A_625 = arith.select %and3A_622, %select_n3A_617, %broadcast_in_dim3A_624 : vector<16xi1>, vector<16xi32>
      %add3A_626 = vector.broadcast %mul3A_4 : i32 to vector<16xi32>
      %add3A_627 = arith.addi %add3A_626, %select_n3A_625 : vector<16xi32>
      %swap3A_628 = arith.index_cast %rem3A_107 : i32 to index
      %swap3A_629 = arith.constant 96 : index
      %swap3A_630 = tpu.vector_load %arg8[%swap3A_628, %swap3A_629] {strides = array<i32>} : memref<4x128xi32, #tpu.memory_space<vmem>>, vector<16xi32>,
      tpu.vector_store %arg8[%swap3A_628, %swap3A_629], %add3A_627 {strides = array<i32>} : memref<4x128xi32, #tpu.memory_space<vmem>>, vector<16xi32>,
      %add3A_631 = arith.constant 112 : i32
      %add3A_632 = arith.addi %add3A_123, %add3A_631 : i32
      %add3A_633 = vector.broadcast %add3A_632 : i32 to vector<16xi32>
      %add3A_634 = arith.addi %add3A_633, %iota3A : vector<16xi32>
      %broadcast_in_dim3A_635 = arith.constant 0 : i32
      %broadcast_in_dim3A_636 = vector.broadcast %broadcast_in_dim3A_635 : i32 to vector<16xi32>
      %add3A_637 = arith.constant 256 : i32
      %add3A_638 = vector.broadcast %add3A_637 : i32 to vector<16xi32>
      %add3A_639 = arith.addi %broadcast_in_dim3A_636, %add3A_638 : vector<16xi32>
      %gather3A_640 = tpu.vector_load_idx %arg6[%add3A_639] : memref<512xi32, #tpu.memory_space<vmem>>[vector<16xi32>], vector<16xi32>,
      %le3A_641 = arith.cmpi sle, %gather3A_640, %add3A_634 : vector<16xi32>
      %select_n3A_642 = arith.select %le3A_641, %add3A_639, %broadcast_in_dim3A_636 : vector<16xi1>, vector<16xi32>
      %add3A_643 = arith.constant 128 : i32
      %add3A_644 = vector.broadcast %add3A_643 : i32 to vector<16xi32>
      %add3A_645 = arith.addi %select_n3A_642, %add3A_644 : vector<16xi32>
      %gather3A_646 = tpu.vector_load_idx %arg6[%add3A_645] : memref<512xi32, #tpu.memory_space<vmem>>[vector<16xi32>], vector<16xi32>,
      %le3A_647 = arith.cmpi sle, %gather3A_646, %add3A_634 : vector<16xi32>
      %select_n3A_648 = arith.select %le3A_647, %add3A_645, %select_n3A_642 : vector<16xi1>, vector<16xi32>
      %add3A_649 = arith.constant 64 : i32
      %add3A_650 = vector.broadcast %add3A_649 : i32 to vector<16xi32>
      %add3A_651 = arith.addi %select_n3A_648, %add3A_650 : vector<16xi32>
      %gather3A_652 = tpu.vector_load_idx %arg6[%add3A_651] : memref<512xi32, #tpu.memory_space<vmem>>[vector<16xi32>], vector<16xi32>,
      %le3A_653 = arith.cmpi sle, %gather3A_652, %add3A_634 : vector<16xi32>
      %select_n3A_654 = arith.select %le3A_653, %add3A_651, %select_n3A_648 : vector<16xi1>, vector<16xi32>
      %add3A_655 = arith.constant 32 : i32
      %add3A_656 = vector.broadcast %add3A_655 : i32 to vector<16xi32>
      %add3A_657 = arith.addi %select_n3A_654, %add3A_656 : vector<16xi32>
      %gather3A_658 = tpu.vector_load_idx %arg6[%add3A_657] : memref<512xi32, #tpu.memory_space<vmem>>[vector<16xi32>], vector<16xi32>,
      %le3A_659 = arith.cmpi sle, %gather3A_658, %add3A_634 : vector<16xi32>
      %select_n3A_660 = arith.select %le3A_659, %add3A_657, %select_n3A_654 : vector<16xi1>, vector<16xi32>
      %add3A_661 = arith.constant 16 : i32
      %add3A_662 = vector.broadcast %add3A_661 : i32 to vector<16xi32>
      %add3A_663 = arith.addi %select_n3A_660, %add3A_662 : vector<16xi32>
      %gather3A_664 = tpu.vector_load_idx %arg6[%add3A_663] : memref<512xi32, #tpu.memory_space<vmem>>[vector<16xi32>], vector<16xi32>,
      %le3A_665 = arith.cmpi sle, %gather3A_664, %add3A_634 : vector<16xi32>
      %select_n3A_666 = arith.select %le3A_665, %add3A_663, %select_n3A_660 : vector<16xi1>, vector<16xi32>
      %add3A_667 = arith.constant 8 : i32
      %add3A_668 = vector.broadcast %add3A_667 : i32 to vector<16xi32>
      %add3A_669 = arith.addi %select_n3A_666, %add3A_668 : vector<16xi32>
      %gather3A_670 = tpu.vector_load_idx %arg6[%add3A_669] : memref<512xi32, #tpu.memory_space<vmem>>[vector<16xi32>], vector<16xi32>,
      %le3A_671 = arith.cmpi sle, %gather3A_670, %add3A_634 : vector<16xi32>
      %select_n3A_672 = arith.select %le3A_671, %add3A_669, %select_n3A_666 : vector<16xi1>, vector<16xi32>
      %add3A_673 = arith.constant 4 : i32
      %add3A_674 = vector.broadcast %add3A_673 : i32 to vector<16xi32>
      %add3A_675 = arith.addi %select_n3A_672, %add3A_674 : vector<16xi32>
      %gather3A_676 = tpu.vector_load_idx %arg6[%add3A_675] : memref<512xi32, #tpu.memory_space<vmem>>[vector<16xi32>], vector<16xi32>,
      %le3A_677 = arith.cmpi sle, %gather3A_676, %add3A_634 : vector<16xi32>
      %select_n3A_678 = arith.select %le3A_677, %add3A_675, %select_n3A_672 : vector<16xi1>, vector<16xi32>
      %add3A_679 = arith.constant 2 : i32
      %add3A_680 = vector.broadcast %add3A_679 : i32 to vector<16xi32>
      %add3A_681 = arith.addi %select_n3A_678, %add3A_680 : vector<16xi32>
      %gather3A_682 = tpu.vector_load_idx %arg6[%add3A_681] : memref<512xi32, #tpu.memory_space<vmem>>[vector<16xi32>], vector<16xi32>,
      %le3A_683 = arith.cmpi sle, %gather3A_682, %add3A_634 : vector<16xi32>
      %select_n3A_684 = arith.select %le3A_683, %add3A_681, %select_n3A_678 : vector<16xi1>, vector<16xi32>
      %add3A_685 = arith.constant 1 : i32
      %add3A_686 = vector.broadcast %add3A_685 : i32 to vector<16xi32>
      %add3A_687 = arith.addi %select_n3A_684, %add3A_686 : vector<16xi32>
      %gather3A_688 = tpu.vector_load_idx %arg6[%add3A_687] : memref<512xi32, #tpu.memory_space<vmem>>[vector<16xi32>], vector<16xi32>,
      %le3A_689 = arith.cmpi sle, %gather3A_688, %add3A_634 : vector<16xi32>
      %select_n3A_690 = arith.select %le3A_689, %add3A_687, %select_n3A_684 : vector<16xi1>, vector<16xi32>
      %ge3A_691 = vector.broadcast %squeeze3A : i32 to vector<16xi32>
      %ge3A_692 = arith.cmpi sge, %add3A_634, %ge3A_691 : vector<16xi32>
      %lt3A_693 = vector.broadcast %squeeze3A_20 : i32 to vector<16xi32>
      %lt3A_694 = arith.cmpi slt, %add3A_634, %lt3A_693 : vector<16xi32>
      %and3A_695 = arith.andi %ge3A_692, %lt3A_694 : vector<16xi1>
      %jit3A_696 = arith.constant 320 : i32
      %broadcast_in_dim3A_697 = vector.broadcast %jit3A_696 : i32 to vector<16xi32>
      %select_n3A_698 = arith.select %and3A_695, %select_n3A_690, %broadcast_in_dim3A_697 : vector<16xi1>, vector<16xi32>
      %add3A_699 = vector.broadcast %mul3A_4 : i32 to vector<16xi32>
      %add3A_700 = arith.addi %add3A_699, %select_n3A_698 : vector<16xi32>
      %swap3A_701 = arith.index_cast %rem3A_107 : i32 to index
      %swap3A_702 = arith.constant 112 : index
      %swap3A_703 = tpu.vector_load %arg8[%swap3A_701, %swap3A_702] {strides = array<i32>} : memref<4x128xi32, #tpu.memory_space<vmem>>, vector<16xi32>,
      tpu.vector_store %arg8[%swap3A_701, %swap3A_702], %add3A_700 {strides = array<i32>} : memref<4x128xi32, #tpu.memory_space<vmem>>, vector<16xi32>,
      %ge3A_704 = arith.constant 1 : i32
      %ge3A_705 = arith.cmpi sge, %while3A_105, %ge3A_704 : i32
      %convert_element_type3A_706 = arith.extui %ge3A_705 : i1 to i32
      %cond3A_707 = arith.constant 0 : i32
      %cond3A_708 = arith.cmpi ne, %convert_element_type3A_706, %cond3A_707 : i32
      scf.if %cond3A_708 {
        %add3A_734 = arith.constant 4 : i32
        %add3A_735 = arith.addi %while3A_105, %add3A_734 : i32
        %sub3A_736 = arith.constant 1 : i32
        %sub3A_737 = arith.subi %add3A_735, %sub3A_736 : i32
        %rem3A_738 = arith.constant 4 : i32
        %rem3A_739 = arith.remsi %sub3A_737, %rem3A_738 : i32
        %dma_wait3A_740 = arith.constant 0 : i32
        %dma_wait3A_741 = arith.constant 0 : i32
        %dma_wait3A_742 = tpu.memref_slice %arg9[%rem3A_739, %dma_wait3A_740, %dma_wait3A_741] : memref<4x128x128xf32, #tpu.memory_space<vmem>> -> memref<1x128x128xf32, #tpu.memory_space<vmem>>
        %dma_wait3A_743 = tpu.memref_squeeze %dma_wait3A_742 : memref<1x128x128xf32, #tpu.memory_space<vmem>> -> memref<128x128xf32, #tpu.memory_space<vmem>>
        %dma_wait3A_744 = arith.constant 0 : i32
        %dma_wait3A_745 = tpu.memref_slice %arg8[%rem3A_739, %dma_wait3A_744] : memref<4x128xi32, #tpu.memory_space<vmem>> -> memref<1x128xi32, #tpu.memory_space<vmem>>
        %dma_wait3A_746 = tpu.memref_squeeze %dma_wait3A_745 : memref<1x128xi32, #tpu.memory_space<vmem>> -> memref<128xi32, #tpu.memory_space<vmem>>
        %dma_wait3A_747 = arith.constant 0 : i32
        %dma_wait3A_748 = arith.constant 0 : i32
        %dma_wait3A_749 = tpu.memref_slice %arg10[%dma_wait3A_747, %dma_wait3A_748] : memref<5248x128xf32, #tpu.memory_space<vmem_shared>> -> memref<5248x128xf32, #tpu.memory_space<vmem_shared>>
        %dma_wait3A_750 = tpu.memref_slice %arg13[%rem3A_739] : memref<4x!tpu.dma_semaphore, #tpu.memory_space<semaphore_mem>> -> memref<1x!tpu.dma_semaphore, #tpu.memory_space<semaphore_mem>>
        %dma_wait3A_751 = tpu.memref_squeeze %dma_wait3A_750 : memref<1x!tpu.dma_semaphore, #tpu.memory_space<semaphore_mem>> -> memref<!tpu.dma_semaphore, #tpu.memory_space<semaphore_mem>>
        tpu.wait_indirect_dma semaphore(%dma_wait3A_751 : memref<!tpu.dma_semaphore, #tpu.memory_space<semaphore_mem>>) src(%dma_wait3A_743 : memref<128x128xf32, #tpu.memory_space<vmem>>) dst(%dma_wait3A_749 : memref<5248x128xf32, #tpu.memory_space<vmem_shared>>)
      } else {
      }
      %dma_start3A = arith.constant 0 : i32
      %dma_start3A_709 = arith.constant 0 : i32
      %dma_start3A_710 = tpu.memref_slice %arg9[%rem3A_107, %dma_start3A, %dma_start3A_709] : memref<4x128x128xf32, #tpu.memory_space<vmem>> -> memref<1x128x128xf32, #tpu.memory_space<vmem>>
      %dma_start3A_711 = tpu.memref_squeeze %dma_start3A_710 : memref<1x128x128xf32, #tpu.memory_space<vmem>> -> memref<128x128xf32, #tpu.memory_space<vmem>>
      %dma_start3A_712 = arith.constant 0 : i32
      %dma_start3A_713 = tpu.memref_slice %arg8[%rem3A_107, %dma_start3A_712] : memref<4x128xi32, #tpu.memory_space<vmem>> -> memref<1x128xi32, #tpu.memory_space<vmem>>
      %dma_start3A_714 = tpu.memref_squeeze %dma_start3A_713 : memref<1x128xi32, #tpu.memory_space<vmem>> -> memref<128xi32, #tpu.memory_space<vmem>>
      %dma_start3A_715 = arith.constant 0 : i32
      %dma_start3A_716 = arith.constant 0 : i32
      %dma_start3A_717 = tpu.memref_slice %arg10[%dma_start3A_715, %dma_start3A_716] : memref<5248x128xf32, #tpu.memory_space<vmem_shared>> -> memref<5248x128xf32, #tpu.memory_space<vmem_shared>>
      %dma_start3A_718 = tpu.memref_slice %arg13[%rem3A_107] : memref<4x!tpu.dma_semaphore, #tpu.memory_space<semaphore_mem>> -> memref<1x!tpu.dma_semaphore, #tpu.memory_space<semaphore_mem>>
      %dma_start3A_719 = tpu.memref_squeeze %dma_start3A_718 : memref<1x!tpu.dma_semaphore, #tpu.memory_space<semaphore_mem>> -> memref<!tpu.dma_semaphore, #tpu.memory_space<semaphore_mem>>
      tpu.enqueue_indirect_dma source(%dma_start3A_711 : memref<128x128xf32, #tpu.memory_space<vmem>>) target(%dma_start3A_717 : memref<5248x128xf32, #tpu.memory_space<vmem_shared>>) offsets(%dma_start3A_714 : memref<128xi32, #tpu.memory_space<vmem>>) semaphore(%dma_start3A_719 : memref<!tpu.dma_semaphore, #tpu.memory_space<semaphore_mem>>) {add = true}
      %add3A_720 = arith.constant 4 : i32
      %add3A_721 = arith.addi %while3A_105, %add3A_720 : i32
      %sub3A_722 = arith.constant 1 : i32
      %sub3A_723 = arith.subi %add3A_721, %sub3A_722 : i32
      %lt3A_724 = arith.cmpi slt, %sub3A_723, %select_n3A : i32
      %convert_element_type3A_725 = arith.extui %lt3A_724 : i1 to i32
      %cond3A_726 = arith.constant 0 : i32
      %cond3A_727 = arith.cmpi ne, %convert_element_type3A_725, %cond3A_726 : i32
      scf.if %cond3A_727 {
        %add3A_734 = arith.constant 4 : i32
        %add3A_735 = arith.addi %while3A_105, %add3A_734 : i32
        %sub3A_736 = arith.constant 1 : i32
        %sub3A_737 = arith.subi %add3A_735, %sub3A_736 : i32
        %rem3A_738 = arith.constant 6 : i32
        %rem3A_739 = arith.remsi %sub3A_737, %rem3A_738 : i32
        %mul3A_740 = arith.constant 128 : i32
        %mul3A_741 = arith.muli %sub3A_737, %mul3A_740 : i32
        %add3A_742 = arith.addi %and3A_21, %mul3A_741 : i32
        %multiple_of3A = tpu.assume_multiple %add3A_742, 8 : i32
        %dma_wait3A_743 = arith.constant 0 : i32
        %dma_wait3A_744 = tpu.memref_slice %arg7[%rem3A_739, %dma_wait3A_743] : memref<6x128xi32, #tpu.memory_space<vmem>> -> memref<1x128xi32, #tpu.memory_space<vmem>>
        %dma_wait3A_745 = tpu.memref_squeeze %dma_wait3A_744 : memref<1x128xi32, #tpu.memory_space<vmem>> -> memref<128xi32, #tpu.memory_space<vmem>>
        %dma_wait3A_746 = tpu.memref_slice %arg3[%multiple_of3A] : memref<320128xi32, #tpu.memory_space<hbm>> -> memref<128xi32, #tpu.memory_space<hbm>>
        %dma_wait3A_747 = tpu.memref_slice %arg12[%rem3A_739] : memref<6x!tpu.dma_semaphore, #tpu.memory_space<semaphore_mem>> -> memref<1x!tpu.dma_semaphore, #tpu.memory_space<semaphore_mem>>
        %dma_wait3A_748 = tpu.memref_squeeze %dma_wait3A_747 : memref<1x!tpu.dma_semaphore, #tpu.memory_space<semaphore_mem>> -> memref<!tpu.dma_semaphore, #tpu.memory_space<semaphore_mem>>
        %dma_wait3A_749 = arith.constant 0 : i32
        %dma_wait3A_750 = tpu.memref_slice %arg7[%rem3A_739, %dma_wait3A_749] : memref<6x128xi32, #tpu.memory_space<vmem>> -> memref<1x128xi32, #tpu.memory_space<vmem>>
        %dma_wait3A_751 = tpu.memref_squeeze %dma_wait3A_750 : memref<1x128xi32, #tpu.memory_space<vmem>> -> memref<128xi32, #tpu.memory_space<vmem>>
        %dma_wait3A_752 = tpu.memref_slice %arg3[%multiple_of3A] : memref<320128xi32, #tpu.memory_space<hbm>> -> memref<128xi32, #tpu.memory_space<hbm>>
        tpu.wait_dma2 semaphore(%dma_wait3A_748 : memref<!tpu.dma_semaphore, #tpu.memory_space<semaphore_mem>>) src(%dma_wait3A_752 : memref<128xi32, #tpu.memory_space<hbm>>) dst(%dma_wait3A_751 : memref<128xi32, #tpu.memory_space<vmem>>)
        %rem3A_753 = arith.constant 6 : i32
        %rem3A_754 = arith.remsi %sub3A_737, %rem3A_753 : i32
        %rem3A_755 = arith.constant 4 : i32
        %rem3A_756 = arith.remsi %sub3A_737, %rem3A_755 : i32
        %dma_start3A_757 = arith.constant 0 : i32
        %dma_start3A_758 = arith.constant 0 : i32
        %dma_start3A_759 = tpu.memref_slice %arg9[%rem3A_756, %dma_start3A_757, %dma_start3A_758] : memref<4x128x128xf32, #tpu.memory_space<vmem>> -> memref<1x128x128xf32, #tpu.memory_space<vmem>>
        %dma_start3A_760 = tpu.memref_squeeze %dma_start3A_759 : memref<1x128x128xf32, #tpu.memory_space<vmem>> -> memref<128x128xf32, #tpu.memory_space<vmem>>
        %dma_start3A_761 = arith.constant 0 : i32
        %dma_start3A_762 = tpu.memref_slice %arg7[%rem3A_754, %dma_start3A_761] : memref<6x128xi32, #tpu.memory_space<vmem>> -> memref<1x128xi32, #tpu.memory_space<vmem>>
        %dma_start3A_763 = tpu.memref_squeeze %dma_start3A_762 : memref<1x128xi32, #tpu.memory_space<vmem>> -> memref<128xi32, #tpu.memory_space<vmem>>
        %dma_start3A_764 = arith.constant 0 : i32
        %dma_start3A_765 = arith.constant 0 : i32
        %dma_start3A_766 = tpu.memref_slice %arg2[%dma_start3A_764, %dma_start3A_765] : memref<10000x128xf32, #tpu.memory_space<hbm>> -> memref<10000x128xf32, #tpu.memory_space<hbm>>
        %dma_start3A_767 = tpu.memref_slice %arg11[%rem3A_756] : memref<4x!tpu.dma_semaphore, #tpu.memory_space<semaphore_mem>> -> memref<1x!tpu.dma_semaphore, #tpu.memory_space<semaphore_mem>>
        %dma_start3A_768 = tpu.memref_squeeze %dma_start3A_767 : memref<1x!tpu.dma_semaphore, #tpu.memory_space<semaphore_mem>> -> memref<!tpu.dma_semaphore, #tpu.memory_space<semaphore_mem>>
        tpu.enqueue_indirect_dma source(%dma_start3A_766 : memref<10000x128xf32, #tpu.memory_space<hbm>>) target(%dma_start3A_760 : memref<128x128xf32, #tpu.memory_space<vmem>>) offsets(%dma_start3A_763 : memref<128xi32, #tpu.memory_space<vmem>>) semaphore(%dma_start3A_768 : memref<!tpu.dma_semaphore, #tpu.memory_space<semaphore_mem>>)
      } else {
      }
      %add3A_728 = arith.constant 6 : i32
      %add3A_729 = arith.addi %while3A_105, %add3A_728 : i32
      %lt3A_730 = arith.cmpi slt, %add3A_729, %select_n3A : i32
      %convert_element_type3A_731 = arith.extui %lt3A_730 : i1 to i32
      %cond3A_732 = arith.constant 0 : i32
      %cond3A_733 = arith.cmpi ne, %convert_element_type3A_731, %cond3A_732 : i32
      scf.if %cond3A_733 {
        %add3A_734 = arith.constant 6 : i32
        %add3A_735 = arith.addi %while3A_105, %add3A_734 : i32
        %rem3A_736 = arith.constant 6 : i32
        %rem3A_737 = arith.remsi %add3A_735, %rem3A_736 : i32
        %mul3A_738 = arith.constant 128 : i32
        %mul3A_739 = arith.muli %add3A_735, %mul3A_738 : i32
        %add3A_740 = arith.addi %and3A_21, %mul3A_739 : i32
        %multiple_of3A = tpu.assume_multiple %add3A_740, 8 : i32
        %dma_start3A_741 = arith.constant 0 : i32
        %dma_start3A_742 = tpu.memref_slice %arg7[%rem3A_737, %dma_start3A_741] : memref<6x128xi32, #tpu.memory_space<vmem>> -> memref<1x128xi32, #tpu.memory_space<vmem>>
        %dma_start3A_743 = tpu.memref_squeeze %dma_start3A_742 : memref<1x128xi32, #tpu.memory_space<vmem>> -> memref<128xi32, #tpu.memory_space<vmem>>
        %dma_start3A_744 = tpu.memref_slice %arg3[%multiple_of3A] : memref<320128xi32, #tpu.memory_space<hbm>> -> memref<128xi32, #tpu.memory_space<hbm>>
        %dma_start3A_745 = tpu.memref_slice %arg12[%rem3A_737] : memref<6x!tpu.dma_semaphore, #tpu.memory_space<semaphore_mem>> -> memref<1x!tpu.dma_semaphore, #tpu.memory_space<semaphore_mem>>
        %dma_start3A_746 = tpu.memref_squeeze %dma_start3A_745 : memref<1x!tpu.dma_semaphore, #tpu.memory_space<semaphore_mem>> -> memref<!tpu.dma_semaphore, #tpu.memory_space<semaphore_mem>>
        %dma_start3A_747 = arith.constant 0 : i32
        %dma_start3A_748 = tpu.memref_slice %arg7[%rem3A_737, %dma_start3A_747] : memref<6x128xi32, #tpu.memory_space<vmem>> -> memref<1x128xi32, #tpu.memory_space<vmem>>
        %dma_start3A_749 = tpu.memref_squeeze %dma_start3A_748 : memref<1x128xi32, #tpu.memory_space<vmem>> -> memref<128xi32, #tpu.memory_space<vmem>>
        %dma_start3A_750 = tpu.memref_slice %arg3[%multiple_of3A] : memref<320128xi32, #tpu.memory_space<hbm>> -> memref<128xi32, #tpu.memory_space<hbm>>
        tpu.enqueue_dma source(%dma_start3A_750 : memref<128xi32, #tpu.memory_space<hbm>>) target(%dma_start3A_749 : memref<128xi32, #tpu.memory_space<vmem>>) target_semaphore(%dma_start3A_746 : memref<!tpu.dma_semaphore, #tpu.memory_space<semaphore_mem>>)
      } else {
      }
    }
    %while3A_92 = arith.constant 1 : i32
    scf.for %while3A_105 = %while3A_90 to %while3A_86 step %while3A_92  : i32 {
      %rem3A_106 = arith.constant 4 : i32
      %rem3A_107 = arith.remsi %while3A_105, %rem3A_106 : i32
      %rem3A_108 = arith.constant 6 : i32
      %rem3A_109 = arith.remsi %while3A_105, %rem3A_108 : i32
      %dma_wait3A = arith.constant 0 : i32
      %dma_wait3A_110 = arith.constant 0 : i32
      %dma_wait3A_111 = tpu.memref_slice %arg9[%rem3A_107, %dma_wait3A, %dma_wait3A_110] : memref<4x128x128xf32, #tpu.memory_space<vmem>> -> memref<1x128x128xf32, #tpu.memory_space<vmem>>
      %dma_wait3A_112 = tpu.memref_squeeze %dma_wait3A_111 : memref<1x128x128xf32, #tpu.memory_space<vmem>> -> memref<128x128xf32, #tpu.memory_space<vmem>>
      %dma_wait3A_113 = arith.constant 0 : i32
      %dma_wait3A_114 = tpu.memref_slice %arg7[%rem3A_109, %dma_wait3A_113] : memref<6x128xi32, #tpu.memory_space<vmem>> -> memref<1x128xi32, #tpu.memory_space<vmem>>
      %dma_wait3A_115 = tpu.memref_squeeze %dma_wait3A_114 : memref<1x128xi32, #tpu.memory_space<vmem>> -> memref<128xi32, #tpu.memory_space<vmem>>
      %dma_wait3A_116 = arith.constant 0 : i32
      %dma_wait3A_117 = arith.constant 0 : i32
      %dma_wait3A_118 = tpu.memref_slice %arg2[%dma_wait3A_116, %dma_wait3A_117] : memref<10000x128xf32, #tpu.memory_space<hbm>> -> memref<10000x128xf32, #tpu.memory_space<hbm>>
      %dma_wait3A_119 = tpu.memref_slice %arg11[%rem3A_107] : memref<4x!tpu.dma_semaphore, #tpu.memory_space<semaphore_mem>> -> memref<1x!tpu.dma_semaphore, #tpu.memory_space<semaphore_mem>>
      %dma_wait3A_120 = tpu.memref_squeeze %dma_wait3A_119 : memref<1x!tpu.dma_semaphore, #tpu.memory_space<semaphore_mem>> -> memref<!tpu.dma_semaphore, #tpu.memory_space<semaphore_mem>>
      tpu.wait_indirect_dma semaphore(%dma_wait3A_120 : memref<!tpu.dma_semaphore, #tpu.memory_space<semaphore_mem>>) src(%dma_wait3A_118 : memref<10000x128xf32, #tpu.memory_space<hbm>>) dst(%dma_wait3A_112 : memref<128x128xf32, #tpu.memory_space<vmem>>)
      %mul3A_121 = arith.constant 128 : i32
      %mul3A_122 = arith.muli %while3A_105, %mul3A_121 : i32
      %add3A_123 = arith.addi %and3A_21, %mul3A_122 : i32
      %add3A_124 = arith.constant 0 : i32
      %add3A_125 = arith.addi %add3A_123, %add3A_124 : i32
      %add3A_126 = vector.broadcast %add3A_125 : i32 to vector<16xi32>
      %add3A_127 = arith.addi %add3A_126, %iota3A : vector<16xi32>
      %broadcast_in_dim3A = arith.constant 0 : i32
      %broadcast_in_dim3A_128 = vector.broadcast %broadcast_in_dim3A : i32 to vector<16xi32>
      %add3A_129 = arith.constant 256 : i32
      %add3A_130 = vector.broadcast %add3A_129 : i32 to vector<16xi32>
      %add3A_131 = arith.addi %broadcast_in_dim3A_128, %add3A_130 : vector<16xi32>
      %gather3A = tpu.vector_load_idx %arg6[%add3A_131] : memref<512xi32, #tpu.memory_space<vmem>>[vector<16xi32>], vector<16xi32>,
      %le3A = arith.cmpi sle, %gather3A, %add3A_127 : vector<16xi32>
      %select_n3A_132 = arith.select %le3A, %add3A_131, %broadcast_in_dim3A_128 : vector<16xi1>, vector<16xi32>
      %add3A_133 = arith.constant 128 : i32
      %add3A_134 = vector.broadcast %add3A_133 : i32 to vector<16xi32>
      %add3A_135 = arith.addi %select_n3A_132, %add3A_134 : vector<16xi32>
      %gather3A_136 = tpu.vector_load_idx %arg6[%add3A_135] : memref<512xi32, #tpu.memory_space<vmem>>[vector<16xi32>], vector<16xi32>,
      %le3A_137 = arith.cmpi sle, %gather3A_136, %add3A_127 : vector<16xi32>
      %select_n3A_138 = arith.select %le3A_137, %add3A_135, %select_n3A_132 : vector<16xi1>, vector<16xi32>
      %add3A_139 = arith.constant 64 : i32
      %add3A_140 = vector.broadcast %add3A_139 : i32 to vector<16xi32>
      %add3A_141 = arith.addi %select_n3A_138, %add3A_140 : vector<16xi32>
      %gather3A_142 = tpu.vector_load_idx %arg6[%add3A_141] : memref<512xi32, #tpu.memory_space<vmem>>[vector<16xi32>], vector<16xi32>,
      %le3A_143 = arith.cmpi sle, %gather3A_142, %add3A_127 : vector<16xi32>
      %select_n3A_144 = arith.select %le3A_143, %add3A_141, %select_n3A_138 : vector<16xi1>, vector<16xi32>
      %add3A_145 = arith.constant 32 : i32
      %add3A_146 = vector.broadcast %add3A_145 : i32 to vector<16xi32>
      %add3A_147 = arith.addi %select_n3A_144, %add3A_146 : vector<16xi32>
      %gather3A_148 = tpu.vector_load_idx %arg6[%add3A_147] : memref<512xi32, #tpu.memory_space<vmem>>[vector<16xi32>], vector<16xi32>,
      %le3A_149 = arith.cmpi sle, %gather3A_148, %add3A_127 : vector<16xi32>
      %select_n3A_150 = arith.select %le3A_149, %add3A_147, %select_n3A_144 : vector<16xi1>, vector<16xi32>
      %add3A_151 = arith.constant 16 : i32
      %add3A_152 = vector.broadcast %add3A_151 : i32 to vector<16xi32>
      %add3A_153 = arith.addi %select_n3A_150, %add3A_152 : vector<16xi32>
      %gather3A_154 = tpu.vector_load_idx %arg6[%add3A_153] : memref<512xi32, #tpu.memory_space<vmem>>[vector<16xi32>], vector<16xi32>,
      %le3A_155 = arith.cmpi sle, %gather3A_154, %add3A_127 : vector<16xi32>
      %select_n3A_156 = arith.select %le3A_155, %add3A_153, %select_n3A_150 : vector<16xi1>, vector<16xi32>
      %add3A_157 = arith.constant 8 : i32
      %add3A_158 = vector.broadcast %add3A_157 : i32 to vector<16xi32>
      %add3A_159 = arith.addi %select_n3A_156, %add3A_158 : vector<16xi32>
      %gather3A_160 = tpu.vector_load_idx %arg6[%add3A_159] : memref<512xi32, #tpu.memory_space<vmem>>[vector<16xi32>], vector<16xi32>,
      %le3A_161 = arith.cmpi sle, %gather3A_160, %add3A_127 : vector<16xi32>
      %select_n3A_162 = arith.select %le3A_161, %add3A_159, %select_n3A_156 : vector<16xi1>, vector<16xi32>
      %add3A_163 = arith.constant 4 : i32
      %add3A_164 = vector.broadcast %add3A_163 : i32 to vector<16xi32>
      %add3A_165 = arith.addi %select_n3A_162, %add3A_164 : vector<16xi32>
      %gather3A_166 = tpu.vector_load_idx %arg6[%add3A_165] : memref<512xi32, #tpu.memory_space<vmem>>[vector<16xi32>], vector<16xi32>,
      %le3A_167 = arith.cmpi sle, %gather3A_166, %add3A_127 : vector<16xi32>
      %select_n3A_168 = arith.select %le3A_167, %add3A_165, %select_n3A_162 : vector<16xi1>, vector<16xi32>
      %add3A_169 = arith.constant 2 : i32
      %add3A_170 = vector.broadcast %add3A_169 : i32 to vector<16xi32>
      %add3A_171 = arith.addi %select_n3A_168, %add3A_170 : vector<16xi32>
      %gather3A_172 = tpu.vector_load_idx %arg6[%add3A_171] : memref<512xi32, #tpu.memory_space<vmem>>[vector<16xi32>], vector<16xi32>,
      %le3A_173 = arith.cmpi sle, %gather3A_172, %add3A_127 : vector<16xi32>
      %select_n3A_174 = arith.select %le3A_173, %add3A_171, %select_n3A_168 : vector<16xi1>, vector<16xi32>
      %add3A_175 = arith.constant 1 : i32
      %add3A_176 = vector.broadcast %add3A_175 : i32 to vector<16xi32>
      %add3A_177 = arith.addi %select_n3A_174, %add3A_176 : vector<16xi32>
      %gather3A_178 = tpu.vector_load_idx %arg6[%add3A_177] : memref<512xi32, #tpu.memory_space<vmem>>[vector<16xi32>], vector<16xi32>,
      %le3A_179 = arith.cmpi sle, %gather3A_178, %add3A_127 : vector<16xi32>
      %select_n3A_180 = arith.select %le3A_179, %add3A_177, %select_n3A_174 : vector<16xi1>, vector<16xi32>
      %ge3A_181 = vector.broadcast %squeeze3A : i32 to vector<16xi32>
      %ge3A_182 = arith.cmpi sge, %add3A_127, %ge3A_181 : vector<16xi32>
      %lt3A_183 = vector.broadcast %squeeze3A_20 : i32 to vector<16xi32>
      %lt3A_184 = arith.cmpi slt, %add3A_127, %lt3A_183 : vector<16xi32>
      %and3A_185 = arith.andi %ge3A_182, %lt3A_184 : vector<16xi1>
      %jit3A_186 = arith.constant 320 : i32
      %broadcast_in_dim3A_187 = vector.broadcast %jit3A_186 : i32 to vector<16xi32>
      %select_n3A_188 = arith.select %and3A_185, %select_n3A_180, %broadcast_in_dim3A_187 : vector<16xi1>, vector<16xi32>
      %add3A_189 = vector.broadcast %mul3A_4 : i32 to vector<16xi32>
      %add3A_190 = arith.addi %add3A_189, %select_n3A_188 : vector<16xi32>
      %swap3A = arith.index_cast %rem3A_107 : i32 to index
      %swap3A_191 = arith.constant 0 : index
      %swap3A_192 = tpu.vector_load %arg8[%swap3A, %swap3A_191] {strides = array<i32>} : memref<4x128xi32, #tpu.memory_space<vmem>>, vector<16xi32>,
      tpu.vector_store %arg8[%swap3A, %swap3A_191], %add3A_190 {strides = array<i32>} : memref<4x128xi32, #tpu.memory_space<vmem>>, vector<16xi32>,
      %add3A_193 = arith.constant 16 : i32
      %add3A_194 = arith.addi %add3A_123, %add3A_193 : i32
      %add3A_195 = vector.broadcast %add3A_194 : i32 to vector<16xi32>
      %add3A_196 = arith.addi %add3A_195, %iota3A : vector<16xi32>
      %broadcast_in_dim3A_197 = arith.constant 0 : i32
      %broadcast_in_dim3A_198 = vector.broadcast %broadcast_in_dim3A_197 : i32 to vector<16xi32>
      %add3A_199 = arith.constant 256 : i32
      %add3A_200 = vector.broadcast %add3A_199 : i32 to vector<16xi32>
      %add3A_201 = arith.addi %broadcast_in_dim3A_198, %add3A_200 : vector<16xi32>
      %gather3A_202 = tpu.vector_load_idx %arg6[%add3A_201] : memref<512xi32, #tpu.memory_space<vmem>>[vector<16xi32>], vector<16xi32>,
      %le3A_203 = arith.cmpi sle, %gather3A_202, %add3A_196 : vector<16xi32>
      %select_n3A_204 = arith.select %le3A_203, %add3A_201, %broadcast_in_dim3A_198 : vector<16xi1>, vector<16xi32>
      %add3A_205 = arith.constant 128 : i32
      %add3A_206 = vector.broadcast %add3A_205 : i32 to vector<16xi32>
      %add3A_207 = arith.addi %select_n3A_204, %add3A_206 : vector<16xi32>
      %gather3A_208 = tpu.vector_load_idx %arg6[%add3A_207] : memref<512xi32, #tpu.memory_space<vmem>>[vector<16xi32>], vector<16xi32>,
      %le3A_209 = arith.cmpi sle, %gather3A_208, %add3A_196 : vector<16xi32>
      %select_n3A_210 = arith.select %le3A_209, %add3A_207, %select_n3A_204 : vector<16xi1>, vector<16xi32>
      %add3A_211 = arith.constant 64 : i32
      %add3A_212 = vector.broadcast %add3A_211 : i32 to vector<16xi32>
      %add3A_213 = arith.addi %select_n3A_210, %add3A_212 : vector<16xi32>
      %gather3A_214 = tpu.vector_load_idx %arg6[%add3A_213] : memref<512xi32, #tpu.memory_space<vmem>>[vector<16xi32>], vector<16xi32>,
      %le3A_215 = arith.cmpi sle, %gather3A_214, %add3A_196 : vector<16xi32>
      %select_n3A_216 = arith.select %le3A_215, %add3A_213, %select_n3A_210 : vector<16xi1>, vector<16xi32>
      %add3A_217 = arith.constant 32 : i32
      %add3A_218 = vector.broadcast %add3A_217 : i32 to vector<16xi32>
      %add3A_219 = arith.addi %select_n3A_216, %add3A_218 : vector<16xi32>
      %gather3A_220 = tpu.vector_load_idx %arg6[%add3A_219] : memref<512xi32, #tpu.memory_space<vmem>>[vector<16xi32>], vector<16xi32>,
      %le3A_221 = arith.cmpi sle, %gather3A_220, %add3A_196 : vector<16xi32>
      %select_n3A_222 = arith.select %le3A_221, %add3A_219, %select_n3A_216 : vector<16xi1>, vector<16xi32>
      %add3A_223 = arith.constant 16 : i32
      %add3A_224 = vector.broadcast %add3A_223 : i32 to vector<16xi32>
      %add3A_225 = arith.addi %select_n3A_222, %add3A_224 : vector<16xi32>
      %gather3A_226 = tpu.vector_load_idx %arg6[%add3A_225] : memref<512xi32, #tpu.memory_space<vmem>>[vector<16xi32>], vector<16xi32>,
      %le3A_227 = arith.cmpi sle, %gather3A_226, %add3A_196 : vector<16xi32>
      %select_n3A_228 = arith.select %le3A_227, %add3A_225, %select_n3A_222 : vector<16xi1>, vector<16xi32>
      %add3A_229 = arith.constant 8 : i32
      %add3A_230 = vector.broadcast %add3A_229 : i32 to vector<16xi32>
      %add3A_231 = arith.addi %select_n3A_228, %add3A_230 : vector<16xi32>
      %gather3A_232 = tpu.vector_load_idx %arg6[%add3A_231] : memref<512xi32, #tpu.memory_space<vmem>>[vector<16xi32>], vector<16xi32>,
      %le3A_233 = arith.cmpi sle, %gather3A_232, %add3A_196 : vector<16xi32>
      %select_n3A_234 = arith.select %le3A_233, %add3A_231, %select_n3A_228 : vector<16xi1>, vector<16xi32>
      %add3A_235 = arith.constant 4 : i32
      %add3A_236 = vector.broadcast %add3A_235 : i32 to vector<16xi32>
      %add3A_237 = arith.addi %select_n3A_234, %add3A_236 : vector<16xi32>
      %gather3A_238 = tpu.vector_load_idx %arg6[%add3A_237] : memref<512xi32, #tpu.memory_space<vmem>>[vector<16xi32>], vector<16xi32>,
      %le3A_239 = arith.cmpi sle, %gather3A_238, %add3A_196 : vector<16xi32>
      %select_n3A_240 = arith.select %le3A_239, %add3A_237, %select_n3A_234 : vector<16xi1>, vector<16xi32>
      %add3A_241 = arith.constant 2 : i32
      %add3A_242 = vector.broadcast %add3A_241 : i32 to vector<16xi32>
      %add3A_243 = arith.addi %select_n3A_240, %add3A_242 : vector<16xi32>
      %gather3A_244 = tpu.vector_load_idx %arg6[%add3A_243] : memref<512xi32, #tpu.memory_space<vmem>>[vector<16xi32>], vector<16xi32>,
      %le3A_245 = arith.cmpi sle, %gather3A_244, %add3A_196 : vector<16xi32>
      %select_n3A_246 = arith.select %le3A_245, %add3A_243, %select_n3A_240 : vector<16xi1>, vector<16xi32>
      %add3A_247 = arith.constant 1 : i32
      %add3A_248 = vector.broadcast %add3A_247 : i32 to vector<16xi32>
      %add3A_249 = arith.addi %select_n3A_246, %add3A_248 : vector<16xi32>
      %gather3A_250 = tpu.vector_load_idx %arg6[%add3A_249] : memref<512xi32, #tpu.memory_space<vmem>>[vector<16xi32>], vector<16xi32>,
      %le3A_251 = arith.cmpi sle, %gather3A_250, %add3A_196 : vector<16xi32>
      %select_n3A_252 = arith.select %le3A_251, %add3A_249, %select_n3A_246 : vector<16xi1>, vector<16xi32>
      %ge3A_253 = vector.broadcast %squeeze3A : i32 to vector<16xi32>
      %ge3A_254 = arith.cmpi sge, %add3A_196, %ge3A_253 : vector<16xi32>
      %lt3A_255 = vector.broadcast %squeeze3A_20 : i32 to vector<16xi32>
      %lt3A_256 = arith.cmpi slt, %add3A_196, %lt3A_255 : vector<16xi32>
      %and3A_257 = arith.andi %ge3A_254, %lt3A_256 : vector<16xi1>
      %jit3A_258 = arith.constant 320 : i32
      %broadcast_in_dim3A_259 = vector.broadcast %jit3A_258 : i32 to vector<16xi32>
      %select_n3A_260 = arith.select %and3A_257, %select_n3A_252, %broadcast_in_dim3A_259 : vector<16xi1>, vector<16xi32>
      %add3A_261 = vector.broadcast %mul3A_4 : i32 to vector<16xi32>
      %add3A_262 = arith.addi %add3A_261, %select_n3A_260 : vector<16xi32>
      %swap3A_263 = arith.index_cast %rem3A_107 : i32 to index
      %swap3A_264 = arith.constant 16 : index
      %swap3A_265 = tpu.vector_load %arg8[%swap3A_263, %swap3A_264] {strides = array<i32>} : memref<4x128xi32, #tpu.memory_space<vmem>>, vector<16xi32>,
      tpu.vector_store %arg8[%swap3A_263, %swap3A_264], %add3A_262 {strides = array<i32>} : memref<4x128xi32, #tpu.memory_space<vmem>>, vector<16xi32>,
      %add3A_266 = arith.constant 32 : i32
      %add3A_267 = arith.addi %add3A_123, %add3A_266 : i32
      %add3A_268 = vector.broadcast %add3A_267 : i32 to vector<16xi32>
      %add3A_269 = arith.addi %add3A_268, %iota3A : vector<16xi32>
      %broadcast_in_dim3A_270 = arith.constant 0 : i32
      %broadcast_in_dim3A_271 = vector.broadcast %broadcast_in_dim3A_270 : i32 to vector<16xi32>
      %add3A_272 = arith.constant 256 : i32
      %add3A_273 = vector.broadcast %add3A_272 : i32 to vector<16xi32>
      %add3A_274 = arith.addi %broadcast_in_dim3A_271, %add3A_273 : vector<16xi32>
      %gather3A_275 = tpu.vector_load_idx %arg6[%add3A_274] : memref<512xi32, #tpu.memory_space<vmem>>[vector<16xi32>], vector<16xi32>,
      %le3A_276 = arith.cmpi sle, %gather3A_275, %add3A_269 : vector<16xi32>
      %select_n3A_277 = arith.select %le3A_276, %add3A_274, %broadcast_in_dim3A_271 : vector<16xi1>, vector<16xi32>
      %add3A_278 = arith.constant 128 : i32
      %add3A_279 = vector.broadcast %add3A_278 : i32 to vector<16xi32>
      %add3A_280 = arith.addi %select_n3A_277, %add3A_279 : vector<16xi32>
      %gather3A_281 = tpu.vector_load_idx %arg6[%add3A_280] : memref<512xi32, #tpu.memory_space<vmem>>[vector<16xi32>], vector<16xi32>,
      %le3A_282 = arith.cmpi sle, %gather3A_281, %add3A_269 : vector<16xi32>
      %select_n3A_283 = arith.select %le3A_282, %add3A_280, %select_n3A_277 : vector<16xi1>, vector<16xi32>
      %add3A_284 = arith.constant 64 : i32
      %add3A_285 = vector.broadcast %add3A_284 : i32 to vector<16xi32>
      %add3A_286 = arith.addi %select_n3A_283, %add3A_285 : vector<16xi32>
      %gather3A_287 = tpu.vector_load_idx %arg6[%add3A_286] : memref<512xi32, #tpu.memory_space<vmem>>[vector<16xi32>], vector<16xi32>,
      %le3A_288 = arith.cmpi sle, %gather3A_287, %add3A_269 : vector<16xi32>
      %select_n3A_289 = arith.select %le3A_288, %add3A_286, %select_n3A_283 : vector<16xi1>, vector<16xi32>
      %add3A_290 = arith.constant 32 : i32
      %add3A_291 = vector.broadcast %add3A_290 : i32 to vector<16xi32>
      %add3A_292 = arith.addi %select_n3A_289, %add3A_291 : vector<16xi32>
      %gather3A_293 = tpu.vector_load_idx %arg6[%add3A_292] : memref<512xi32, #tpu.memory_space<vmem>>[vector<16xi32>], vector<16xi32>,
      %le3A_294 = arith.cmpi sle, %gather3A_293, %add3A_269 : vector<16xi32>
      %select_n3A_295 = arith.select %le3A_294, %add3A_292, %select_n3A_289 : vector<16xi1>, vector<16xi32>
      %add3A_296 = arith.constant 16 : i32
      %add3A_297 = vector.broadcast %add3A_296 : i32 to vector<16xi32>
      %add3A_298 = arith.addi %select_n3A_295, %add3A_297 : vector<16xi32>
      %gather3A_299 = tpu.vector_load_idx %arg6[%add3A_298] : memref<512xi32, #tpu.memory_space<vmem>>[vector<16xi32>], vector<16xi32>,
      %le3A_300 = arith.cmpi sle, %gather3A_299, %add3A_269 : vector<16xi32>
      %select_n3A_301 = arith.select %le3A_300, %add3A_298, %select_n3A_295 : vector<16xi1>, vector<16xi32>
      %add3A_302 = arith.constant 8 : i32
      %add3A_303 = vector.broadcast %add3A_302 : i32 to vector<16xi32>
      %add3A_304 = arith.addi %select_n3A_301, %add3A_303 : vector<16xi32>
      %gather3A_305 = tpu.vector_load_idx %arg6[%add3A_304] : memref<512xi32, #tpu.memory_space<vmem>>[vector<16xi32>], vector<16xi32>,
      %le3A_306 = arith.cmpi sle, %gather3A_305, %add3A_269 : vector<16xi32>
      %select_n3A_307 = arith.select %le3A_306, %add3A_304, %select_n3A_301 : vector<16xi1>, vector<16xi32>
      %add3A_308 = arith.constant 4 : i32
      %add3A_309 = vector.broadcast %add3A_308 : i32 to vector<16xi32>
      %add3A_310 = arith.addi %select_n3A_307, %add3A_309 : vector<16xi32>
      %gather3A_311 = tpu.vector_load_idx %arg6[%add3A_310] : memref<512xi32, #tpu.memory_space<vmem>>[vector<16xi32>], vector<16xi32>,
      %le3A_312 = arith.cmpi sle, %gather3A_311, %add3A_269 : vector<16xi32>
      %select_n3A_313 = arith.select %le3A_312, %add3A_310, %select_n3A_307 : vector<16xi1>, vector<16xi32>
      %add3A_314 = arith.constant 2 : i32
      %add3A_315 = vector.broadcast %add3A_314 : i32 to vector<16xi32>
      %add3A_316 = arith.addi %select_n3A_313, %add3A_315 : vector<16xi32>
      %gather3A_317 = tpu.vector_load_idx %arg6[%add3A_316] : memref<512xi32, #tpu.memory_space<vmem>>[vector<16xi32>], vector<16xi32>,
      %le3A_318 = arith.cmpi sle, %gather3A_317, %add3A_269 : vector<16xi32>
      %select_n3A_319 = arith.select %le3A_318, %add3A_316, %select_n3A_313 : vector<16xi1>, vector<16xi32>
      %add3A_320 = arith.constant 1 : i32
      %add3A_321 = vector.broadcast %add3A_320 : i32 to vector<16xi32>
      %add3A_322 = arith.addi %select_n3A_319, %add3A_321 : vector<16xi32>
      %gather3A_323 = tpu.vector_load_idx %arg6[%add3A_322] : memref<512xi32, #tpu.memory_space<vmem>>[vector<16xi32>], vector<16xi32>,
      %le3A_324 = arith.cmpi sle, %gather3A_323, %add3A_269 : vector<16xi32>
      %select_n3A_325 = arith.select %le3A_324, %add3A_322, %select_n3A_319 : vector<16xi1>, vector<16xi32>
      %ge3A_326 = vector.broadcast %squeeze3A : i32 to vector<16xi32>
      %ge3A_327 = arith.cmpi sge, %add3A_269, %ge3A_326 : vector<16xi32>
      %lt3A_328 = vector.broadcast %squeeze3A_20 : i32 to vector<16xi32>
      %lt3A_329 = arith.cmpi slt, %add3A_269, %lt3A_328 : vector<16xi32>
      %and3A_330 = arith.andi %ge3A_327, %lt3A_329 : vector<16xi1>
      %jit3A_331 = arith.constant 320 : i32
      %broadcast_in_dim3A_332 = vector.broadcast %jit3A_331 : i32 to vector<16xi32>
      %select_n3A_333 = arith.select %and3A_330, %select_n3A_325, %broadcast_in_dim3A_332 : vector<16xi1>, vector<16xi32>
      %add3A_334 = vector.broadcast %mul3A_4 : i32 to vector<16xi32>
      %add3A_335 = arith.addi %add3A_334, %select_n3A_333 : vector<16xi32>
      %swap3A_336 = arith.index_cast %rem3A_107 : i32 to index
      %swap3A_337 = arith.constant 32 : index
      %swap3A_338 = tpu.vector_load %arg8[%swap3A_336, %swap3A_337] {strides = array<i32>} : memref<4x128xi32, #tpu.memory_space<vmem>>, vector<16xi32>,
      tpu.vector_store %arg8[%swap3A_336, %swap3A_337], %add3A_335 {strides = array<i32>} : memref<4x128xi32, #tpu.memory_space<vmem>>, vector<16xi32>,
      %add3A_339 = arith.constant 48 : i32
      %add3A_340 = arith.addi %add3A_123, %add3A_339 : i32
      %add3A_341 = vector.broadcast %add3A_340 : i32 to vector<16xi32>
      %add3A_342 = arith.addi %add3A_341, %iota3A : vector<16xi32>
      %broadcast_in_dim3A_343 = arith.constant 0 : i32
      %broadcast_in_dim3A_344 = vector.broadcast %broadcast_in_dim3A_343 : i32 to vector<16xi32>
      %add3A_345 = arith.constant 256 : i32
      %add3A_346 = vector.broadcast %add3A_345 : i32 to vector<16xi32>
      %add3A_347 = arith.addi %broadcast_in_dim3A_344, %add3A_346 : vector<16xi32>
      %gather3A_348 = tpu.vector_load_idx %arg6[%add3A_347] : memref<512xi32, #tpu.memory_space<vmem>>[vector<16xi32>], vector<16xi32>,
      %le3A_349 = arith.cmpi sle, %gather3A_348, %add3A_342 : vector<16xi32>
      %select_n3A_350 = arith.select %le3A_349, %add3A_347, %broadcast_in_dim3A_344 : vector<16xi1>, vector<16xi32>
      %add3A_351 = arith.constant 128 : i32
      %add3A_352 = vector.broadcast %add3A_351 : i32 to vector<16xi32>
      %add3A_353 = arith.addi %select_n3A_350, %add3A_352 : vector<16xi32>
      %gather3A_354 = tpu.vector_load_idx %arg6[%add3A_353] : memref<512xi32, #tpu.memory_space<vmem>>[vector<16xi32>], vector<16xi32>,
      %le3A_355 = arith.cmpi sle, %gather3A_354, %add3A_342 : vector<16xi32>
      %select_n3A_356 = arith.select %le3A_355, %add3A_353, %select_n3A_350 : vector<16xi1>, vector<16xi32>
      %add3A_357 = arith.constant 64 : i32
      %add3A_358 = vector.broadcast %add3A_357 : i32 to vector<16xi32>
      %add3A_359 = arith.addi %select_n3A_356, %add3A_358 : vector<16xi32>
      %gather3A_360 = tpu.vector_load_idx %arg6[%add3A_359] : memref<512xi32, #tpu.memory_space<vmem>>[vector<16xi32>], vector<16xi32>,
      %le3A_361 = arith.cmpi sle, %gather3A_360, %add3A_342 : vector<16xi32>
      %select_n3A_362 = arith.select %le3A_361, %add3A_359, %select_n3A_356 : vector<16xi1>, vector<16xi32>
      %add3A_363 = arith.constant 32 : i32
      %add3A_364 = vector.broadcast %add3A_363 : i32 to vector<16xi32>
      %add3A_365 = arith.addi %select_n3A_362, %add3A_364 : vector<16xi32>
      %gather3A_366 = tpu.vector_load_idx %arg6[%add3A_365] : memref<512xi32, #tpu.memory_space<vmem>>[vector<16xi32>], vector<16xi32>,
      %le3A_367 = arith.cmpi sle, %gather3A_366, %add3A_342 : vector<16xi32>
      %select_n3A_368 = arith.select %le3A_367, %add3A_365, %select_n3A_362 : vector<16xi1>, vector<16xi32>
      %add3A_369 = arith.constant 16 : i32
      %add3A_370 = vector.broadcast %add3A_369 : i32 to vector<16xi32>
      %add3A_371 = arith.addi %select_n3A_368, %add3A_370 : vector<16xi32>
      %gather3A_372 = tpu.vector_load_idx %arg6[%add3A_371] : memref<512xi32, #tpu.memory_space<vmem>>[vector<16xi32>], vector<16xi32>,
      %le3A_373 = arith.cmpi sle, %gather3A_372, %add3A_342 : vector<16xi32>
      %select_n3A_374 = arith.select %le3A_373, %add3A_371, %select_n3A_368 : vector<16xi1>, vector<16xi32>
      %add3A_375 = arith.constant 8 : i32
      %add3A_376 = vector.broadcast %add3A_375 : i32 to vector<16xi32>
      %add3A_377 = arith.addi %select_n3A_374, %add3A_376 : vector<16xi32>
      %gather3A_378 = tpu.vector_load_idx %arg6[%add3A_377] : memref<512xi32, #tpu.memory_space<vmem>>[vector<16xi32>], vector<16xi32>,
      %le3A_379 = arith.cmpi sle, %gather3A_378, %add3A_342 : vector<16xi32>
      %select_n3A_380 = arith.select %le3A_379, %add3A_377, %select_n3A_374 : vector<16xi1>, vector<16xi32>
      %add3A_381 = arith.constant 4 : i32
      %add3A_382 = vector.broadcast %add3A_381 : i32 to vector<16xi32>
      %add3A_383 = arith.addi %select_n3A_380, %add3A_382 : vector<16xi32>
      %gather3A_384 = tpu.vector_load_idx %arg6[%add3A_383] : memref<512xi32, #tpu.memory_space<vmem>>[vector<16xi32>], vector<16xi32>,
      %le3A_385 = arith.cmpi sle, %gather3A_384, %add3A_342 : vector<16xi32>
      %select_n3A_386 = arith.select %le3A_385, %add3A_383, %select_n3A_380 : vector<16xi1>, vector<16xi32>
      %add3A_387 = arith.constant 2 : i32
      %add3A_388 = vector.broadcast %add3A_387 : i32 to vector<16xi32>
      %add3A_389 = arith.addi %select_n3A_386, %add3A_388 : vector<16xi32>
      %gather3A_390 = tpu.vector_load_idx %arg6[%add3A_389] : memref<512xi32, #tpu.memory_space<vmem>>[vector<16xi32>], vector<16xi32>,
      %le3A_391 = arith.cmpi sle, %gather3A_390, %add3A_342 : vector<16xi32>
      %select_n3A_392 = arith.select %le3A_391, %add3A_389, %select_n3A_386 : vector<16xi1>, vector<16xi32>
      %add3A_393 = arith.constant 1 : i32
      %add3A_394 = vector.broadcast %add3A_393 : i32 to vector<16xi32>
      %add3A_395 = arith.addi %select_n3A_392, %add3A_394 : vector<16xi32>
      %gather3A_396 = tpu.vector_load_idx %arg6[%add3A_395] : memref<512xi32, #tpu.memory_space<vmem>>[vector<16xi32>], vector<16xi32>,
      %le3A_397 = arith.cmpi sle, %gather3A_396, %add3A_342 : vector<16xi32>
      %select_n3A_398 = arith.select %le3A_397, %add3A_395, %select_n3A_392 : vector<16xi1>, vector<16xi32>
      %ge3A_399 = vector.broadcast %squeeze3A : i32 to vector<16xi32>
      %ge3A_400 = arith.cmpi sge, %add3A_342, %ge3A_399 : vector<16xi32>
      %lt3A_401 = vector.broadcast %squeeze3A_20 : i32 to vector<16xi32>
      %lt3A_402 = arith.cmpi slt, %add3A_342, %lt3A_401 : vector<16xi32>
      %and3A_403 = arith.andi %ge3A_400, %lt3A_402 : vector<16xi1>
      %jit3A_404 = arith.constant 320 : i32
      %broadcast_in_dim3A_405 = vector.broadcast %jit3A_404 : i32 to vector<16xi32>
      %select_n3A_406 = arith.select %and3A_403, %select_n3A_398, %broadcast_in_dim3A_405 : vector<16xi1>, vector<16xi32>
      %add3A_407 = vector.broadcast %mul3A_4 : i32 to vector<16xi32>
      %add3A_408 = arith.addi %add3A_407, %select_n3A_406 : vector<16xi32>
      %swap3A_409 = arith.index_cast %rem3A_107 : i32 to index
      %swap3A_410 = arith.constant 48 : index
      %swap3A_411 = tpu.vector_load %arg8[%swap3A_409, %swap3A_410] {strides = array<i32>} : memref<4x128xi32, #tpu.memory_space<vmem>>, vector<16xi32>,
      tpu.vector_store %arg8[%swap3A_409, %swap3A_410], %add3A_408 {strides = array<i32>} : memref<4x128xi32, #tpu.memory_space<vmem>>, vector<16xi32>,
      %add3A_412 = arith.constant 64 : i32
      %add3A_413 = arith.addi %add3A_123, %add3A_412 : i32
      %add3A_414 = vector.broadcast %add3A_413 : i32 to vector<16xi32>
      %add3A_415 = arith.addi %add3A_414, %iota3A : vector<16xi32>
      %broadcast_in_dim3A_416 = arith.constant 0 : i32
      %broadcast_in_dim3A_417 = vector.broadcast %broadcast_in_dim3A_416 : i32 to vector<16xi32>
      %add3A_418 = arith.constant 256 : i32
      %add3A_419 = vector.broadcast %add3A_418 : i32 to vector<16xi32>
      %add3A_420 = arith.addi %broadcast_in_dim3A_417, %add3A_419 : vector<16xi32>
      %gather3A_421 = tpu.vector_load_idx %arg6[%add3A_420] : memref<512xi32, #tpu.memory_space<vmem>>[vector<16xi32>], vector<16xi32>,
      %le3A_422 = arith.cmpi sle, %gather3A_421, %add3A_415 : vector<16xi32>
      %select_n3A_423 = arith.select %le3A_422, %add3A_420, %broadcast_in_dim3A_417 : vector<16xi1>, vector<16xi32>
      %add3A_424 = arith.constant 128 : i32
      %add3A_425 = vector.broadcast %add3A_424 : i32 to vector<16xi32>
      %add3A_426 = arith.addi %select_n3A_423, %add3A_425 : vector<16xi32>
      %gather3A_427 = tpu.vector_load_idx %arg6[%add3A_426] : memref<512xi32, #tpu.memory_space<vmem>>[vector<16xi32>], vector<16xi32>,
      %le3A_428 = arith.cmpi sle, %gather3A_427, %add3A_415 : vector<16xi32>
      %select_n3A_429 = arith.select %le3A_428, %add3A_426, %select_n3A_423 : vector<16xi1>, vector<16xi32>
      %add3A_430 = arith.constant 64 : i32
      %add3A_431 = vector.broadcast %add3A_430 : i32 to vector<16xi32>
      %add3A_432 = arith.addi %select_n3A_429, %add3A_431 : vector<16xi32>
      %gather3A_433 = tpu.vector_load_idx %arg6[%add3A_432] : memref<512xi32, #tpu.memory_space<vmem>>[vector<16xi32>], vector<16xi32>,
      %le3A_434 = arith.cmpi sle, %gather3A_433, %add3A_415 : vector<16xi32>
      %select_n3A_435 = arith.select %le3A_434, %add3A_432, %select_n3A_429 : vector<16xi1>, vector<16xi32>
      %add3A_436 = arith.constant 32 : i32
      %add3A_437 = vector.broadcast %add3A_436 : i32 to vector<16xi32>
      %add3A_438 = arith.addi %select_n3A_435, %add3A_437 : vector<16xi32>
      %gather3A_439 = tpu.vector_load_idx %arg6[%add3A_438] : memref<512xi32, #tpu.memory_space<vmem>>[vector<16xi32>], vector<16xi32>,
      %le3A_440 = arith.cmpi sle, %gather3A_439, %add3A_415 : vector<16xi32>
      %select_n3A_441 = arith.select %le3A_440, %add3A_438, %select_n3A_435 : vector<16xi1>, vector<16xi32>
      %add3A_442 = arith.constant 16 : i32
      %add3A_443 = vector.broadcast %add3A_442 : i32 to vector<16xi32>
      %add3A_444 = arith.addi %select_n3A_441, %add3A_443 : vector<16xi32>
      %gather3A_445 = tpu.vector_load_idx %arg6[%add3A_444] : memref<512xi32, #tpu.memory_space<vmem>>[vector<16xi32>], vector<16xi32>,
      %le3A_446 = arith.cmpi sle, %gather3A_445, %add3A_415 : vector<16xi32>
      %select_n3A_447 = arith.select %le3A_446, %add3A_444, %select_n3A_441 : vector<16xi1>, vector<16xi32>
      %add3A_448 = arith.constant 8 : i32
      %add3A_449 = vector.broadcast %add3A_448 : i32 to vector<16xi32>
      %add3A_450 = arith.addi %select_n3A_447, %add3A_449 : vector<16xi32>
      %gather3A_451 = tpu.vector_load_idx %arg6[%add3A_450] : memref<512xi32, #tpu.memory_space<vmem>>[vector<16xi32>], vector<16xi32>,
      %le3A_452 = arith.cmpi sle, %gather3A_451, %add3A_415 : vector<16xi32>
      %select_n3A_453 = arith.select %le3A_452, %add3A_450, %select_n3A_447 : vector<16xi1>, vector<16xi32>
      %add3A_454 = arith.constant 4 : i32
      %add3A_455 = vector.broadcast %add3A_454 : i32 to vector<16xi32>
      %add3A_456 = arith.addi %select_n3A_453, %add3A_455 : vector<16xi32>
      %gather3A_457 = tpu.vector_load_idx %arg6[%add3A_456] : memref<512xi32, #tpu.memory_space<vmem>>[vector<16xi32>], vector<16xi32>,
      %le3A_458 = arith.cmpi sle, %gather3A_457, %add3A_415 : vector<16xi32>
      %select_n3A_459 = arith.select %le3A_458, %add3A_456, %select_n3A_453 : vector<16xi1>, vector<16xi32>
      %add3A_460 = arith.constant 2 : i32
      %add3A_461 = vector.broadcast %add3A_460 : i32 to vector<16xi32>
      %add3A_462 = arith.addi %select_n3A_459, %add3A_461 : vector<16xi32>
      %gather3A_463 = tpu.vector_load_idx %arg6[%add3A_462] : memref<512xi32, #tpu.memory_space<vmem>>[vector<16xi32>], vector<16xi32>,
      %le3A_464 = arith.cmpi sle, %gather3A_463, %add3A_415 : vector<16xi32>
      %select_n3A_465 = arith.select %le3A_464, %add3A_462, %select_n3A_459 : vector<16xi1>, vector<16xi32>
      %add3A_466 = arith.constant 1 : i32
      %add3A_467 = vector.broadcast %add3A_466 : i32 to vector<16xi32>
      %add3A_468 = arith.addi %select_n3A_465, %add3A_467 : vector<16xi32>
      %gather3A_469 = tpu.vector_load_idx %arg6[%add3A_468] : memref<512xi32, #tpu.memory_space<vmem>>[vector<16xi32>], vector<16xi32>,
      %le3A_470 = arith.cmpi sle, %gather3A_469, %add3A_415 : vector<16xi32>
      %select_n3A_471 = arith.select %le3A_470, %add3A_468, %select_n3A_465 : vector<16xi1>, vector<16xi32>
      %ge3A_472 = vector.broadcast %squeeze3A : i32 to vector<16xi32>
      %ge3A_473 = arith.cmpi sge, %add3A_415, %ge3A_472 : vector<16xi32>
      %lt3A_474 = vector.broadcast %squeeze3A_20 : i32 to vector<16xi32>
      %lt3A_475 = arith.cmpi slt, %add3A_415, %lt3A_474 : vector<16xi32>
      %and3A_476 = arith.andi %ge3A_473, %lt3A_475 : vector<16xi1>
      %jit3A_477 = arith.constant 320 : i32
      %broadcast_in_dim3A_478 = vector.broadcast %jit3A_477 : i32 to vector<16xi32>
      %select_n3A_479 = arith.select %and3A_476, %select_n3A_471, %broadcast_in_dim3A_478 : vector<16xi1>, vector<16xi32>
      %add3A_480 = vector.broadcast %mul3A_4 : i32 to vector<16xi32>
      %add3A_481 = arith.addi %add3A_480, %select_n3A_479 : vector<16xi32>
      %swap3A_482 = arith.index_cast %rem3A_107 : i32 to index
      %swap3A_483 = arith.constant 64 : index
      %swap3A_484 = tpu.vector_load %arg8[%swap3A_482, %swap3A_483] {strides = array<i32>} : memref<4x128xi32, #tpu.memory_space<vmem>>, vector<16xi32>,
      tpu.vector_store %arg8[%swap3A_482, %swap3A_483], %add3A_481 {strides = array<i32>} : memref<4x128xi32, #tpu.memory_space<vmem>>, vector<16xi32>,
      %add3A_485 = arith.constant 80 : i32
      %add3A_486 = arith.addi %add3A_123, %add3A_485 : i32
      %add3A_487 = vector.broadcast %add3A_486 : i32 to vector<16xi32>
      %add3A_488 = arith.addi %add3A_487, %iota3A : vector<16xi32>
      %broadcast_in_dim3A_489 = arith.constant 0 : i32
      %broadcast_in_dim3A_490 = vector.broadcast %broadcast_in_dim3A_489 : i32 to vector<16xi32>
      %add3A_491 = arith.constant 256 : i32
      %add3A_492 = vector.broadcast %add3A_491 : i32 to vector<16xi32>
      %add3A_493 = arith.addi %broadcast_in_dim3A_490, %add3A_492 : vector<16xi32>
      %gather3A_494 = tpu.vector_load_idx %arg6[%add3A_493] : memref<512xi32, #tpu.memory_space<vmem>>[vector<16xi32>], vector<16xi32>,
      %le3A_495 = arith.cmpi sle, %gather3A_494, %add3A_488 : vector<16xi32>
      %select_n3A_496 = arith.select %le3A_495, %add3A_493, %broadcast_in_dim3A_490 : vector<16xi1>, vector<16xi32>
      %add3A_497 = arith.constant 128 : i32
      %add3A_498 = vector.broadcast %add3A_497 : i32 to vector<16xi32>
      %add3A_499 = arith.addi %select_n3A_496, %add3A_498 : vector<16xi32>
      %gather3A_500 = tpu.vector_load_idx %arg6[%add3A_499] : memref<512xi32, #tpu.memory_space<vmem>>[vector<16xi32>], vector<16xi32>,
      %le3A_501 = arith.cmpi sle, %gather3A_500, %add3A_488 : vector<16xi32>
      %select_n3A_502 = arith.select %le3A_501, %add3A_499, %select_n3A_496 : vector<16xi1>, vector<16xi32>
      %add3A_503 = arith.constant 64 : i32
      %add3A_504 = vector.broadcast %add3A_503 : i32 to vector<16xi32>
      %add3A_505 = arith.addi %select_n3A_502, %add3A_504 : vector<16xi32>
      %gather3A_506 = tpu.vector_load_idx %arg6[%add3A_505] : memref<512xi32, #tpu.memory_space<vmem>>[vector<16xi32>], vector<16xi32>,
      %le3A_507 = arith.cmpi sle, %gather3A_506, %add3A_488 : vector<16xi32>
      %select_n3A_508 = arith.select %le3A_507, %add3A_505, %select_n3A_502 : vector<16xi1>, vector<16xi32>
      %add3A_509 = arith.constant 32 : i32
      %add3A_510 = vector.broadcast %add3A_509 : i32 to vector<16xi32>
      %add3A_511 = arith.addi %select_n3A_508, %add3A_510 : vector<16xi32>
      %gather3A_512 = tpu.vector_load_idx %arg6[%add3A_511] : memref<512xi32, #tpu.memory_space<vmem>>[vector<16xi32>], vector<16xi32>,
      %le3A_513 = arith.cmpi sle, %gather3A_512, %add3A_488 : vector<16xi32>
      %select_n3A_514 = arith.select %le3A_513, %add3A_511, %select_n3A_508 : vector<16xi1>, vector<16xi32>
      %add3A_515 = arith.constant 16 : i32
      %add3A_516 = vector.broadcast %add3A_515 : i32 to vector<16xi32>
      %add3A_517 = arith.addi %select_n3A_514, %add3A_516 : vector<16xi32>
      %gather3A_518 = tpu.vector_load_idx %arg6[%add3A_517] : memref<512xi32, #tpu.memory_space<vmem>>[vector<16xi32>], vector<16xi32>,
      %le3A_519 = arith.cmpi sle, %gather3A_518, %add3A_488 : vector<16xi32>
      %select_n3A_520 = arith.select %le3A_519, %add3A_517, %select_n3A_514 : vector<16xi1>, vector<16xi32>
      %add3A_521 = arith.constant 8 : i32
      %add3A_522 = vector.broadcast %add3A_521 : i32 to vector<16xi32>
      %add3A_523 = arith.addi %select_n3A_520, %add3A_522 : vector<16xi32>
      %gather3A_524 = tpu.vector_load_idx %arg6[%add3A_523] : memref<512xi32, #tpu.memory_space<vmem>>[vector<16xi32>], vector<16xi32>,
      %le3A_525 = arith.cmpi sle, %gather3A_524, %add3A_488 : vector<16xi32>
      %select_n3A_526 = arith.select %le3A_525, %add3A_523, %select_n3A_520 : vector<16xi1>, vector<16xi32>
      %add3A_527 = arith.constant 4 : i32
      %add3A_528 = vector.broadcast %add3A_527 : i32 to vector<16xi32>
      %add3A_529 = arith.addi %select_n3A_526, %add3A_528 : vector<16xi32>
      %gather3A_530 = tpu.vector_load_idx %arg6[%add3A_529] : memref<512xi32, #tpu.memory_space<vmem>>[vector<16xi32>], vector<16xi32>,
      %le3A_531 = arith.cmpi sle, %gather3A_530, %add3A_488 : vector<16xi32>
      %select_n3A_532 = arith.select %le3A_531, %add3A_529, %select_n3A_526 : vector<16xi1>, vector<16xi32>
      %add3A_533 = arith.constant 2 : i32
      %add3A_534 = vector.broadcast %add3A_533 : i32 to vector<16xi32>
      %add3A_535 = arith.addi %select_n3A_532, %add3A_534 : vector<16xi32>
      %gather3A_536 = tpu.vector_load_idx %arg6[%add3A_535] : memref<512xi32, #tpu.memory_space<vmem>>[vector<16xi32>], vector<16xi32>,
      %le3A_537 = arith.cmpi sle, %gather3A_536, %add3A_488 : vector<16xi32>
      %select_n3A_538 = arith.select %le3A_537, %add3A_535, %select_n3A_532 : vector<16xi1>, vector<16xi32>
      %add3A_539 = arith.constant 1 : i32
      %add3A_540 = vector.broadcast %add3A_539 : i32 to vector<16xi32>
      %add3A_541 = arith.addi %select_n3A_538, %add3A_540 : vector<16xi32>
      %gather3A_542 = tpu.vector_load_idx %arg6[%add3A_541] : memref<512xi32, #tpu.memory_space<vmem>>[vector<16xi32>], vector<16xi32>,
      %le3A_543 = arith.cmpi sle, %gather3A_542, %add3A_488 : vector<16xi32>
      %select_n3A_544 = arith.select %le3A_543, %add3A_541, %select_n3A_538 : vector<16xi1>, vector<16xi32>
      %ge3A_545 = vector.broadcast %squeeze3A : i32 to vector<16xi32>
      %ge3A_546 = arith.cmpi sge, %add3A_488, %ge3A_545 : vector<16xi32>
      %lt3A_547 = vector.broadcast %squeeze3A_20 : i32 to vector<16xi32>
      %lt3A_548 = arith.cmpi slt, %add3A_488, %lt3A_547 : vector<16xi32>
      %and3A_549 = arith.andi %ge3A_546, %lt3A_548 : vector<16xi1>
      %jit3A_550 = arith.constant 320 : i32
      %broadcast_in_dim3A_551 = vector.broadcast %jit3A_550 : i32 to vector<16xi32>
      %select_n3A_552 = arith.select %and3A_549, %select_n3A_544, %broadcast_in_dim3A_551 : vector<16xi1>, vector<16xi32>
      %add3A_553 = vector.broadcast %mul3A_4 : i32 to vector<16xi32>
      %add3A_554 = arith.addi %add3A_553, %select_n3A_552 : vector<16xi32>
      %swap3A_555 = arith.index_cast %rem3A_107 : i32 to index
      %swap3A_556 = arith.constant 80 : index
      %swap3A_557 = tpu.vector_load %arg8[%swap3A_555, %swap3A_556] {strides = array<i32>} : memref<4x128xi32, #tpu.memory_space<vmem>>, vector<16xi32>,
      tpu.vector_store %arg8[%swap3A_555, %swap3A_556], %add3A_554 {strides = array<i32>} : memref<4x128xi32, #tpu.memory_space<vmem>>, vector<16xi32>,
      %add3A_558 = arith.constant 96 : i32
      %add3A_559 = arith.addi %add3A_123, %add3A_558 : i32
      %add3A_560 = vector.broadcast %add3A_559 : i32 to vector<16xi32>
      %add3A_561 = arith.addi %add3A_560, %iota3A : vector<16xi32>
      %broadcast_in_dim3A_562 = arith.constant 0 : i32
      %broadcast_in_dim3A_563 = vector.broadcast %broadcast_in_dim3A_562 : i32 to vector<16xi32>
      %add3A_564 = arith.constant 256 : i32
      %add3A_565 = vector.broadcast %add3A_564 : i32 to vector<16xi32>
      %add3A_566 = arith.addi %broadcast_in_dim3A_563, %add3A_565 : vector<16xi32>
      %gather3A_567 = tpu.vector_load_idx %arg6[%add3A_566] : memref<512xi32, #tpu.memory_space<vmem>>[vector<16xi32>], vector<16xi32>,
      %le3A_568 = arith.cmpi sle, %gather3A_567, %add3A_561 : vector<16xi32>
      %select_n3A_569 = arith.select %le3A_568, %add3A_566, %broadcast_in_dim3A_563 : vector<16xi1>, vector<16xi32>
      %add3A_570 = arith.constant 128 : i32
      %add3A_571 = vector.broadcast %add3A_570 : i32 to vector<16xi32>
      %add3A_572 = arith.addi %select_n3A_569, %add3A_571 : vector<16xi32>
      %gather3A_573 = tpu.vector_load_idx %arg6[%add3A_572] : memref<512xi32, #tpu.memory_space<vmem>>[vector<16xi32>], vector<16xi32>,
      %le3A_574 = arith.cmpi sle, %gather3A_573, %add3A_561 : vector<16xi32>
      %select_n3A_575 = arith.select %le3A_574, %add3A_572, %select_n3A_569 : vector<16xi1>, vector<16xi32>
      %add3A_576 = arith.constant 64 : i32
      %add3A_577 = vector.broadcast %add3A_576 : i32 to vector<16xi32>
      %add3A_578 = arith.addi %select_n3A_575, %add3A_577 : vector<16xi32>
      %gather3A_579 = tpu.vector_load_idx %arg6[%add3A_578] : memref<512xi32, #tpu.memory_space<vmem>>[vector<16xi32>], vector<16xi32>,
      %le3A_580 = arith.cmpi sle, %gather3A_579, %add3A_561 : vector<16xi32>
      %select_n3A_581 = arith.select %le3A_580, %add3A_578, %select_n3A_575 : vector<16xi1>, vector<16xi32>
      %add3A_582 = arith.constant 32 : i32
      %add3A_583 = vector.broadcast %add3A_582 : i32 to vector<16xi32>
      %add3A_584 = arith.addi %select_n3A_581, %add3A_583 : vector<16xi32>
      %gather3A_585 = tpu.vector_load_idx %arg6[%add3A_584] : memref<512xi32, #tpu.memory_space<vmem>>[vector<16xi32>], vector<16xi32>,
      %le3A_586 = arith.cmpi sle, %gather3A_585, %add3A_561 : vector<16xi32>
      %select_n3A_587 = arith.select %le3A_586, %add3A_584, %select_n3A_581 : vector<16xi1>, vector<16xi32>
      %add3A_588 = arith.constant 16 : i32
      %add3A_589 = vector.broadcast %add3A_588 : i32 to vector<16xi32>
      %add3A_590 = arith.addi %select_n3A_587, %add3A_589 : vector<16xi32>
      %gather3A_591 = tpu.vector_load_idx %arg6[%add3A_590] : memref<512xi32, #tpu.memory_space<vmem>>[vector<16xi32>], vector<16xi32>,
      %le3A_592 = arith.cmpi sle, %gather3A_591, %add3A_561 : vector<16xi32>
      %select_n3A_593 = arith.select %le3A_592, %add3A_590, %select_n3A_587 : vector<16xi1>, vector<16xi32>
      %add3A_594 = arith.constant 8 : i32
      %add3A_595 = vector.broadcast %add3A_594 : i32 to vector<16xi32>
      %add3A_596 = arith.addi %select_n3A_593, %add3A_595 : vector<16xi32>
      %gather3A_597 = tpu.vector_load_idx %arg6[%add3A_596] : memref<512xi32, #tpu.memory_space<vmem>>[vector<16xi32>], vector<16xi32>,
      %le3A_598 = arith.cmpi sle, %gather3A_597, %add3A_561 : vector<16xi32>
      %select_n3A_599 = arith.select %le3A_598, %add3A_596, %select_n3A_593 : vector<16xi1>, vector<16xi32>
      %add3A_600 = arith.constant 4 : i32
      %add3A_601 = vector.broadcast %add3A_600 : i32 to vector<16xi32>
      %add3A_602 = arith.addi %select_n3A_599, %add3A_601 : vector<16xi32>
      %gather3A_603 = tpu.vector_load_idx %arg6[%add3A_602] : memref<512xi32, #tpu.memory_space<vmem>>[vector<16xi32>], vector<16xi32>,
      %le3A_604 = arith.cmpi sle, %gather3A_603, %add3A_561 : vector<16xi32>
      %select_n3A_605 = arith.select %le3A_604, %add3A_602, %select_n3A_599 : vector<16xi1>, vector<16xi32>
      %add3A_606 = arith.constant 2 : i32
      %add3A_607 = vector.broadcast %add3A_606 : i32 to vector<16xi32>
      %add3A_608 = arith.addi %select_n3A_605, %add3A_607 : vector<16xi32>
      %gather3A_609 = tpu.vector_load_idx %arg6[%add3A_608] : memref<512xi32, #tpu.memory_space<vmem>>[vector<16xi32>], vector<16xi32>,
      %le3A_610 = arith.cmpi sle, %gather3A_609, %add3A_561 : vector<16xi32>
      %select_n3A_611 = arith.select %le3A_610, %add3A_608, %select_n3A_605 : vector<16xi1>, vector<16xi32>
      %add3A_612 = arith.constant 1 : i32
      %add3A_613 = vector.broadcast %add3A_612 : i32 to vector<16xi32>
      %add3A_614 = arith.addi %select_n3A_611, %add3A_613 : vector<16xi32>
      %gather3A_615 = tpu.vector_load_idx %arg6[%add3A_614] : memref<512xi32, #tpu.memory_space<vmem>>[vector<16xi32>], vector<16xi32>,
      %le3A_616 = arith.cmpi sle, %gather3A_615, %add3A_561 : vector<16xi32>
      %select_n3A_617 = arith.select %le3A_616, %add3A_614, %select_n3A_611 : vector<16xi1>, vector<16xi32>
      %ge3A_618 = vector.broadcast %squeeze3A : i32 to vector<16xi32>
      %ge3A_619 = arith.cmpi sge, %add3A_561, %ge3A_618 : vector<16xi32>
      %lt3A_620 = vector.broadcast %squeeze3A_20 : i32 to vector<16xi32>
      %lt3A_621 = arith.cmpi slt, %add3A_561, %lt3A_620 : vector<16xi32>
      %and3A_622 = arith.andi %ge3A_619, %lt3A_621 : vector<16xi1>
      %jit3A_623 = arith.constant 320 : i32
      %broadcast_in_dim3A_624 = vector.broadcast %jit3A_623 : i32 to vector<16xi32>
      %select_n3A_625 = arith.select %and3A_622, %select_n3A_617, %broadcast_in_dim3A_624 : vector<16xi1>, vector<16xi32>
      %add3A_626 = vector.broadcast %mul3A_4 : i32 to vector<16xi32>
      %add3A_627 = arith.addi %add3A_626, %select_n3A_625 : vector<16xi32>
      %swap3A_628 = arith.index_cast %rem3A_107 : i32 to index
      %swap3A_629 = arith.constant 96 : index
      %swap3A_630 = tpu.vector_load %arg8[%swap3A_628, %swap3A_629] {strides = array<i32>} : memref<4x128xi32, #tpu.memory_space<vmem>>, vector<16xi32>,
      tpu.vector_store %arg8[%swap3A_628, %swap3A_629], %add3A_627 {strides = array<i32>} : memref<4x128xi32, #tpu.memory_space<vmem>>, vector<16xi32>,
      %add3A_631 = arith.constant 112 : i32
      %add3A_632 = arith.addi %add3A_123, %add3A_631 : i32
      %add3A_633 = vector.broadcast %add3A_632 : i32 to vector<16xi32>
      %add3A_634 = arith.addi %add3A_633, %iota3A : vector<16xi32>
      %broadcast_in_dim3A_635 = arith.constant 0 : i32
      %broadcast_in_dim3A_636 = vector.broadcast %broadcast_in_dim3A_635 : i32 to vector<16xi32>
      %add3A_637 = arith.constant 256 : i32
      %add3A_638 = vector.broadcast %add3A_637 : i32 to vector<16xi32>
      %add3A_639 = arith.addi %broadcast_in_dim3A_636, %add3A_638 : vector<16xi32>
      %gather3A_640 = tpu.vector_load_idx %arg6[%add3A_639] : memref<512xi32, #tpu.memory_space<vmem>>[vector<16xi32>], vector<16xi32>,
      %le3A_641 = arith.cmpi sle, %gather3A_640, %add3A_634 : vector<16xi32>
      %select_n3A_642 = arith.select %le3A_641, %add3A_639, %broadcast_in_dim3A_636 : vector<16xi1>, vector<16xi32>
      %add3A_643 = arith.constant 128 : i32
      %add3A_644 = vector.broadcast %add3A_643 : i32 to vector<16xi32>
      %add3A_645 = arith.addi %select_n3A_642, %add3A_644 : vector<16xi32>
      %gather3A_646 = tpu.vector_load_idx %arg6[%add3A_645] : memref<512xi32, #tpu.memory_space<vmem>>[vector<16xi32>], vector<16xi32>,
      %le3A_647 = arith.cmpi sle, %gather3A_646, %add3A_634 : vector<16xi32>
      %select_n3A_648 = arith.select %le3A_647, %add3A_645, %select_n3A_642 : vector<16xi1>, vector<16xi32>
      %add3A_649 = arith.constant 64 : i32
      %add3A_650 = vector.broadcast %add3A_649 : i32 to vector<16xi32>
      %add3A_651 = arith.addi %select_n3A_648, %add3A_650 : vector<16xi32>
      %gather3A_652 = tpu.vector_load_idx %arg6[%add3A_651] : memref<512xi32, #tpu.memory_space<vmem>>[vector<16xi32>], vector<16xi32>,
      %le3A_653 = arith.cmpi sle, %gather3A_652, %add3A_634 : vector<16xi32>
      %select_n3A_654 = arith.select %le3A_653, %add3A_651, %select_n3A_648 : vector<16xi1>, vector<16xi32>
      %add3A_655 = arith.constant 32 : i32
      %add3A_656 = vector.broadcast %add3A_655 : i32 to vector<16xi32>
      %add3A_657 = arith.addi %select_n3A_654, %add3A_656 : vector<16xi32>
      %gather3A_658 = tpu.vector_load_idx %arg6[%add3A_657] : memref<512xi32, #tpu.memory_space<vmem>>[vector<16xi32>], vector<16xi32>,
      %le3A_659 = arith.cmpi sle, %gather3A_658, %add3A_634 : vector<16xi32>
      %select_n3A_660 = arith.select %le3A_659, %add3A_657, %select_n3A_654 : vector<16xi1>, vector<16xi32>
      %add3A_661 = arith.constant 16 : i32
      %add3A_662 = vector.broadcast %add3A_661 : i32 to vector<16xi32>
      %add3A_663 = arith.addi %select_n3A_660, %add3A_662 : vector<16xi32>
      %gather3A_664 = tpu.vector_load_idx %arg6[%add3A_663] : memref<512xi32, #tpu.memory_space<vmem>>[vector<16xi32>], vector<16xi32>,
      %le3A_665 = arith.cmpi sle, %gather3A_664, %add3A_634 : vector<16xi32>
      %select_n3A_666 = arith.select %le3A_665, %add3A_663, %select_n3A_660 : vector<16xi1>, vector<16xi32>
      %add3A_667 = arith.constant 8 : i32
      %add3A_668 = vector.broadcast %add3A_667 : i32 to vector<16xi32>
      %add3A_669 = arith.addi %select_n3A_666, %add3A_668 : vector<16xi32>
      %gather3A_670 = tpu.vector_load_idx %arg6[%add3A_669] : memref<512xi32, #tpu.memory_space<vmem>>[vector<16xi32>], vector<16xi32>,
      %le3A_671 = arith.cmpi sle, %gather3A_670, %add3A_634 : vector<16xi32>
      %select_n3A_672 = arith.select %le3A_671, %add3A_669, %select_n3A_666 : vector<16xi1>, vector<16xi32>
      %add3A_673 = arith.constant 4 : i32
      %add3A_674 = vector.broadcast %add3A_673 : i32 to vector<16xi32>
      %add3A_675 = arith.addi %select_n3A_672, %add3A_674 : vector<16xi32>
      %gather3A_676 = tpu.vector_load_idx %arg6[%add3A_675] : memref<512xi32, #tpu.memory_space<vmem>>[vector<16xi32>], vector<16xi32>,
      %le3A_677 = arith.cmpi sle, %gather3A_676, %add3A_634 : vector<16xi32>
      %select_n3A_678 = arith.select %le3A_677, %add3A_675, %select_n3A_672 : vector<16xi1>, vector<16xi32>
      %add3A_679 = arith.constant 2 : i32
      %add3A_680 = vector.broadcast %add3A_679 : i32 to vector<16xi32>
      %add3A_681 = arith.addi %select_n3A_678, %add3A_680 : vector<16xi32>
      %gather3A_682 = tpu.vector_load_idx %arg6[%add3A_681] : memref<512xi32, #tpu.memory_space<vmem>>[vector<16xi32>], vector<16xi32>,
      %le3A_683 = arith.cmpi sle, %gather3A_682, %add3A_634 : vector<16xi32>
      %select_n3A_684 = arith.select %le3A_683, %add3A_681, %select_n3A_678 : vector<16xi1>, vector<16xi32>
      %add3A_685 = arith.constant 1 : i32
      %add3A_686 = vector.broadcast %add3A_685 : i32 to vector<16xi32>
      %add3A_687 = arith.addi %select_n3A_684, %add3A_686 : vector<16xi32>
      %gather3A_688 = tpu.vector_load_idx %arg6[%add3A_687] : memref<512xi32, #tpu.memory_space<vmem>>[vector<16xi32>], vector<16xi32>,
      %le3A_689 = arith.cmpi sle, %gather3A_688, %add3A_634 : vector<16xi32>
      %select_n3A_690 = arith.select %le3A_689, %add3A_687, %select_n3A_684 : vector<16xi1>, vector<16xi32>
      %ge3A_691 = vector.broadcast %squeeze3A : i32 to vector<16xi32>
      %ge3A_692 = arith.cmpi sge, %add3A_634, %ge3A_691 : vector<16xi32>
      %lt3A_693 = vector.broadcast %squeeze3A_20 : i32 to vector<16xi32>
      %lt3A_694 = arith.cmpi slt, %add3A_634, %lt3A_693 : vector<16xi32>
      %and3A_695 = arith.andi %ge3A_692, %lt3A_694 : vector<16xi1>
      %jit3A_696 = arith.constant 320 : i32
      %broadcast_in_dim3A_697 = vector.broadcast %jit3A_696 : i32 to vector<16xi32>
      %select_n3A_698 = arith.select %and3A_695, %select_n3A_690, %broadcast_in_dim3A_697 : vector<16xi1>, vector<16xi32>
      %add3A_699 = vector.broadcast %mul3A_4 : i32 to vector<16xi32>
      %add3A_700 = arith.addi %add3A_699, %select_n3A_698 : vector<16xi32>
      %swap3A_701 = arith.index_cast %rem3A_107 : i32 to index
      %swap3A_702 = arith.constant 112 : index
      %swap3A_703 = tpu.vector_load %arg8[%swap3A_701, %swap3A_702] {strides = array<i32>} : memref<4x128xi32, #tpu.memory_space<vmem>>, vector<16xi32>,
      tpu.vector_store %arg8[%swap3A_701, %swap3A_702], %add3A_700 {strides = array<i32>} : memref<4x128xi32, #tpu.memory_space<vmem>>, vector<16xi32>,
      %ge3A_704 = arith.constant 1 : i32
      %ge3A_705 = arith.cmpi sge, %while3A_105, %ge3A_704 : i32
      %convert_element_type3A_706 = arith.extui %ge3A_705 : i1 to i32
      %cond3A_707 = arith.constant 0 : i32
      %cond3A_708 = arith.cmpi ne, %convert_element_type3A_706, %cond3A_707 : i32
      scf.if %cond3A_708 {
        %add3A_734 = arith.constant 4 : i32
        %add3A_735 = arith.addi %while3A_105, %add3A_734 : i32
        %sub3A_736 = arith.constant 1 : i32
        %sub3A_737 = arith.subi %add3A_735, %sub3A_736 : i32
        %rem3A_738 = arith.constant 4 : i32
        %rem3A_739 = arith.remsi %sub3A_737, %rem3A_738 : i32
        %dma_wait3A_740 = arith.constant 0 : i32
        %dma_wait3A_741 = arith.constant 0 : i32
        %dma_wait3A_742 = tpu.memref_slice %arg9[%rem3A_739, %dma_wait3A_740, %dma_wait3A_741] : memref<4x128x128xf32, #tpu.memory_space<vmem>> -> memref<1x128x128xf32, #tpu.memory_space<vmem>>
        %dma_wait3A_743 = tpu.memref_squeeze %dma_wait3A_742 : memref<1x128x128xf32, #tpu.memory_space<vmem>> -> memref<128x128xf32, #tpu.memory_space<vmem>>
        %dma_wait3A_744 = arith.constant 0 : i32
        %dma_wait3A_745 = tpu.memref_slice %arg8[%rem3A_739, %dma_wait3A_744] : memref<4x128xi32, #tpu.memory_space<vmem>> -> memref<1x128xi32, #tpu.memory_space<vmem>>
        %dma_wait3A_746 = tpu.memref_squeeze %dma_wait3A_745 : memref<1x128xi32, #tpu.memory_space<vmem>> -> memref<128xi32, #tpu.memory_space<vmem>>
        %dma_wait3A_747 = arith.constant 0 : i32
        %dma_wait3A_748 = arith.constant 0 : i32
        %dma_wait3A_749 = tpu.memref_slice %arg10[%dma_wait3A_747, %dma_wait3A_748] : memref<5248x128xf32, #tpu.memory_space<vmem_shared>> -> memref<5248x128xf32, #tpu.memory_space<vmem_shared>>
        %dma_wait3A_750 = tpu.memref_slice %arg13[%rem3A_739] : memref<4x!tpu.dma_semaphore, #tpu.memory_space<semaphore_mem>> -> memref<1x!tpu.dma_semaphore, #tpu.memory_space<semaphore_mem>>
        %dma_wait3A_751 = tpu.memref_squeeze %dma_wait3A_750 : memref<1x!tpu.dma_semaphore, #tpu.memory_space<semaphore_mem>> -> memref<!tpu.dma_semaphore, #tpu.memory_space<semaphore_mem>>
        tpu.wait_indirect_dma semaphore(%dma_wait3A_751 : memref<!tpu.dma_semaphore, #tpu.memory_space<semaphore_mem>>) src(%dma_wait3A_743 : memref<128x128xf32, #tpu.memory_space<vmem>>) dst(%dma_wait3A_749 : memref<5248x128xf32, #tpu.memory_space<vmem_shared>>)
      } else {
      }
      %dma_start3A = arith.constant 0 : i32
      %dma_start3A_709 = arith.constant 0 : i32
      %dma_start3A_710 = tpu.memref_slice %arg9[%rem3A_107, %dma_start3A, %dma_start3A_709] : memref<4x128x128xf32, #tpu.memory_space<vmem>> -> memref<1x128x128xf32, #tpu.memory_space<vmem>>
      %dma_start3A_711 = tpu.memref_squeeze %dma_start3A_710 : memref<1x128x128xf32, #tpu.memory_space<vmem>> -> memref<128x128xf32, #tpu.memory_space<vmem>>
      %dma_start3A_712 = arith.constant 0 : i32
      %dma_start3A_713 = tpu.memref_slice %arg8[%rem3A_107, %dma_start3A_712] : memref<4x128xi32, #tpu.memory_space<vmem>> -> memref<1x128xi32, #tpu.memory_space<vmem>>
      %dma_start3A_714 = tpu.memref_squeeze %dma_start3A_713 : memref<1x128xi32, #tpu.memory_space<vmem>> -> memref<128xi32, #tpu.memory_space<vmem>>
      %dma_start3A_715 = arith.constant 0 : i32
      %dma_start3A_716 = arith.constant 0 : i32
      %dma_start3A_717 = tpu.memref_slice %arg10[%dma_start3A_715, %dma_start3A_716] : memref<5248x128xf32, #tpu.memory_space<vmem_shared>> -> memref<5248x128xf32, #tpu.memory_space<vmem_shared>>
      %dma_start3A_718 = tpu.memref_slice %arg13[%rem3A_107] : memref<4x!tpu.dma_semaphore, #tpu.memory_space<semaphore_mem>> -> memref<1x!tpu.dma_semaphore, #tpu.memory_space<semaphore_mem>>
      %dma_start3A_719 = tpu.memref_squeeze %dma_start3A_718 : memref<1x!tpu.dma_semaphore, #tpu.memory_space<semaphore_mem>> -> memref<!tpu.dma_semaphore, #tpu.memory_space<semaphore_mem>>
      tpu.enqueue_indirect_dma source(%dma_start3A_711 : memref<128x128xf32, #tpu.memory_space<vmem>>) target(%dma_start3A_717 : memref<5248x128xf32, #tpu.memory_space<vmem_shared>>) offsets(%dma_start3A_714 : memref<128xi32, #tpu.memory_space<vmem>>) semaphore(%dma_start3A_719 : memref<!tpu.dma_semaphore, #tpu.memory_space<semaphore_mem>>) {add = true}
      %add3A_720 = arith.constant 4 : i32
      %add3A_721 = arith.addi %while3A_105, %add3A_720 : i32
      %sub3A_722 = arith.constant 1 : i32
      %sub3A_723 = arith.subi %add3A_721, %sub3A_722 : i32
      %lt3A_724 = arith.cmpi slt, %sub3A_723, %select_n3A : i32
      %convert_element_type3A_725 = arith.extui %lt3A_724 : i1 to i32
      %cond3A_726 = arith.constant 0 : i32
      %cond3A_727 = arith.cmpi ne, %convert_element_type3A_725, %cond3A_726 : i32
      scf.if %cond3A_727 {
        %add3A_734 = arith.constant 4 : i32
        %add3A_735 = arith.addi %while3A_105, %add3A_734 : i32
        %sub3A_736 = arith.constant 1 : i32
        %sub3A_737 = arith.subi %add3A_735, %sub3A_736 : i32
        %rem3A_738 = arith.constant 6 : i32
        %rem3A_739 = arith.remsi %sub3A_737, %rem3A_738 : i32
        %mul3A_740 = arith.constant 128 : i32
        %mul3A_741 = arith.muli %sub3A_737, %mul3A_740 : i32
        %add3A_742 = arith.addi %and3A_21, %mul3A_741 : i32
        %multiple_of3A = tpu.assume_multiple %add3A_742, 8 : i32
        %dma_wait3A_743 = arith.constant 0 : i32
        %dma_wait3A_744 = tpu.memref_slice %arg7[%rem3A_739, %dma_wait3A_743] : memref<6x128xi32, #tpu.memory_space<vmem>> -> memref<1x128xi32, #tpu.memory_space<vmem>>
        %dma_wait3A_745 = tpu.memref_squeeze %dma_wait3A_744 : memref<1x128xi32, #tpu.memory_space<vmem>> -> memref<128xi32, #tpu.memory_space<vmem>>
        %dma_wait3A_746 = tpu.memref_slice %arg3[%multiple_of3A] : memref<320128xi32, #tpu.memory_space<hbm>> -> memref<128xi32, #tpu.memory_space<hbm>>
        %dma_wait3A_747 = tpu.memref_slice %arg12[%rem3A_739] : memref<6x!tpu.dma_semaphore, #tpu.memory_space<semaphore_mem>> -> memref<1x!tpu.dma_semaphore, #tpu.memory_space<semaphore_mem>>
        %dma_wait3A_748 = tpu.memref_squeeze %dma_wait3A_747 : memref<1x!tpu.dma_semaphore, #tpu.memory_space<semaphore_mem>> -> memref<!tpu.dma_semaphore, #tpu.memory_space<semaphore_mem>>
        %dma_wait3A_749 = arith.constant 0 : i32
        %dma_wait3A_750 = tpu.memref_slice %arg7[%rem3A_739, %dma_wait3A_749] : memref<6x128xi32, #tpu.memory_space<vmem>> -> memref<1x128xi32, #tpu.memory_space<vmem>>
        %dma_wait3A_751 = tpu.memref_squeeze %dma_wait3A_750 : memref<1x128xi32, #tpu.memory_space<vmem>> -> memref<128xi32, #tpu.memory_space<vmem>>
        %dma_wait3A_752 = tpu.memref_slice %arg3[%multiple_of3A] : memref<320128xi32, #tpu.memory_space<hbm>> -> memref<128xi32, #tpu.memory_space<hbm>>
        tpu.wait_dma2 semaphore(%dma_wait3A_748 : memref<!tpu.dma_semaphore, #tpu.memory_space<semaphore_mem>>) src(%dma_wait3A_752 : memref<128xi32, #tpu.memory_space<hbm>>) dst(%dma_wait3A_751 : memref<128xi32, #tpu.memory_space<vmem>>)
        %rem3A_753 = arith.constant 6 : i32
        %rem3A_754 = arith.remsi %sub3A_737, %rem3A_753 : i32
        %rem3A_755 = arith.constant 4 : i32
        %rem3A_756 = arith.remsi %sub3A_737, %rem3A_755 : i32
        %dma_start3A_757 = arith.constant 0 : i32
        %dma_start3A_758 = arith.constant 0 : i32
        %dma_start3A_759 = tpu.memref_slice %arg9[%rem3A_756, %dma_start3A_757, %dma_start3A_758] : memref<4x128x128xf32, #tpu.memory_space<vmem>> -> memref<1x128x128xf32, #tpu.memory_space<vmem>>
        %dma_start3A_760 = tpu.memref_squeeze %dma_start3A_759 : memref<1x128x128xf32, #tpu.memory_space<vmem>> -> memref<128x128xf32, #tpu.memory_space<vmem>>
        %dma_start3A_761 = arith.constant 0 : i32
        %dma_start3A_762 = tpu.memref_slice %arg7[%rem3A_754, %dma_start3A_761] : memref<6x128xi32, #tpu.memory_space<vmem>> -> memref<1x128xi32, #tpu.memory_space<vmem>>
        %dma_start3A_763 = tpu.memref_squeeze %dma_start3A_762 : memref<1x128xi32, #tpu.memory_space<vmem>> -> memref<128xi32, #tpu.memory_space<vmem>>
        %dma_start3A_764 = arith.constant 0 : i32
        %dma_start3A_765 = arith.constant 0 : i32
        %dma_start3A_766 = tpu.memref_slice %arg2[%dma_start3A_764, %dma_start3A_765] : memref<10000x128xf32, #tpu.memory_space<hbm>> -> memref<10000x128xf32, #tpu.memory_space<hbm>>
        %dma_start3A_767 = tpu.memref_slice %arg11[%rem3A_756] : memref<4x!tpu.dma_semaphore, #tpu.memory_space<semaphore_mem>> -> memref<1x!tpu.dma_semaphore, #tpu.memory_space<semaphore_mem>>
        %dma_start3A_768 = tpu.memref_squeeze %dma_start3A_767 : memref<1x!tpu.dma_semaphore, #tpu.memory_space<semaphore_mem>> -> memref<!tpu.dma_semaphore, #tpu.memory_space<semaphore_mem>>
        tpu.enqueue_indirect_dma source(%dma_start3A_766 : memref<10000x128xf32, #tpu.memory_space<hbm>>) target(%dma_start3A_760 : memref<128x128xf32, #tpu.memory_space<vmem>>) offsets(%dma_start3A_763 : memref<128xi32, #tpu.memory_space<vmem>>) semaphore(%dma_start3A_768 : memref<!tpu.dma_semaphore, #tpu.memory_space<semaphore_mem>>)
      } else {
      }
      %add3A_728 = arith.constant 6 : i32
      %add3A_729 = arith.addi %while3A_105, %add3A_728 : i32
      %lt3A_730 = arith.cmpi slt, %add3A_729, %select_n3A : i32
      %convert_element_type3A_731 = arith.extui %lt3A_730 : i1 to i32
      %cond3A_732 = arith.constant 0 : i32
      %cond3A_733 = arith.cmpi ne, %convert_element_type3A_731, %cond3A_732 : i32
      scf.if %cond3A_733 {
        %add3A_734 = arith.constant 6 : i32
        %add3A_735 = arith.addi %while3A_105, %add3A_734 : i32
        %rem3A_736 = arith.constant 6 : i32
        %rem3A_737 = arith.remsi %add3A_735, %rem3A_736 : i32
        %mul3A_738 = arith.constant 128 : i32
        %mul3A_739 = arith.muli %add3A_735, %mul3A_738 : i32
        %add3A_740 = arith.addi %and3A_21, %mul3A_739 : i32
        %multiple_of3A = tpu.assume_multiple %add3A_740, 8 : i32
        %dma_start3A_741 = arith.constant 0 : i32
        %dma_start3A_742 = tpu.memref_slice %arg7[%rem3A_737, %dma_start3A_741] : memref<6x128xi32, #tpu.memory_space<vmem>> -> memref<1x128xi32, #tpu.memory_space<vmem>>
        %dma_start3A_743 = tpu.memref_squeeze %dma_start3A_742 : memref<1x128xi32, #tpu.memory_space<vmem>> -> memref<128xi32, #tpu.memory_space<vmem>>
        %dma_start3A_744 = tpu.memref_slice %arg3[%multiple_of3A] : memref<320128xi32, #tpu.memory_space<hbm>> -> memref<128xi32, #tpu.memory_space<hbm>>
        %dma_start3A_745 = tpu.memref_slice %arg12[%rem3A_737] : memref<6x!tpu.dma_semaphore, #tpu.memory_space<semaphore_mem>> -> memref<1x!tpu.dma_semaphore, #tpu.memory_space<semaphore_mem>>
        %dma_start3A_746 = tpu.memref_squeeze %dma_start3A_745 : memref<1x!tpu.dma_semaphore, #tpu.memory_space<semaphore_mem>> -> memref<!tpu.dma_semaphore, #tpu.memory_space<semaphore_mem>>
        %dma_start3A_747 = arith.constant 0 : i32
        %dma_start3A_748 = tpu.memref_slice %arg7[%rem3A_737, %dma_start3A_747] : memref<6x128xi32, #tpu.memory_space<vmem>> -> memref<1x128xi32, #tpu.memory_space<vmem>>
        %dma_start3A_749 = tpu.memref_squeeze %dma_start3A_748 : memref<1x128xi32, #tpu.memory_space<vmem>> -> memref<128xi32, #tpu.memory_space<vmem>>
        %dma_start3A_750 = tpu.memref_slice %arg3[%multiple_of3A] : memref<320128xi32, #tpu.memory_space<hbm>> -> memref<128xi32, #tpu.memory_space<hbm>>
        tpu.enqueue_dma source(%dma_start3A_750 : memref<128xi32, #tpu.memory_space<hbm>>) target(%dma_start3A_749 : memref<128xi32, #tpu.memory_space<vmem>>) target_semaphore(%dma_start3A_746 : memref<!tpu.dma_semaphore, #tpu.memory_space<semaphore_mem>>)
      } else {
      }
    }
    %ge3A = arith.constant 1 : i32
    %ge3A_93 = arith.cmpi sge, %select_n3A, %ge3A : i32
    %convert_element_type3A_94 = arith.extui %ge3A_93 : i1 to i32
    %cond3A_95 = arith.constant 0 : i32
    %cond3A_96 = arith.cmpi ne, %convert_element_type3A_94, %cond3A_95 : i32
    scf.if %cond3A_96 {
      %sub3A_105 = arith.constant 1 : i32
      %sub3A_106 = arith.subi %select_n3A, %sub3A_105 : i32
      %rem3A_107 = arith.constant 4 : i32
      %rem3A_108 = arith.remsi %sub3A_106, %rem3A_107 : i32
      %dma_wait3A = arith.constant 0 : i32
      %dma_wait3A_109 = arith.constant 0 : i32
      %dma_wait3A_110 = tpu.memref_slice %arg9[%rem3A_108, %dma_wait3A, %dma_wait3A_109] : memref<4x128x128xf32, #tpu.memory_space<vmem>> -> memref<1x128x128xf32, #tpu.memory_space<vmem>>
      %dma_wait3A_111 = tpu.memref_squeeze %dma_wait3A_110 : memref<1x128x128xf32, #tpu.memory_space<vmem>> -> memref<128x128xf32, #tpu.memory_space<vmem>>
      %dma_wait3A_112 = arith.constant 0 : i32
      %dma_wait3A_113 = tpu.memref_slice %arg8[%rem3A_108, %dma_wait3A_112] : memref<4x128xi32, #tpu.memory_space<vmem>> -> memref<1x128xi32, #tpu.memory_space<vmem>>
      %dma_wait3A_114 = tpu.memref_squeeze %dma_wait3A_113 : memref<1x128xi32, #tpu.memory_space<vmem>> -> memref<128xi32, #tpu.memory_space<vmem>>
      %dma_wait3A_115 = arith.constant 0 : i32
      %dma_wait3A_116 = arith.constant 0 : i32
      %dma_wait3A_117 = tpu.memref_slice %arg10[%dma_wait3A_115, %dma_wait3A_116] : memref<5248x128xf32, #tpu.memory_space<vmem_shared>> -> memref<5248x128xf32, #tpu.memory_space<vmem_shared>>
      %dma_wait3A_118 = tpu.memref_slice %arg13[%rem3A_108] : memref<4x!tpu.dma_semaphore, #tpu.memory_space<semaphore_mem>> -> memref<1x!tpu.dma_semaphore, #tpu.memory_space<semaphore_mem>>
      %dma_wait3A_119 = tpu.memref_squeeze %dma_wait3A_118 : memref<1x!tpu.dma_semaphore, #tpu.memory_space<semaphore_mem>> -> memref<!tpu.dma_semaphore, #tpu.memory_space<semaphore_mem>>
      tpu.wait_indirect_dma semaphore(%dma_wait3A_119 : memref<!tpu.dma_semaphore, #tpu.memory_space<semaphore_mem>>) src(%dma_wait3A_111 : memref<128x128xf32, #tpu.memory_space<vmem>>) dst(%dma_wait3A_117 : memref<5248x128xf32, #tpu.memory_space<vmem_shared>>)
    } else {
    }
    %lt3A = arith.constant 31 : i32
    %lt3A_97 = arith.cmpi slt, %add3A, %lt3A : i32
    %convert_element_type3A_98 = arith.extui %lt3A_97 : i1 to i32
    %cond3A_99 = arith.constant 0 : i32
    %cond3A_100 = arith.cmpi ne, %convert_element_type3A_98, %cond3A_99 : i32
    scf.if %cond3A_100 {
      "tpu.region"() ({
        %run_scoped3A_105 = tpu.sem_alloc : memref<!tpu.dma_semaphore, #tpu.memory_space<semaphore_mem>>
        %dma_start3A = arith.constant 0 : i32
        %dma_start3A_106 = tpu.memref_slice %arg5[%mul3A_2, %dma_start3A] : memref<10000x128xf32, #tpu.memory_space<hbm>> -> memref<320x128xf32, #tpu.memory_space<hbm>>
        %dma_start3A_107 = arith.constant 0 : i32
        %dma_start3A_108 = tpu.memref_slice %arg10[%mul3A_4, %dma_start3A_107] : memref<5248x128xf32, #tpu.memory_space<vmem_shared>> -> memref<320x128xf32, #tpu.memory_space<vmem_shared>>
        tpu.enqueue_dma source(%dma_start3A_108 : memref<320x128xf32, #tpu.memory_space<vmem_shared>>) target(%dma_start3A_106 : memref<320x128xf32, #tpu.memory_space<hbm>>) target_semaphore(%run_scoped3A_105 : memref<!tpu.dma_semaphore, #tpu.memory_space<semaphore_mem>>)
        %dma_wait3A = arith.constant 0 : i32
        %dma_wait3A_109 = tpu.memref_slice %arg5[%mul3A_2, %dma_wait3A] : memref<10000x128xf32, #tpu.memory_space<hbm>> -> memref<320x128xf32, #tpu.memory_space<hbm>>
        %dma_wait3A_110 = arith.constant 0 : i32
        %dma_wait3A_111 = tpu.memref_slice %arg10[%mul3A_4, %dma_wait3A_110] : memref<5248x128xf32, #tpu.memory_space<vmem_shared>> -> memref<320x128xf32, #tpu.memory_space<vmem_shared>>
        tpu.wait_dma2 semaphore(%run_scoped3A_105 : memref<!tpu.dma_semaphore, #tpu.memory_space<semaphore_mem>>) src(%dma_wait3A_111 : memref<320x128xf32, #tpu.memory_space<vmem_shared>>) dst(%dma_wait3A_109 : memref<320x128xf32, #tpu.memory_space<hbm>>)
        tpu.yield
      }) : () -> ()
    } else {
    }
    %eq3A = arith.constant 31 : i32
    %eq3A_101 = arith.cmpi eq, %add3A, %eq3A : i32
    %convert_element_type3A_102 = arith.extui %eq3A_101 : i1 to i32
    %cond3A_103 = arith.constant 0 : i32
    %cond3A_104 = arith.cmpi ne, %convert_element_type3A_102, %cond3A_103 : i32
    scf.if %cond3A_104 {
      "tpu.region"() ({
        %run_scoped3A_105 = tpu.sem_alloc : memref<!tpu.dma_semaphore, #tpu.memory_space<semaphore_mem>>
        %dma_start3A = arith.constant 0 : i32
        %dma_start3A_106 = tpu.memref_slice %arg5[%mul3A_2, %dma_start3A] : memref<10000x128xf32, #tpu.memory_space<hbm>> -> memref<80x128xf32, #tpu.memory_space<hbm>>
        %dma_start3A_107 = arith.constant 0 : i32
        %dma_start3A_108 = tpu.memref_slice %arg10[%mul3A_4, %dma_start3A_107] : memref<5248x128xf32, #tpu.memory_space<vmem_shared>> -> memref<80x128xf32, #tpu.memory_space<vmem_shared>>
        tpu.enqueue_dma source(%dma_start3A_108 : memref<80x128xf32, #tpu.memory_space<vmem_shared>>) target(%dma_start3A_106 : memref<80x128xf32, #tpu.memory_space<hbm>>) target_semaphore(%run_scoped3A_105 : memref<!tpu.dma_semaphore, #tpu.memory_space<semaphore_mem>>)
        %dma_wait3A = arith.constant 0 : i32
        %dma_wait3A_109 = tpu.memref_slice %arg5[%mul3A_2, %dma_wait3A] : memref<10000x128xf32, #tpu.memory_space<hbm>> -> memref<80x128xf32, #tpu.memory_space<hbm>>
        %dma_wait3A_110 = arith.constant 0 : i32
        %dma_wait3A_111 = tpu.memref_slice %arg10[%mul3A_4, %dma_wait3A_110] : memref<5248x128xf32, #tpu.memory_space<vmem_shared>> -> memref<80x128xf32, #tpu.memory_space<vmem_shared>>
        tpu.wait_dma2 semaphore(%run_scoped3A_105 : memref<!tpu.dma_semaphore, #tpu.memory_space<semaphore_mem>>) src(%dma_wait3A_111 : memref<80x128xf32, #tpu.memory_space<vmem_shared>>) dst(%dma_wait3A_109 : memref<80x128xf32, #tpu.memory_space<hbm>>)
        tpu.yield
      }) : () -> ()
    } else {
    }
    return
  }
}

module attributes {stable_mosaic.version = 14 : i64} {
  func.func @_mm_body(%arg0: i32, %arg1: memref<1000x128xf32, #tpu.memory_space<vmem>>, %arg2: memref<128x128xf32, #tpu.memory_space<vmem>>, %arg3: memref<1000x128xf32, #tpu.memory_space<vmem>>) attributes {dimension_semantics = [#tpu.dimension_semantics<arbitrary>], iteration_bounds = array<i64: 10>, scalar_prefetch = 0 : i64, scratch_operands = 0 : i64, tpu.core_type = #tpu.core_type<tc>, window_params = [{transform_indices = @transform_0, window_bounds = array<i64: 1000, 128>}, {pipeline_mode = #tpu.pipeline_mode<synchronous>, transform_indices = @transform_1, window_bounds = array<i64: 128, 128>}, {transform_indices = @transform_2, window_bounds = array<i64: 1000, 128>}]} {
    %get3A = arith.constant 0 : index
    %get3A_0 = arith.constant 0 : index
    %get3A_1 = vector.load %arg1[%get3A, %get3A_0] : memref<1000x128xf32, #tpu.memory_space<vmem>>, vector<1000x128xf32>
    %get3A_2 = arith.constant 0 : index
    %get3A_3 = arith.constant 0 : index
    %get3A_4 = vector.load %arg2[%get3A_2, %get3A_3] : memref<128x128xf32, #tpu.memory_space<vmem>>, vector<128x128xf32>
    %dot_general3A = arith.constant dense<0.000000e+00> : vector<1000x128xf32>
    %dot_general3A_5 = tpu.matmul %get3A_1, %get3A_4, %dot_general3A {dimension_numbers = #tpu.dot_dimension_numbers<[1], [0], [0], [1], [0, 0, 1, 1], [], []>, transpose_lhs_hint = false} : vector<1000x128xf32>, vector<128x128xf32>, vector<1000x128xf32> -> vector<1000x128xf32>
    %swap3A = arith.constant 0 : index
    %swap3A_6 = arith.constant 0 : index
    %swap3A_7 = vector.load %arg3[%swap3A, %swap3A_6] : memref<1000x128xf32, #tpu.memory_space<vmem>>, vector<1000x128xf32>
    tpu.vector_store %arg3[%swap3A, %swap3A_6], %dot_general3A_5 {strides = array<i32>} : memref<1000x128xf32, #tpu.memory_space<vmem>>, vector<1000x128xf32>,
    return
  }
  func.func @transform_0(%arg0: i32) -> (i32, i32) {
    %c0_i32 = arith.constant 0 : i32
    %c0_i32_0 = arith.constant 0 : i32
    return %arg0, %c0_i32 : i32, i32
  }
  func.func @transform_1(%arg0: i32) -> (i32, i32) {
    %c0_i32 = arith.constant 0 : i32
    %c0_i32_0 = arith.constant 0 : i32
    %c0_i32_1 = arith.constant 0 : i32
    return %c0_i32, %c0_i32_0 : i32, i32
  }
  func.func @transform_2(%arg0: i32) -> (i32, i32) {
    %c0_i32 = arith.constant 0 : i32
    %c0_i32_0 = arith.constant 0 : i32
    return %arg0, %c0_i32 : i32, i32
  }
}

</mosaic_0001>

<sc_bundles>
// kernel: kernel.4.cloned.1.call-start
scs
__scs_entry_jumppad:
0x0: {  	(pc) =	sbr.rel $0x88, $3  }
0x1: {  	(tag) =	ssettag $0x0;
	lr =	simm.s32 $0x1  }
0x2: {  	[smem:$0x3F9D] =	sst lr;
	_ =	strace $0xD0000000  }
0x3: {  	_ = 	snop  }
0x4: {  	_ = 	snop  }
0x5: {  	_ = 	snop  }
0x6: {  	_ = 	snop  }
0x7: {  	_ = 	snop  }
__scs_overlays_trampoline_lowered:
0x8: {  	[smem:$0x3FAC] =	sst s0  }
0x9: {  	[smem:$0x3FAD] =	sst s1  }
0xa: {  	[smem:$0x3FAE] =	sst s2  }
0xb: {  	[smem:$0x3FAF] =	sst s3  }
0xc: {  	[smem:$0x3FB0] =	sst s4  }
0xd: {  	[smem:$0x3FB1] =	sst s5  }
0xe: {  	[smem:$0x3FB2] =	sst s6  }
0xf: {  	[smem:$0x3FB3] =	sst s7  }
0x10: {  	[smem:$0x3FB4] =	sst s8  }
0x11: {  	[smem:$0x3FB5] =	sst s9;
	s0 =	simm.s32 @!p0 $0x0  }
0x12: {  	s1 =	sld [smem:$0x3F9B];
	s0 =	simm.s32 @p0 $0x1  }
0x13: {  	[smem:$0x3FB6] =	sst s0;
	s0 =	simm.s32 @!p1 $0x0  }
0x14: {  	s2 =	sld [smem:$0x3F9A];
	s0 =	simm.s32 @p1 $0x1  }
0x15: {  	[smem:$0x3FB7] =	sst s0;
	s0 =	simm.s32 @!p2 $0x0  }
0x16: {  	s3 =	sld [smem:$0x3FDB];
	s0 =	simm.s32 @p2 $0x1  }
0x17: {  	s4 =	simm.s32 $0x1BF5;
	[smem:$0x3FB9] =	sst s0  }
0x18: {  	s0 =	sld [smem:$0x3F9C];
	_ =	swait.ge [sflag:s4], $0x0  }
0x19: {  	s7 =	sld [smem:$0x3F9D]  }
0x1a: {  	s8 =	sadd.s32 $0xFFFFE003, lr  }
0x1b: {  	s9 =	sadd.s32 $0xFFFFFEF7, lr;
	s5 =	simm.s32 $0xFFFFFFFF;
	p2 =	slt.u32 s8, $0xFFFFF086  }
0x1c: {  	p1 =	slt.u32 s9, $0xF7A;
	s5 =	simm.s32 @!p2 $0x0  }
0x1d: {  	s5 =	simm.s32 @p1 $0x1;
	p0 =	seq.s32 s7, s2  }
0x1e: {  	s7 =	smul.u32 @!p0 $0xF7A, s2;
	p2 =	seq.s32 @!p0 s5, $0x0  }
0x1f: {  	s9 =	smul.u32 $0xF7A, s1;
	s8 =	simm.s32 @!p0 $0x1BF5;
	p2 =	por !p2, p0  }
0x20: {  	[sflag:s8] =	ssyncset.s32 @!p0 $0xFFFFF086;
	s6 =	sadd.s32 @!p0 s3, s7;
	s7 =	simm.s32 @!p0 $0x108  }
0x21: {  	s3 =	sadd.s32 s3, s9;
	s6 =	sadd.s32 @!p0 $0x88, s6;
	s7 =	simm.s32 @p2 $0x1082  }
0x22: {  	[simem:s7], [sflag:s8] =	dma.local @!p0 [hbm:s6], $0xF7A  }
0x23: {  	s9 =	sor.u32 $0xD0000000, s2;
	s6 =	simm.s32 $0x108;
	_ =	swait.ge @!p0 [sflag:s8], $0x0  }
0x24: {  	s3 =	sadd.s32 $0x88, s3;
	s6 =	simm.s32 @!p1 $0x1082;
	[sflag:s4] =	ssyncset.s32 $0xFFFFF086  }
0x25: {  	[simem:s6], [sflag:s4] =	dma.local [hbm:s3], $0xF7A  }
0x26: {  	[smem:$0x3F9D] =	sst s1;
	(tag) =	ssettag s2;
	_ =	strace s9  }
0x27: {  	s1 =	sld [smem:$0x3FAD]  }
0x28: {  	s2 =	sld [smem:$0x3FAE]  }
0x29: {  	s4 =	sld [smem:$0x3FB0]  }
0x2a: {  	p0 =	seq.s32 s5, $0x0;
	s5 =	sld [smem:$0x3FB1]  }
0x2b: {  	s6 =	sld [smem:$0x3FB2]  }
0x2c: {  	s7 =	sld [smem:$0x3FB3]  }
0x2d: {  	s3 =	simm.s32 $0x108;
	s8 =	sld [smem:$0x3FB4]  }
0x2e: {  	s3 =	simm.s32 @!p0 $0x1082;
	s9 =	sld [smem:$0x3FB5]  }
0x2f: {  	lr =	sadd.s32 s0, s3;
	s0 =	sld [smem:$0x3FAC]  }
0x30: {  	s3 =	sld [smem:$0x3FAF]  }
0x31: {  	[smem:$0x3FB8] =	sst s10  }
0x32: {  	s10 =	sld [smem:$0x3FB6];
	_ =	sdelay $0x3  }
0x33: {  	p0 =	seq.s32 s10, $0x1;
	s10 =	sld [smem:$0x3FB8];
	_ =	sdelay $0x3  }
0x34: {  	[smem:$0x3FB8] =	sst s10  }
0x35: {  	s10 =	sld [smem:$0x3FB7];
	_ =	sdelay $0x3  }
0x36: {  	p1 =	seq.s32 s10, $0x1;
	s10 =	sld [smem:$0x3FB8];
	_ =	sdelay $0x3  }
0x37: {  	[smem:$0x3FB8] =	sst s10  }
0x38: {  	s10 =	sld [smem:$0x3FB9]  }
0x39: {  	_ = 	snop;
	(pc) =	sbr.ind lr, $3  }
0x3a: {  	_ = 	snop  }
0x3b: {  	_ = 	snop  }
0x3c: {  	p2 =	seq.s32 s10, $0x1;
	s10 =	sld [smem:$0x3FB8]  }
0x3d: {  	_ =	shalt  }
0x3e: {  	_ =	shalt  }
0x3f: {  	_ =	shalt  }
0x40: {  	_ =	shalt  }
0x41: {  	_ =	shalt  }
0x42: {  	_ =	shalt  }
0x43: {  	_ =	shalt  }
0x44: {  	_ =	shalt  }
0x45: {  	_ =	shalt  }
0x46: {  	_ =	shalt  }
0x47: {  	_ =	shalt  }
0x48: {  	_ =	shalt  }
0x49: {  	_ =	shalt  }
0x4a: {  	_ =	shalt  }
0x4b: {  	_ =	shalt  }
0x4c: {  	_ =	shalt  }
0x4d: {  	_ =	shalt  }
0x4e: {  	_ =	shalt  }
0x4f: {  	_ =	shalt  }
0x50: {  	_ =	shalt  }
0x51: {  	_ =	shalt  }
0x52: {  	_ =	shalt  }
0x53: {  	_ =	shalt  }
0x54: {  	_ =	shalt  }
0x55: {  	_ =	shalt  }
0x56: {  	_ =	shalt  }
0x57: {  	_ =	shalt  }
0x58: {  	_ =	shalt  }
0x59: {  	_ =	shalt  }
0x5a: {  	_ =	shalt  }
0x5b: {  	_ =	shalt  }
0x5c: {  	_ =	shalt  }
0x5d: {  	_ =	shalt  }
0x5e: {  	_ =	shalt  }
0x5f: {  	_ =	shalt  }
0x60: {  	_ =	shalt  }
0x61: {  	_ =	shalt  }
0x62: {  	_ =	shalt  }
0x63: {  	_ =	shalt  }
0x64: {  	_ =	shalt  }
0x65: {  	_ =	shalt  }
0x66: {  	_ =	shalt  }
0x67: {  	_ =	shalt  }
0x68: {  	_ =	shalt  }
0x69: {  	_ =	shalt  }
0x6a: {  	_ =	shalt  }
0x6b: {  	_ =	shalt  }
0x6c: {  	_ =	shalt  }
0x6d: {  	_ =	shalt  }
0x6e: {  	_ =	shalt  }
0x6f: {  	_ =	shalt  }
0x70: {  	_ =	shalt  }
0x71: {  	_ =	shalt  }
0x72: {  	_ =	shalt  }
0x73: {  	_ =	shalt  }
0x74: {  	_ =	shalt  }
0x75: {  	_ =	shalt  }
0x76: {  	_ =	shalt  }
0x77: {  	_ =	shalt  }
0x78: {  	_ =	shalt  }
0x79: {  	_ =	shalt  }
0x7a: {  	_ =	shalt  }
0x7b: {  	_ =	shalt  }
0x7c: {  	_ =	shalt  }
0x7d: {  	_ =	shalt  }
0x7e: {  	_ =	shalt  }
0x7f: {  	_ =	shalt  }
0x80: {  	_ =	shalt  }
0x81: {  	_ =	shalt  }
0x82: {  	_ =	shalt  }
0x83: {  	_ =	shalt  }
0x84: {  	_ =	shalt  }
0x85: {  	_ =	shalt  }
0x86: {  	_ =	shalt  }
0x87: {  	_ =	shalt  }
.Lfunc_end0:
.L_simem_size_0:
called_computation_lowered:
.L_overlay_start_0:
0x88: {  	s2 =	sld [smem:$0x3FD9]  }
0x89: {  	s3 =	sld [smem:$0x3FFE];
	_ =	sdelay $0x1  }
0x8a: {  	s1 =	srdreg.scid  }
0x8b: {  	s0 =	sand.u32 $0x1, s1  }
0x8c: {  	s17 =	sshll.u32 s0, $0xA;
	s2 =	sadd.s32 s3, s2  }
0x8d: {  	s2 =	sadd.s32 s2, s17  }
0x8e: {  	[smem:$0x3FC4] =	sst s2  }
0x8f: {  	_ = 	snop  }
0x90: {  	s2 =	sld [smem:$0x3FD0];
	(tm) =	ssettm $0x1  }
0x91: {  	s18 =	sld [smem:$0x3FFB];
	_ =	sdelay $0x3  }
0x92: {  	_ =	strace s18  }
0x93: {  	s3 =	sld [smem:$0x3FFC];
	_ =	sdelay $0x3  }
0x94: {  	_ =	strace s3  }
0x95: {  	s3 =	sld [smem:$0x3FFD];
	_ =	sdelay $0x3  }
0x96: {  	_ =	strace s3  }
0x97: {  	_ =	strace $0x8FFFFFFF  }
0x98: {  	s19 =	sld [smem:$0x3FDB];
	_ =	sdelay $0x1  }
0x99: {  	s4 =	simm.s32 $_scs_section_size  }
0x9a: {  	s5 =	simm.s32 $_size__tile_overlayer_lowered;
	s6 =	simm.s32 $_tile_overlayer_lowered  }
0x9b: {  	s22 =	simm.s32 $0x1BFF;
	s21 =	sshll.u32 s6, $0x1;
	s3 =	sadd.s32 s4, s19  }
0x9c: {  	s7 =	simm.s32 $0x0;
	s20 =	sshll.u32 s5, $0x1;
	s5 =	sadd.s32 s21, s3  }
0x9d: {  	[timem:s7], [sflag:s22] =	dma.local [hbm:s5], s20  }
0x9e: {  	_ =	swait.ge [sflag:s22], s20  }
0x9f: {  	s4 =	ssub.s32 $0x0, s20;
	[sflag:s22] =	ssyncset.done $0x0  }
0xa0: {  	[sflag:s22] =	ssyncadd.s32 s4;
	_ =	sdelay $0x1  }
0xa1: {  	s23 =	simm.s32 $0x1B8B  }
0xa2: {  	_ =	swait.ge [sflag:s23], $0x1  }
0xa3: {  	[sflag:s23] =	ssyncset.done $0x0  }
0xa4: {  	s25 =	simm.s32 $0x1B8E;
	s24 =	sld [smem:$0x3FFE];
	[sflag:s23] =	ssyncadd.s32 $0xFFFFFFFF  }
0xa5: {  	s26 =	simm.s32 $execute0_lowered;
	[smem:$0x3FD2] =	sst s25  }
0xa6: {  	s5 =	sshll.u32 s26, $0x1;
	_ =	strace $0x80000046;
	[dreg:$0x1] =	wrdreg $0xFFFFFFFF  }
0xa7: {  	s28 =	simm.s32 $_size_execute0_lowered;
	s3 =	sadd.s32 s3, s5;
	[dreg:$0x0] =	wrdreg $0x0  }
0xa8: {  	s5 =	sshll.u32 s28, $0x1;
	[dreg:$0x2] =	wrdreg s3  }
0xa9: {  	[dreg:$0x3] =	wrdreg s5  }
0xaa: {  	[dreg:$0x4] =	wrdreg $0xC0  }
0xab: {  	_ =	task [dreg:s7], $0x5FFFF  }
0xac: {  	[dreg:$0x1] =	wrdreg $0xFFFFFFFF  }
0xad: {  	[dreg:$0x0] =	wrdreg $0x60  }
0xae: {  	[dreg:$0x2] =	wrdreg s24  }
0xaf: {  	[dreg:$0x3] =	wrdreg s2  }
0xb0: {  	[dreg:$0x4] =	wrdreg $0x108000  }
0xb1: {  	[dreg:$0x5] =	wrdreg $0x9  }
0xb2: {  	_ =	task.clear_ibuf [dreg:s7], $0x6FFFF;
	_ =	strace $0x90000046  }
0xb3: {  	s29 =	simm.s32 $0x9;
	_ =	strace $0x80000048  }
0xb4: {  	_ =	swait.ge [sflag:s29], $0x1  }
0xb5: {  	[sflag:s29] =	ssyncadd.s32 $0xFFFFFFFF  }
0xb6: {  	_ =	strace $0x90000048  }
0xb7: {  	_ =	sfence  }
0xb8: {  	s30 =	sld [smem:$0x0];
	_ =	sdelay $0x2  }
0xb9: {  	s31 =	sshll.u32 s1, $0xD;
	s1 =	sshrl.u32 s1, $0x2  }
0xba: {  	s3 =	sand.u32 $0x4000, s31;
	s1 =	sadd.s32 s1, s30  }
0xbb: {  	s0 =	sor.u32 s3, s0;
	s1 =	sshll.u32 s1, $0x11  }
0xbc: {  	s0 =	sor.u32 s1, s0  }
0xbd: {  	s0 =	sadd.s32 $0x8F2B, s0  }
0xbe: {  	[sflag:s0] =	ssyncadd.remote.s32 $0x1  }
0xbf: {  	_ =	sfence.sel $0xFFFF  }
0xc0: {  	[dreg:$0x0] =	wrdreg $0xFFFFFFFF;
	(pc) =	sbr.abs _section_cstart, $3  }
0xc1: {  	[dreg:$0x1] =	wrdreg $0xFFFFFFFF  }
0xc2: {  	_ =	task.clear_ibuf [dreg:s7], $0x2FFFF;
	_ =	strace $0x9FFFFFFF  }
0xc3: {  	(tm) =	ssettm $0x7FFFFFFF  }
tec
execute0_lowered:
.L_overlay_start_1:
0x0: {  	(tag) =	ssettag $0x1  }
0x1: {  	s0 =	rddreg [dreg:$0x0]  }
0x2: {  	s11 =	rddreg [dreg:$0x1]  }
0x3: {  	s1 =	rddreg [dreg:$0x2]  }
0x4: {  	s2 =	srdreg.scid;
	s3 =	simm.s32 $0x0;
	s13 =	simm.s32 $0xF  }
0x5: {  	s14 =	simm.s32 $0x800;
	s16 =	simm.s32 $0x200;
	s17 =	simm.s32 $0x80  }
0x6: {  	s24 =	simm.s32 $0x0;
	s5 =	sand.u32 $0x1, s2;
	s2 =	stileid.u32  }
0x7: {  	[smem:$0x7FF] =	sst s3;
	s4 =	sshll.u32 s5, $0x4;
	s8 =	smul.u32 $0x29000, s2  }
0x8: {  	_ =	strace $0x80000047;
	s19 =	smul.u32 $0x148, s2;
	s18 =	sor.u32 s2, s4  }
0x9: {  	s7 =	ssub.s32 $0x2, s5;
	s5 =	sadd.s32 $0xA00, s0;
	s6 =	smul.u32 $0x28, s18  }
0xa: {  	s4 =	sadd.s32 $0xA800, s0;
	s30 =	sshrl.u32 s7, $0x1;
	s10 =	smul.u32 $0x1400, s18  }
.Ltmp0:
0xb: {  	s12 =	ssub.s32 s7, s30;
	s31 =	sshrl.u32 s8, $0x2;
	(pc) =	sbr.rel .LBB2_1-.Ltmp0, $4  }
0xc: {  	p4 =	seq.s32 s18, $0x1F;
	s7 =	sadd.s32 s31, s1;
	s0 =	sadd.s32 s6, s0  }
0xd: {  	s12 =	smax.u32 s12, $0x1;
	s6 =	sadd.s32 $0x31A00, s0;
	s0 =	simm.s32 @!p4 $0x0  }
0xe: {  	v1 =	vimm.f32 $0.0e+00;
	s8 =	sadd.s32 $0x4000, s7;
	s9 =	sadd.s32 $0x8000, s7;
	s0 =	simm.s32 @p4 $0x1  }
0xf: {  	v2 =	vlaneseq.u32;
	v3 =	vimm.s32 $0x100;
	v0 =	vmov s19;
	s10 =	sadd.s32 s11, s10;
	s11 =	sadd.s32 $0x26C00, s11;
	[smem:$0x7FD] =	sst s0  }
.LBB2_13:
0x10: {  	s0 =	sshll.u32 @p4 s2, $0x6  }
0x11: {  	s15 =	sshrl.u32 @p4 s7, $0x3;
	s0 =	sor.u32 @p4 $0x1C0F, s0  }
0x12: {  	[hbm:s11], [sflag:s0] =	dma.local @p4 [spmem:s15], $0x500  }
0x13: {  	s0 =	simm.s32 @p4 $0xF  }
0x14: {  	s24 =	sadd.s32 $0x1, s24;
	_ =	swait.ge @p4 [sflag:s0], $0x500  }
0x15: {  	p0 =	sne.s32 s24, s12;
	s15 =	sshll.u32 @!p4 s2, $0x6;
	[sflag:s0] =	ssyncset.done @p4 $0x0  }
0x16: {  	[sflag:s0] =	ssyncadd.s32 @p4 $0xFFFFFB00;
	s0 =	sor.u32 @!p4 $0x1C0F, s15;
	s15 =	sshrl.u32 @!p4 s7, $0x3  }
0x17: {  	[hbm:s10], [sflag:s0] =	dma.local @!p4 [spmem:s15], $0x1400  }
.Ltmp1:
0x18: {  	_ = 	snop;
	(pc) =	sbr.rel @!p0 .LBB2_14-.Ltmp1, $4  }
0x19: {  	s0 =	simm.s32 @!p4 $0xF  }
0x1a: {  	_ =	swait.ge @!p4 [sflag:s0], $0x1400  }
0x1b: {  	[sflag:s0] =	ssyncset.done @!p4 $0x0  }
0x1c: {  	[sflag:s0] =	ssyncadd.s32 @!p4 $0xFFFFEC00  }
.LBB2_1:
0x1d: {  	[tilespmem:s3], [sflag:$0xF] =	stream.linear.gather [hbm4b:s6+s3], $0x200, $0x38;
	[tilespmem:$0x1AC00] =	vst v63  }
0x1e: {  	_ =	swait.ge [sflag:s13], $0x200  }
0x1f: {  	[sflag:s13] =	ssyncset.done $0x0  }
0x20: {  	s0 =	simm.s32 $0x0;
	s18 =	simm.s32 $0x200;
	[sflag:s13] =	ssyncadd.s32 $0xFFFFFE00  }
.LBB2_2:
0x21: {  	p1 =	sne.s32 s18, $0xFE00;
	[tilespmem:s0+$0x870] =	vst v1  }
0x22: {  	[tilespmem:s0+$0x800] =	vst v1  }
0x23: {  	[tilespmem:s0+$0x810] =	vst v1  }
.Ltmp2:
0x24: {  	[tilespmem:s0+$0x820] =	vst v1;
	(pc) =	sbr.rel @p1 .LBB2_2-.Ltmp2, $4  }
0x25: {  	[tilespmem:s0+$0x830] =	vst v1  }
0x26: {  	[tilespmem:s0+$0x840] =	vst v1  }
0x27: {  	[tilespmem:s0+$0x850] =	vst v1  }
0x28: {  	[tilespmem:s0+$0x860] =	vst v1;
	s0 =	sshra.s32 s18, $0x2;
	s18 =	sadd.s32 $0x200, s18  }
0x29: {  	[tilespmem:s0+$0x870] =	vst v1  }
0x2a: {  	[tilespmem:s0+$0x800] =	vst v1  }
0x2b: {  	[tilespmem:s0+$0x810] =	vst v1  }
0x2c: {  	[tilespmem:s0+$0x820] =	vst v1  }
0x2d: {  	[tilespmem:s0+$0x830] =	vst v1  }
0x2e: {  	[tilespmem:s0+$0x840] =	vst v1  }
0x2f: {  	[tilespmem:s0+$0x850] =	vst v1  }
0x30: {  	[tilespmem:s0+$0x860] =	vst v1  }
0x31: {  	[spmem:s7] =	stream.linear.scatter [tilespmem:s14], [sflag:$0xF], $0x4000, $0x38;
	[tilespmem:$0x1AC00] =	vst v63  }
0x32: {  	_ =	swait.ge [sflag:s13], $0x4000  }
0x33: {  	[sflag:s13] =	ssyncset.done $0x0  }
0x34: {  	[sflag:s13] =	ssyncadd.s32 $0xFFFFC000  }
0x35: {  	[spmem:s8] =	stream.linear.scatter [tilespmem:s14], [sflag:$0xF], $0x4000, $0x38;
	[tilespmem:$0x1AC00] =	vst v63  }
0x36: {  	_ =	swait.ge [sflag:s13], $0x4000  }
0x37: {  	[sflag:s13] =	ssyncset.done $0x0  }
0x38: {  	[sflag:s13] =	ssyncadd.s32 $0xFFFFC000  }
0x39: {  	[spmem:s9] =	stream.linear.scatter [tilespmem:s14], [sflag:$0xF], $0x2400, $0x38;
	[tilespmem:$0x1AC00] =	vst v63  }
0x3a: {  	_ =	swait.ge [sflag:s13], $0x2400  }
0x3b: {  	[sflag:s13] =	ssyncset.done $0x0  }
0x3c: {  	[sflag:s13] =	ssyncadd.s32 $0xFFFFDC00  }
0x3d: {  	v4 =	vld [tilespmem:$0x0]  }
0x3e: {  	v5 =	vld [tilespmem:$0x140];
	_ =	sdelay $0x3  }
0x3f: {  	(v2sf) =	vpush v4, $0x0  }
0x40: {  	(v2sf) =	vpush v5, $0x0;
	_ =	sdelay $0xd  }
0x41: {  	s0 =	spop (v2sf)  }
0x42: {  	s18 =	spop (v2sf);
	s25 =	sand.u32 $0xFFFFFFF8, s0  }
0x43: {  	s18 =	ssub.s32 s18, s25  }
0x44: {  	s18 =	sadd.s32 $0x7F, s18  }
0x45: {  	s19 =	sand.u32 $0x7F, s18  }
0x46: {  	s31 =	sshra.s32 s18, $0x1F;
	p2 =	slt.s32 s18, $0x1;
	p1 =	sne.s32 s19, $0x0  }
0x47: {  	s19 =	sshrl.u32 s31, $0x19;
	p1 =	por !p2, !p1  }
0x48: {  	s18 =	sadd.s32 s19, s18;
	s19 =	simm.s32 $0x1;
	p1 =	por !p1, !p1  }
0x49: {  	s18 =	sshra.s32 s18, $0x7;
	s19 =	simm.s32 @!p1 $0x0  }
0x4a: {  	s26 =	ssub.s32 s18, s19  }
0x4b: {  	p1 =	slt.s32 s26, $0x1  }
.Ltmp3:
0x4c: {  	_ = 	snop;
	(pc) =	sbr.rel @p1 .LBB2_13-.Ltmp3, $1  }
0x4d: {  	_ =	sdelay $0x3  }
0x4e: {  	p0 =	seq.s32 s26, $0x1  }
.Ltmp4:
0x4f: {  	_ = 	snop;
	(pc) =	sbr.rel @p0 .LBB2_6-.Ltmp4, $4  }
0x50: {  	_ = 	snop  }
0x51: {  	s18 =	sshrl.u32 s0, $0x3  }
0x52: {  	p3 =	por $0x0, $0x0;
	s18 =	sadd.s32 s5, s18  }
0x53: {  	[tilespmem:s16], [sflag:$0x5] =	stream.linear.gather [hbm4b:s18+s3], $0x80, $0x38;
	[tilespmem:$0x1AC00] =	vst v63  }
0x54: {  	s18 =	sadd.s32 $0x80, s0  }
0x55: {  	s15 =	simm.s32 $0x280;
	s18 =	sshrl.u32 s18, $0x3  }
0x56: {  	p2 =	slt.u32 s26, $0x3;
	s30 =	sld [smem:$0x7FD];
	s18 =	sadd.s32 s5, s18  }
0x57: {  	[tilespmem:s15], [sflag:$0x6] =	stream.linear.gather [hbm4b:s18+s3], $0x80, $0x38;
	[tilespmem:$0x1AC00] =	vst v63  }
0x58: {  	s19 =	simm.s32 @!p2 $0x0;
	p3 =	seq.s32 @!p2 s26, $0x3;
	s18 =	sadd.s32 @!p2 $0x100, s0  }
0x59: {  	s20 =	simm.s32 @!p2 $0x300;
	p4 =	por p3, p2;
	s18 =	sshrl.u32 @!p2 s18, $0x3  }
0x5a: {  	p5 =	slt.u32 @!p4 s26, $0x5;
	s15 =	simm.s32 @!p0 $0x0;
	s18 =	sadd.s32 @!p2 s5, s18  }
0x5b: {  	[tilespmem:s20], [sflag:$0x7] =	stream.linear.gather @!p2 [hbm4b:s18+s19], $0x80, $0x38;
	[tilespmem:$0x1AC00] =	vst v63  }
0x5c: {  	p6 =	por @!p2 p5, p3;
	s15 =	simm.s32 @p0 $0x1;
	s18 =	sadd.s32 @!p4 $0x180, s0  }
0x5d: {  	p6 =	por p6, p2;
	s19 =	simm.s32 @!p4 $0x0;
	s18 =	sshrl.u32 @!p4 s18, $0x3  }
0x5e: {  	s20 =	simm.s32 @!p4 $0x380;
	p1 =	seq.s32 @!p6 s26, $0x5;
	s18 =	sadd.s32 @!p4 s5, s18  }
0x5f: {  	[tilespmem:s20], [sflag:$0x8] =	stream.linear.gather @!p4 [hbm4b:s18+s19], $0x80, $0x38;
	[tilespmem:$0x1AC00] =	vst v63  }
0x60: {  	[smem:$0x7FC] =	sst s15;
	p0 =	por @!p4 p1, p5;
	s18 =	sadd.s32 @!p6 $0x200, s0  }
0x61: {  	p0 =	por @!p2 p0, p3;
	s19 =	simm.s32 @!p6 $0x0;
	s18 =	sshrl.u32 @!p6 s18, $0x3  }
0x62: {  	s20 =	simm.s32 @!p6 $0x400;
	p0 =	por p0, p2;
	s18 =	sadd.s32 @!p6 s5, s18  }
0x63: {  	[tilespmem:s20], [sflag:$0x9] =	stream.linear.gather @!p6 [hbm4b:s18+s19], $0x80, $0x38;
	[tilespmem:$0x1AC00] =	vst v63  }
0x64: {  	s31 =	sld [smem:$0x7FC];
	p1 =	por @!p4 !p1, p5;
	s18 =	sadd.s32 @!p0 $0x280, s0  }
0x65: {  	p5 =	por @!p2 !p5, p3;
	p1 =	por @!p2 !p1, p3;
	s18 =	sshrl.u32 @!p0 s18, $0x3  }
0x66: {  	s19 =	simm.s32 @!p0 $0x0;
	s20 =	simm.s32 @!p0 $0x480;
	s18 =	sadd.s32 @!p0 s5, s18  }
0x67: {  	[tilespmem:s20], [sflag:$0xA] =	stream.linear.gather @!p0 [hbm4b:s18+s19], $0x80, $0x38;
	[tilespmem:$0x1AC00] =	vst v63  }
0x68: {  	p1 =	por !p1, p2;
	p6 =	por @!p6 $0x1, $0x1;
	p0 =	por @!p0 $0x1, $0x1  }
0x69: {  	p0 =	por @!p1 p6, p6;
	p1 =	por @!p4 $0x1, $0x1;
	p4 =	por !p5, p2  }
0x6a: {  	p3 =	por !p3, p2;
	p1 =	por @!p4 p0, p0;
	p0 =	por @!p2 $0x1, $0x1  }
0x6b: {  	p1 =	por @!p3 p0, p0;
	p3 =	por $0x0, $0x0  }
0x6c: {  	p4 =	seq.s32 s30, $0x1;
	p0 =	seq.s32 s31, $0x1;
	p3 =	por @!p2 p1, p1  }
.LBB2_6:
.Ltmp5:
0x6d: {  	s15 =	simm.s32 $0x5;
	(pc) =	sbr.rel @!p0 .LBB2_7-.Ltmp5, $4  }
0x6e: {  	_ =	swait.ge [sflag:s15], $0x80  }
0x6f: {  	[sflag:s15] =	ssyncset.done $0x0  }
0x70: {  	[sflag:s15] =	ssyncadd.s32 $0xFFFFFF80  }
0x71: {  	[tilespmem:s14], [sflag:$0x1] =	stream.indirect.gather [hbm4b:s4+s17], $0x80, s16, s17, $0xb8;
	[tilespmem:$0x1AC00] =	vst v63  }
.Ltmp6:
0x72: {  	(pc) =	sbr.rel @!p3 .LBB2_10-.Ltmp6, $4  }
.Ltmp7:
0x73: {  	(pc) =	sbr.rel @p3 .LBB2_9-.Ltmp7, $4  }
0x74: {  	_ = 	snop  }
0x75: {  	_ = 	snop  }
0x76: {  	_ = 	snop  }
0x77: {  	_ = 	snop  }
.LBB2_7:
.Ltmp8:
0x78: {  	s15 =	simm.s32 $0x6;
	(pc) =	sbr.rel @!p3 .LBB2_10-.Ltmp8, $4  }
0x79: {  	_ =	swait.ge [sflag:s15], $0x80  }
0x7a: {  	[sflag:s15] =	ssyncset.done $0x0  }
0x7b: {  	s31 =	simm.s32 $0x280;
	s16 =	simm.s32 $0x4800;
	[sflag:s15] =	ssyncadd.s32 $0xFFFFFF80  }
0x7c: {  	[tilespmem:s16], [sflag:$0x2] =	stream.indirect.gather [hbm4b:s4+s17], $0x80, s31, s17, $0xb8;
	[tilespmem:$0x1AC00] =	vst v63  }
.LBB2_9:
0x7d: {  	s15 =	simm.s32 $0x7  }
0x7e: {  	_ =	swait.ge [sflag:s15], $0x80  }
0x7f: {  	[sflag:s15] =	ssyncset.done $0x0  }
0x80: {  	s31 =	simm.s32 $0x300;
	s16 =	simm.s32 $0x8800;
	[sflag:s15] =	ssyncadd.s32 $0xFFFFFF80  }
0x81: {  	[tilespmem:s16], [sflag:$0x3] =	stream.indirect.gather [hbm4b:s4+s17], $0x80, s31, s17, $0xb8;
	[tilespmem:$0x1AC00] =	vst v63  }
.LBB2_10:
0x82: {  	s18 =	ssub.s32 $0x0, s26;
	s0 =	sadd.s32 $0x300, s0  }
0x83: {  	s28 =	simm.s32 $0x8;
	s29 =	simm.s32 $0x3;
	s30 =	simm.s32 $0x380  }
0x84: {  	s31 =	simm.s32 $0xB;
	s19 =	simm.s32 $0x500;
	[dreg:$0x5] =	wrdreg s18  }
0x85: {  	v4 =	vbroadcast v4, $0x0;
	v5 =	vbroadcast v5, $0x0;
	s20 =	simm.s32 $0x0;
	[dreg:$0x4] =	wrdreg s0;
	s0 =	simm.s32 $0x6  }
.LBB2_11:
0x86: {  	s18 =	sadd.s32 $0xFFFFFFFD, s29  }
0x87: {  	s23 =	sand.u32 $0x3, s18  }
0x88: {  	s18 =	sadd.s32 $0x1, s23  }
0x89: {  	_ =	swait.ge [sflag:s18], $0x4000  }
0x8a: {  	[sflag:s18] =	ssyncset.done $0x0  }
0x8b: {  	[sflag:s18] =	ssyncadd.s32 $0xFFFFC000  }
0x8c: {  	v6 =	vld.idx.msk [tilespmem:v3+s3+$0x0], $0xffff;
	_ =	sdelay $0x2  }
0x8d: {  	s18 =	sadd.s32 s20, s25  }
0x8e: {  	v7 =	vadd.s32 s18, v2  }
0x8f: {  	vm0 =	vgt.s32 v6, v7  }
0x90: {  	v6 =	vsel vm0, $0x0, v3  }
0x91: {  	v8 =	vor.u32 $0x80, v6;
	_ =	sdelay $0x4  }
0x92: {  	v9 =	vld.idx.msk [tilespmem:v8+s3+$0x0], $0xffff;
	_ =	sdelay $0x4  }
0x93: {  	vm7 =	vgt.s32 v9, v7  }
0x94: {  	v6 =	vsel vm7, v6, v8  }
0x95: {  	v8 =	vor.u32 $0x40, v6;
	_ =	sdelay $0x4  }
0x96: {  	v46 =	vld.idx.msk [tilespmem:v8+s3+$0x0], $0xffff;
	_ =	sdelay $0x4  }
0x97: {  	vm8 =	vgt.s32 v46, v7  }
0x98: {  	v6 =	vsel vm8, v6, v8  }
0x99: {  	v8 =	vor.u32 $0x20, v6;
	_ =	sdelay $0x4  }
0x9a: {  	v47 =	vld.idx.msk [tilespmem:v8+s3+$0x0], $0xffff;
	_ =	sdelay $0x4  }
0x9b: {  	vm9 =	vgt.s32 v47, v7  }
0x9c: {  	v6 =	vsel vm9, v6, v8  }
0x9d: {  	v8 =	vadd.s32 $0x10, v6;
	_ =	sdelay $0x4  }
0x9e: {  	v48 =	vld.idx.msk [tilespmem:v8+s3+$0x0], $0xffff;
	_ =	sdelay $0x4  }
0x9f: {  	vm10 =	vgt.s32 v48, v7  }
0xa0: {  	v6 =	vsel vm10, v6, v8  }
0xa1: {  	v8 =	vadd.s32 $0x8, v6;
	_ =	sdelay $0x4  }
0xa2: {  	v49 =	vld.idx.msk [tilespmem:v8+s3+$0x0], $0xffff;
	_ =	sdelay $0x4  }
0xa3: {  	vm11 =	vgt.s32 v49, v7  }
0xa4: {  	v6 =	vsel vm11, v6, v8  }
0xa5: {  	v8 =	vadd.s32 $0x4, v6;
	_ =	sdelay $0x4  }
0xa6: {  	v50 =	vld.idx.msk [tilespmem:v8+s3+$0x0], $0xffff;
	_ =	sdelay $0x4  }
0xa7: {  	vm12 =	vgt.s32 v50, v7  }
0xa8: {  	v6 =	vsel vm12, v6, v8  }
0xa9: {  	v8 =	vadd.s32 $0x2, v6;
	_ =	sdelay $0x4  }
0xaa: {  	v51 =	vld.idx.msk [tilespmem:v8+s3+$0x0], $0xffff;
	_ =	sdelay $0x4  }
0xab: {  	vm13 =	vgt.s32 v51, v7  }
0xac: {  	v6 =	vsel vm13, v6, v8  }
0xad: {  	v8 =	vadd.s32 $0x1, v6;
	_ =	sdelay $0x4  }
0xae: {  	v52 =	vld.idx.msk [tilespmem:v8+s3+$0x0], $0xffff;
	_ =	sdelay $0x4  }
0xaf: {  	vm1 =	vge.s32 v7, v4;
	vm2 =	vlt.s32 v7, v5;
	vm14 =	vgt.s32 v52, v7  }
0xb0: {  	vm15 =	vmand vm1, vm2;
	v6 =	vsel vm14, v6, v8  }
0xb1: {  	v6 =	vnsel vm15, $0x140, v6  }
0xb2: {  	s22 =	sshll.u32 s23, $0x7;
	v6 =	vadd.s32 v0, v6  }
0xb3: {  	[tilespmem:s22+$0x600] =	vst v6  }
0xb4: {  	v6 =	vld.idx.msk [tilespmem:v3+s3+$0x0], $0xffff;
	_ =	sdelay $0x2  }
0xb5: {  	s21 =	sadd.s32 $0x10, s18  }
0xb6: {  	v7 =	vadd.s32 s21, v2  }
0xb7: {  	vm4 =	vgt.s32 v6, v7  }
0xb8: {  	v6 =	vsel vm4, $0x0, v3  }
0xb9: {  	v53 =	vor.u32 $0x80, v6;
	_ =	sdelay $0x4  }
0xba: {  	v54 =	vld.idx.msk [tilespmem:v53+s3+$0x0], $0xffff;
	_ =	sdelay $0x4  }
0xbb: {  	vm5 =	vgt.s32 v54, v7  }
0xbc: {  	v6 =	vsel vm5, v6, v53  }
0xbd: {  	v8 =	vor.u32 $0x40, v6;
	_ =	sdelay $0x4  }
0xbe: {  	v55 =	vld.idx.msk [tilespmem:v8+s3+$0x0], $0xffff;
	_ =	sdelay $0x4  }
0xbf: {  	vm6 =	vgt.s32 v55, v7  }
0xc0: {  	v6 =	vsel vm6, v6, v8  }
0xc1: {  	v8 =	vor.u32 $0x20, v6;
	_ =	sdelay $0x4  }
0xc2: {  	v56 =	vld.idx.msk [tilespmem:v8+s3+$0x0], $0xffff;
	_ =	sdelay $0x4  }
0xc3: {  	vm7 =	vgt.s32 v56, v7  }
0xc4: {  	v6 =	vsel vm7, v6, v8  }
0xc5: {  	v8 =	vadd.s32 $0x10, v6;
	_ =	sdelay $0x4  }
0xc6: {  	v57 =	vld.idx.msk [tilespmem:v8+s3+$0x0], $0xffff;
	_ =	sdelay $0x4  }
0xc7: {  	vm8 =	vgt.s32 v57, v7  }
0xc8: {  	v6 =	vsel vm8, v6, v8  }
0xc9: {  	v8 =	vadd.s32 $0x8, v6;
	_ =	sdelay $0x4  }
0xca: {  	v58 =	vld.idx.msk [tilespmem:v8+s3+$0x0], $0xffff;
	_ =	sdelay $0x4  }
0xcb: {  	vm9 =	vgt.s32 v58, v7  }
0xcc: {  	v6 =	vsel vm9, v6, v8  }
0xcd: {  	v8 =	vadd.s32 $0x4, v6;
	_ =	sdelay $0x4  }
0xce: {  	v59 =	vld.idx.msk [tilespmem:v8+s3+$0x0], $0xffff;
	_ =	sdelay $0x4  }
0xcf: {  	vm10 =	vgt.s32 v59, v7  }
0xd0: {  	v6 =	vsel vm10, v6, v8  }
0xd1: {  	v8 =	vadd.s32 $0x2, v6;
	_ =	sdelay $0x4  }
0xd2: {  	v60 =	vld.idx.msk [tilespmem:v8+s3+$0x0], $0xffff;
	_ =	sdelay $0x4  }
0xd3: {  	vm11 =	vgt.s32 v60, v7  }
0xd4: {  	v6 =	vsel vm11, v6, v8  }
0xd5: {  	v8 =	vadd.s32 $0x1, v6;
	_ =	sdelay $0x4  }
0xd6: {  	v61 =	vld.idx.msk [tilespmem:v8+s3+$0x0], $0xffff;
	_ =	sdelay $0x4  }
0xd7: {  	vm13 =	vge.s32 v7, v4;
	vm14 =	vlt.s32 v7, v5;
	vm12 =	vgt.s32 v61, v7  }
0xd8: {  	vm15 =	vmand vm13, vm14;
	v6 =	vsel vm12, v6, v8  }
0xd9: {  	v6 =	vnsel vm15, $0x140, v6  }
0xda: {  	v6 =	vadd.s32 v0, v6  }
0xdb: {  	[tilespmem:s22+$0x610] =	vst v6  }
0xdc: {  	v6 =	vld.idx.msk [tilespmem:v3+s3+$0x0], $0xffff;
	_ =	sdelay $0x2  }
0xdd: {  	s16 =	sadd.s32 $0x20, s18  }
0xde: {  	v7 =	vadd.s32 s16, v2  }
0xdf: {  	vm4 =	vgt.s32 v6, v7  }
0xe0: {  	v6 =	vsel vm4, $0x0, v3  }
0xe1: {  	v62 =	vor.u32 $0x80, v6;
	_ =	sdelay $0x4  }
0xe2: {  	v63 =	vld.idx.msk [tilespmem:v62+s3+$0x0], $0xffff;
	_ =	sdelay $0x4  }
0xe3: {  	vm5 =	vgt.s32 v63, v7  }
0xe4: {  	v6 =	vsel vm5, v6, v62  }
0xe5: {  	v8 =	vor.u32 $0x40, v6;
	_ =	sdelay $0x4  }
0xe6: {  	v12 =	vld.idx.msk [tilespmem:v8+s3+$0x0], $0xffff;
	_ =	sdelay $0x4  }
0xe7: {  	vm6 =	vgt.s32 v12, v7  }
0xe8: {  	v6 =	vsel vm6, v6, v8  }
0xe9: {  	v8 =	vor.u32 $0x20, v6;
	_ =	sdelay $0x4  }
0xea: {  	v13 =	vld.idx.msk [tilespmem:v8+s3+$0x0], $0xffff;
	_ =	sdelay $0x4  }
0xeb: {  	vm7 =	vgt.s32 v13, v7  }
0xec: {  	v6 =	vsel vm7, v6, v8  }
0xed: {  	v8 =	vadd.s32 $0x10, v6;
	_ =	sdelay $0x4  }
0xee: {  	v14 =	vld.idx.msk [tilespmem:v8+s3+$0x0], $0xffff;
	_ =	sdelay $0x4  }
0xef: {  	vm8 =	vgt.s32 v14, v7  }
0xf0: {  	v6 =	vsel vm8, v6, v8  }
0xf1: {  	v8 =	vadd.s32 $0x8, v6;
	_ =	sdelay $0x4  }
0xf2: {  	v15 =	vld.idx.msk [tilespmem:v8+s3+$0x0], $0xffff;
	_ =	sdelay $0x4  }
0xf3: {  	vm9 =	vgt.s32 v15, v7  }
0xf4: {  	v6 =	vsel vm9, v6, v8  }
0xf5: {  	v8 =	vadd.s32 $0x4, v6;
	_ =	sdelay $0x4  }
0xf6: {  	v16 =	vld.idx.msk [tilespmem:v8+s3+$0x0], $0xffff;
	_ =	sdelay $0x4  }
0xf7: {  	vm10 =	vgt.s32 v16, v7  }
0xf8: {  	v6 =	vsel vm10, v6, v8  }
0xf9: {  	v8 =	vadd.s32 $0x2, v6;
	_ =	sdelay $0x4  }
0xfa: {  	v17 =	vld.idx.msk [tilespmem:v8+s3+$0x0], $0xffff;
	_ =	sdelay $0x4  }
0xfb: {  	vm11 =	vgt.s32 v17, v7  }
0xfc: {  	v6 =	vsel vm11, v6, v8  }
0xfd: {  	v8 =	vadd.s32 $0x1, v6;
	_ =	sdelay $0x4  }
0xfe: {  	v18 =	vld.idx.msk [tilespmem:v8+s3+$0x0], $0xffff;
	_ =	sdelay $0x4  }
0xff: {  	vm13 =	vge.s32 v7, v4;
	vm14 =	vlt.s32 v7, v5;
	vm12 =	vgt.s32 v18, v7  }
0x100: {  	vm15 =	vmand vm13, vm14;
	v6 =	vsel vm12, v6, v8  }
0x101: {  	v6 =	vnsel vm15, $0x140, v6  }
0x102: {  	v6 =	vadd.s32 v0, v6  }
0x103: {  	[tilespmem:s22+$0x620] =	vst v6  }
0x104: {  	v6 =	vld.idx.msk [tilespmem:v3+s3+$0x0], $0xffff;
	_ =	sdelay $0x2  }
0x105: {  	s15 =	sadd.s32 $0x30, s18  }
0x106: {  	v7 =	vadd.s32 s15, v2  }
0x107: {  	vm4 =	vgt.s32 v6, v7  }
0x108: {  	v6 =	vsel vm4, $0x0, v3  }
0x109: {  	v19 =	vor.u32 $0x80, v6;
	_ =	sdelay $0x4  }
0x10a: {  	v20 =	vld.idx.msk [tilespmem:v19+s3+$0x0], $0xffff;
	_ =	sdelay $0x4  }
0x10b: {  	vm5 =	vgt.s32 v20, v7  }
0x10c: {  	v6 =	vsel vm5, v6, v19  }
0x10d: {  	v8 =	vor.u32 $0x40, v6;
	_ =	sdelay $0x4  }
0x10e: {  	v21 =	vld.idx.msk [tilespmem:v8+s3+$0x0], $0xffff;
	_ =	sdelay $0x4  }
0x10f: {  	vm6 =	vgt.s32 v21, v7  }
0x110: {  	v6 =	vsel vm6, v6, v8  }
0x111: {  	v8 =	vor.u32 $0x20, v6;
	_ =	sdelay $0x4  }
0x112: {  	v22 =	vld.idx.msk [tilespmem:v8+s3+$0x0], $0xffff;
	_ =	sdelay $0x4  }
0x113: {  	vm7 =	vgt.s32 v22, v7  }
0x114: {  	v6 =	vsel vm7, v6, v8  }
0x115: {  	v8 =	vadd.s32 $0x10, v6;
	_ =	sdelay $0x4  }
0x116: {  	v23 =	vld.idx.msk [tilespmem:v8+s3+$0x0], $0xffff;
	_ =	sdelay $0x4  }
0x117: {  	vm8 =	vgt.s32 v23, v7  }
0x118: {  	v6 =	vsel vm8, v6, v8  }
0x119: {  	v8 =	vadd.s32 $0x8, v6;
	_ =	sdelay $0x4  }
0x11a: {  	v24 =	vld.idx.msk [tilespmem:v8+s3+$0x0], $0xffff;
	_ =	sdelay $0x4  }
0x11b: {  	vm9 =	vgt.s32 v24, v7  }
0x11c: {  	v6 =	vsel vm9, v6, v8  }
0x11d: {  	v8 =	vadd.s32 $0x4, v6;
	_ =	sdelay $0x4  }
0x11e: {  	v25 =	vld.idx.msk [tilespmem:v8+s3+$0x0], $0xffff;
	_ =	sdelay $0x4  }
0x11f: {  	vm10 =	vgt.s32 v25, v7  }
0x120: {  	v6 =	vsel vm10, v6, v8  }
0x121: {  	v8 =	vadd.s32 $0x2, v6;
	_ =	sdelay $0x4  }
0x122: {  	v26 =	vld.idx.msk [tilespmem:v8+s3+$0x0], $0xffff;
	_ =	sdelay $0x4  }
0x123: {  	vm11 =	vgt.s32 v26, v7  }
0x124: {  	v6 =	vsel vm11, v6, v8  }
0x125: {  	v8 =	vadd.s32 $0x1, v6;
	_ =	sdelay $0x4  }
0x126: {  	v27 =	vld.idx.msk [tilespmem:v8+s3+$0x0], $0xffff;
	_ =	sdelay $0x4  }
0x127: {  	vm13 =	vge.s32 v7, v4;
	vm14 =	vlt.s32 v7, v5;
	vm12 =	vgt.s32 v27, v7  }
0x128: {  	vm15 =	vmand vm13, vm14;
	v6 =	vsel vm12, v6, v8  }
0x129: {  	v6 =	vnsel vm15, $0x140, v6  }
0x12a: {  	v6 =	vadd.s32 v0, v6  }
0x12b: {  	[tilespmem:s22+$0x630] =	vst v6  }
0x12c: {  	v6 =	vld.idx.msk [tilespmem:v3+s3+$0x0], $0xffff;
	_ =	sdelay $0x2  }
0x12d: {  	s16 =	sadd.s32 $0x40, s18  }
0x12e: {  	v7 =	vadd.s32 s16, v2  }
0x12f: {  	vm4 =	vgt.s32 v6, v7  }
0x130: {  	v6 =	vsel vm4, $0x0, v3  }
0x131: {  	v28 =	vor.u32 $0x80, v6;
	_ =	sdelay $0x4  }
0x132: {  	v29 =	vld.idx.msk [tilespmem:v28+s3+$0x0], $0xffff;
	_ =	sdelay $0x4  }
0x133: {  	vm5 =	vgt.s32 v29, v7  }
0x134: {  	v6 =	vsel vm5, v6, v28  }
0x135: {  	v8 =	vor.u32 $0x40, v6;
	_ =	sdelay $0x4  }
0x136: {  	v30 =	vld.idx.msk [tilespmem:v8+s3+$0x0], $0xffff;
	_ =	sdelay $0x4  }
0x137: {  	vm6 =	vgt.s32 v30, v7  }
0x138: {  	v6 =	vsel vm6, v6, v8  }
0x139: {  	v8 =	vor.u32 $0x20, v6;
	_ =	sdelay $0x4  }
0x13a: {  	v31 =	vld.idx.msk [tilespmem:v8+s3+$0x0], $0xffff;
	_ =	sdelay $0x4  }
0x13b: {  	vm7 =	vgt.s32 v31, v7  }
0x13c: {  	v6 =	vsel vm7, v6, v8  }
0x13d: {  	v8 =	vadd.s32 $0x10, v6;
	_ =	sdelay $0x4  }
0x13e: {  	v32 =	vld.idx.msk [tilespmem:v8+s3+$0x0], $0xffff;
	_ =	sdelay $0x4  }
0x13f: {  	vm8 =	vgt.s32 v32, v7  }
0x140: {  	v6 =	vsel vm8, v6, v8  }
0x141: {  	v8 =	vadd.s32 $0x8, v6;
	_ =	sdelay $0x4  }
0x142: {  	v33 =	vld.idx.msk [tilespmem:v8+s3+$0x0], $0xffff;
	_ =	sdelay $0x4  }
0x143: {  	vm9 =	vgt.s32 v33, v7  }
0x144: {  	v6 =	vsel vm9, v6, v8  }
0x145: {  	v8 =	vadd.s32 $0x4, v6;
	_ =	sdelay $0x4  }
0x146: {  	v34 =	vld.idx.msk [tilespmem:v8+s3+$0x0], $0xffff;
	_ =	sdelay $0x4  }
0x147: {  	vm10 =	vgt.s32 v34, v7  }
0x148: {  	v6 =	vsel vm10, v6, v8  }
0x149: {  	v8 =	vadd.s32 $0x2, v6;
	_ =	sdelay $0x4  }
0x14a: {  	v35 =	vld.idx.msk [tilespmem:v8+s3+$0x0], $0xffff;
	_ =	sdelay $0x4  }
0x14b: {  	vm11 =	vgt.s32 v35, v7  }
0x14c: {  	v6 =	vsel vm11, v6, v8  }
0x14d: {  	v8 =	vadd.s32 $0x1, v6;
	_ =	sdelay $0x4  }
0x14e: {  	v36 =	vld.idx.msk [tilespmem:v8+s3+$0x0], $0xffff;
	_ =	sdelay $0x4  }
0x14f: {  	vm13 =	vge.s32 v7, v4;
	vm14 =	vlt.s32 v7, v5;
	vm12 =	vgt.s32 v36, v7  }
0x150: {  	vm15 =	vmand vm13, vm14;
	v6 =	vsel vm12, v6, v8  }
0x151: {  	v6 =	vnsel vm15, $0x140, v6  }
0x152: {  	v6 =	vadd.s32 v0, v6  }
0x153: {  	[tilespmem:s22+$0x640] =	vst v6  }
0x154: {  	v6 =	vld.idx.msk [tilespmem:v3+s3+$0x0], $0xffff;
	_ =	sdelay $0x2  }
0x155: {  	s15 =	sadd.s32 $0x50, s18  }
0x156: {  	v7 =	vadd.s32 s15, v2  }
0x157: {  	vm4 =	vgt.s32 v6, v7  }
0x158: {  	v6 =	vsel vm4, $0x0, v3  }
0x159: {  	v37 =	vor.u32 $0x80, v6;
	_ =	sdelay $0x4  }
0x15a: {  	v38 =	vld.idx.msk [tilespmem:v37+s3+$0x0], $0xffff;
	_ =	sdelay $0x4  }
0x15b: {  	vm5 =	vgt.s32 v38, v7  }
0x15c: {  	v6 =	vsel vm5, v6, v37  }
0x15d: {  	v8 =	vor.u32 $0x40, v6;
	_ =	sdelay $0x4  }
0x15e: {  	v39 =	vld.idx.msk [tilespmem:v8+s3+$0x0], $0xffff;
	_ =	sdelay $0x4  }
0x15f: {  	vm6 =	vgt.s32 v39, v7  }
0x160: {  	v6 =	vsel vm6, v6, v8  }
0x161: {  	v8 =	vor.u32 $0x20, v6;
	_ =	sdelay $0x4  }
0x162: {  	v40 =	vld.idx.msk [tilespmem:v8+s3+$0x0], $0xffff;
	_ =	sdelay $0x4  }
0x163: {  	vm7 =	vgt.s32 v40, v7  }
0x164: {  	v6 =	vsel vm7, v6, v8  }
0x165: {  	v8 =	vadd.s32 $0x10, v6;
	_ =	sdelay $0x4  }
0x166: {  	v41 =	vld.idx.msk [tilespmem:v8+s3+$0x0], $0xffff;
	_ =	sdelay $0x4  }
0x167: {  	vm8 =	vgt.s32 v41, v7  }
0x168: {  	v6 =	vsel vm8, v6, v8  }
0x169: {  	v8 =	vadd.s32 $0x8, v6;
	_ =	sdelay $0x4  }
0x16a: {  	v42 =	vld.idx.msk [tilespmem:v8+s3+$0x0], $0xffff;
	_ =	sdelay $0x4  }
0x16b: {  	vm9 =	vgt.s32 v42, v7  }
0x16c: {  	v6 =	vsel vm9, v6, v8  }
0x16d: {  	v8 =	vadd.s32 $0x4, v6;
	_ =	sdelay $0x4  }
0x16e: {  	v43 =	vld.idx.msk [tilespmem:v8+s3+$0x0], $0xffff;
	_ =	sdelay $0x4  }
0x16f: {  	vm10 =	vgt.s32 v43, v7  }
0x170: {  	v6 =	vsel vm10, v6, v8  }
0x171: {  	v8 =	vadd.s32 $0x2, v6;
	_ =	sdelay $0x4  }
0x172: {  	v44 =	vld.idx.msk [tilespmem:v8+s3+$0x0], $0xffff;
	_ =	sdelay $0x4  }
0x173: {  	vm11 =	vgt.s32 v44, v7  }
0x174: {  	v6 =	vsel vm11, v6, v8  }
0x175: {  	v8 =	vadd.s32 $0x1, v6;
	_ =	sdelay $0x4  }
0x176: {  	v45 =	vld.idx.msk [tilespmem:v8+s3+$0x0], $0xffff;
	_ =	sdelay $0x4  }
0x177: {  	vm13 =	vge.s32 v7, v4;
	vm14 =	vlt.s32 v7, v5;
	vm12 =	vgt.s32 v45, v7  }
0x178: {  	vm15 =	vmand vm13, vm14;
	v6 =	vsel vm12, v6, v8  }
0x179: {  	v6 =	vnsel vm15, $0x140, v6  }
0x17a: {  	v6 =	vadd.s32 v0, v6  }
0x17b: {  	[tilespmem:s22+$0x650] =	vst v6  }
0x17c: {  	v6 =	vld.idx.msk [tilespmem:v3+s3+$0x0], $0xffff;
	_ =	sdelay $0x2  }
0x17d: {  	s16 =	sadd.s32 $0x60, s18  }
0x17e: {  	v7 =	vadd.s32 s16, v2  }
0x17f: {  	vm4 =	vgt.s32 v6, v7  }
0x180: {  	v6 =	vsel vm4, $0x0, v3  }
0x181: {  	v46 =	vor.u32 $0x80, v6;
	_ =	sdelay $0x4  }
0x182: {  	v47 =	vld.idx.msk [tilespmem:v46+s3+$0x0], $0xffff;
	_ =	sdelay $0x4  }
0x183: {  	vm5 =	vgt.s32 v47, v7  }
0x184: {  	v6 =	vsel vm5, v6, v46  }
0x185: {  	v8 =	vor.u32 $0x40, v6;
	_ =	sdelay $0x4  }
0x186: {  	v48 =	vld.idx.msk [tilespmem:v8+s3+$0x0], $0xffff;
	_ =	sdelay $0x4  }
0x187: {  	vm6 =	vgt.s32 v48, v7  }
0x188: {  	v6 =	vsel vm6, v6, v8  }
0x189: {  	v8 =	vor.u32 $0x20, v6;
	_ =	sdelay $0x4  }
0x18a: {  	v49 =	vld.idx.msk [tilespmem:v8+s3+$0x0], $0xffff;
	_ =	sdelay $0x4  }
0x18b: {  	vm7 =	vgt.s32 v49, v7  }
0x18c: {  	v6 =	vsel vm7, v6, v8  }
0x18d: {  	v8 =	vadd.s32 $0x10, v6;
	_ =	sdelay $0x4  }
0x18e: {  	v50 =	vld.idx.msk [tilespmem:v8+s3+$0x0], $0xffff;
	_ =	sdelay $0x4  }
0x18f: {  	vm8 =	vgt.s32 v50, v7  }
0x190: {  	v6 =	vsel vm8, v6, v8  }
0x191: {  	v8 =	vadd.s32 $0x8, v6;
	_ =	sdelay $0x4  }
0x192: {  	v51 =	vld.idx.msk [tilespmem:v8+s3+$0x0], $0xffff;
	_ =	sdelay $0x4  }
0x193: {  	vm9 =	vgt.s32 v51, v7  }
0x194: {  	v6 =	vsel vm9, v6, v8  }
0x195: {  	v8 =	vadd.s32 $0x4, v6;
	_ =	sdelay $0x4  }
0x196: {  	v52 =	vld.idx.msk [tilespmem:v8+s3+$0x0], $0xffff;
	_ =	sdelay $0x4  }
0x197: {  	vm10 =	vgt.s32 v52, v7  }
0x198: {  	v6 =	vsel vm10, v6, v8  }
0x199: {  	v8 =	vadd.s32 $0x2, v6;
	_ =	sdelay $0x4  }
0x19a: {  	v53 =	vld.idx.msk [tilespmem:v8+s3+$0x0], $0xffff;
	_ =	sdelay $0x4  }
0x19b: {  	vm11 =	vgt.s32 v53, v7  }
0x19c: {  	v6 =	vsel vm11, v6, v8  }
0x19d: {  	v8 =	vadd.s32 $0x1, v6;
	_ =	sdelay $0x4  }
0x19e: {  	v54 =	vld.idx.msk [tilespmem:v8+s3+$0x0], $0xffff;
	_ =	sdelay $0x4  }
0x19f: {  	vm13 =	vge.s32 v7, v4;
	vm14 =	vlt.s32 v7, v5;
	vm12 =	vgt.s32 v54, v7  }
0x1a0: {  	vm15 =	vmand vm13, vm14;
	v6 =	vsel vm12, v6, v8  }
0x1a1: {  	v6 =	vnsel vm15, $0x140, v6  }
0x1a2: {  	v6 =	vadd.s32 v0, v6  }
0x1a3: {  	[tilespmem:s22+$0x660] =	vst v6  }
0x1a4: {  	v6 =	vld.idx.msk [tilespmem:v3+s3+$0x0], $0xffff;
	_ =	sdelay $0x2  }
0x1a5: {  	s18 =	sadd.s32 $0x70, s18  }
0x1a6: {  	v7 =	vadd.s32 s18, v2  }
0x1a7: {  	vm4 =	vgt.s32 v6, v7  }
0x1a8: {  	v6 =	vsel vm4, $0x0, v3  }
0x1a9: {  	v55 =	vor.u32 $0x80, v6;
	_ =	sdelay $0x4  }
0x1aa: {  	v56 =	vld.idx.msk [tilespmem:v55+s3+$0x0], $0xffff;
	_ =	sdelay $0x4  }
0x1ab: {  	vm5 =	vgt.s32 v56, v7  }
0x1ac: {  	v6 =	vsel vm5, v6, v55  }
0x1ad: {  	v8 =	vor.u32 $0x40, v6;
	_ =	sdelay $0x4  }
0x1ae: {  	v57 =	vld.idx.msk [tilespmem:v8+s3+$0x0], $0xffff;
	_ =	sdelay $0x4  }
0x1af: {  	vm6 =	vgt.s32 v57, v7  }
0x1b0: {  	v6 =	vsel vm6, v6, v8  }
0x1b1: {  	v8 =	vor.u32 $0x20, v6;
	_ =	sdelay $0x4  }
0x1b2: {  	v58 =	vld.idx.msk [tilespmem:v8+s3+$0x0], $0xffff;
	_ =	sdelay $0x4  }
0x1b3: {  	vm7 =	vgt.s32 v58, v7  }
0x1b4: {  	v6 =	vsel vm7, v6, v8  }
0x1b5: {  	v8 =	vadd.s32 $0x10, v6;
	_ =	sdelay $0x4  }
0x1b6: {  	v59 =	vld.idx.msk [tilespmem:v8+s3+$0x0], $0xffff;
	_ =	sdelay $0x4  }
0x1b7: {  	vm8 =	vgt.s32 v59, v7  }
0x1b8: {  	v6 =	vsel vm8, v6, v8  }
0x1b9: {  	v8 =	vadd.s32 $0x8, v6;
	_ =	sdelay $0x4  }
0x1ba: {  	v60 =	vld.idx.msk [tilespmem:v8+s3+$0x0], $0xffff;
	_ =	sdelay $0x4  }
0x1bb: {  	vm9 =	vgt.s32 v60, v7  }
0x1bc: {  	v6 =	vsel vm9, v6, v8  }
0x1bd: {  	v8 =	vadd.s32 $0x4, v6;
	_ =	sdelay $0x4  }
0x1be: {  	v61 =	vld.idx.msk [tilespmem:v8+s3+$0x0], $0xffff;
	_ =	sdelay $0x4  }
0x1bf: {  	vm10 =	vgt.s32 v61, v7  }
0x1c0: {  	v6 =	vsel vm10, v6, v8  }
0x1c1: {  	v8 =	vadd.s32 $0x2, v6;
	_ =	sdelay $0x4  }
0x1c2: {  	v62 =	vld.idx.msk [tilespmem:v8+s3+$0x0], $0xffff;
	_ =	sdelay $0x4  }
0x1c3: {  	vm11 =	vgt.s32 v62, v7  }
0x1c4: {  	v6 =	vsel vm11, v6, v8  }
0x1c5: {  	v8 =	vadd.s32 $0x1, v6;
	_ =	sdelay $0x4  }
0x1c6: {  	v63 =	vld.idx.msk [tilespmem:v8+s3+$0x0], $0xffff;
	_ =	sdelay $0x4  }
0x1c7: {  	s15 =	smulhi.u32 $0xAAAAAAAB, s29;
	vm13 =	vge.s32 v7, v4;
	vm14 =	vlt.s32 v7, v5;
	vm12 =	vgt.s32 v63, v7  }
0x1c8: {  	vm15 =	vmand vm13, vm14;
	v6 =	vsel vm12, v6, v8  }
0x1c9: {  	p0 =	seq.s32 s29, $0x3;
	s18 =	sshrl.u32 s15, $0x2;
	v6 =	vnsel vm15, $0x140, v6  }
0x1ca: {  	s15 =	sand.u32 @!p0 $0x3, s29;
	s16 =	smul.u32 $0xFFFFFFE8, s18;
	v6 =	vadd.s32 v0, v6  }
0x1cb: {  	s15 =	sadd.s32 @!p0 $0xB, s15;
	s18 =	smul.u32 $0xFFFFF400, s18;
	[tilespmem:s22+$0x670] =	vst v6  }
0x1cc: {  	s21 =	sshra.s32 s16, $0x2;
	s16 =	sshll.u32 s23, $0xE;
	_ =	swait.ge @!p0 [sflag:s15], $0x4000  }
0x1cd: {  	s23 =	sadd.s32 $0xB, s23;
	s16 =	sor.u32 $0x800, s16;
	[sflag:s15] =	ssyncset.done @!p0 $0x0  }
0x1ce: {  	s22 =	sor.u32 $0x600, s22;
	[sflag:s15] =	ssyncadd.s32 @!p0 $0xFFFFC000;
	s15 =	sadd.s32 s21, s28  }
0x1cf: {  	[spmem:s1] =	stream.indirect.scatter.add.f32 [tilespmem:s16], [sflag:s23], $0x80, s22, s17, $0xb8;
	[tilespmem:$0x1AC00] =	vst v63  }
0x1d0: {  	p0 =	sge.s32 s29, s26;
	s21 =	sshra.s32 s18, $0x2;
	s22 =	smulhi.u32 $0xAAAAAAAB, s0  }
0x1d1: {  	s16 =	sadd.s32 s21, s30;
	s21 =	sand.u32 @!p0 $0x3, s29;
	_ =	swait.ge @!p0 [sflag:s15], $0x80  }
0x1d2: {  	[sflag:s15] =	ssyncset.done @!p0 $0x0;
	s18 =	sshrl.u32 s22, $0x2;
	s22 =	simm.s32 @!p0 $0x80  }
0x1d3: {  	[sflag:s15] =	ssyncadd.s32 @!p0 $0xFFFFFF80;
	s15 =	sshll.u32 @!p0 s21, $0xE;
	s23 =	smul.u32 $0xFFFFFFE8, s18  }
0x1d4: {  	s21 =	sadd.s32 @!p0 $0x1, s21;
	s18 =	smul.u32 $0xFFFFF400, s18;
	s15 =	sor.u32 @!p0 $0x800, s15  }
0x1d5: {  	[tilespmem:s15], [sflag:s21] =	stream.indirect.gather @!p0 [hbm4b:s4+s22], $0x80, s16, s22, $0xb8;
	[tilespmem:$0x1AC00] =	vst v63  }
0x1d6: {  	s16 =	rddreg [dreg:$0x4];
	s22 =	sadd.s32 $0x3, s29  }
0x1d7: {  	s15 =	sshra.s32 s23, $0x2;
	s18 =	sshra.s32 s18, $0x2;
	p0 =	sge.s32 s22, s26  }
0x1d8: {  	s23 =	rddreg [dreg:$0x5];
	s29 =	sadd.s32 $0x1, s29;
	s16 =	sadd.s32 @!p0 s20, s16  }
0x1d9: {  	s15 =	sadd.s32 s15, s31;
	s18 =	sadd.s32 s18, s19;
	s16 =	sshrl.u32 @!p0 s16, $0x3  }
0x1da: {  	s23 =	sadd.s32 s29, s23;
	s21 =	simm.s32 @!p0 $0x0;
	s16 =	sadd.s32 @!p0 s5, s16  }
0x1db: {  	[tilespmem:s18], [sflag:s15] =	stream.linear.gather @!p0 [hbm4b:s16+s21], $0x80, $0x38;
	[tilespmem:$0x1AC00] =	vst v63  }
0x1dc: {  	p0 =	sne.s32 s23, $0x3  }
.Ltmp9:
0x1dd: {  	_ = 	snop;
	(pc) =	sbr.rel @p0 .LBB2_11-.Ltmp9, $3  }
0x1de: {  	_ =	sdelay $0x1  }
0x1df: {  	s28 =	sadd.s32 $0x1, s28;
	s30 =	sadd.s32 $0x80, s30;
	s0 =	sadd.s32 $0x1, s0  }
0x1e0: {  	s31 =	sadd.s32 $0x1, s31;
	s19 =	sadd.s32 $0x80, s19;
	s20 =	sadd.s32 $0x80, s20  }
0x1e1: {  	s0 =	sadd.s32 $0xFFFFFFFF, s26  }
.Ltmp10:
0x1e2: {  	s0 =	sand.u32 $0x3, s0;
	(pc) =	sbr.rel .LBB2_13-.Ltmp10, $4  }
0x1e3: {  	s0 =	sadd.s32 $0xB, s0  }
0x1e4: {  	_ =	swait.ge [sflag:s0], $0x4000  }
0x1e5: {  	[sflag:s0] =	ssyncset.done $0x0  }
0x1e6: {  	s16 =	simm.s32 $0x200;
	[sflag:s0] =	ssyncadd.s32 $0xFFFFC000  }
.LBB2_14:
0x1e7: {  	_ =	sfence.sel $0x180000  }
0x1e8: {  	[bflag:$0x0] =	sbarrier.arrive $0xFFFF  }
0x1e9: {  	_ =	strace $0x90000047  }
0x1ea: {  	[bflag:$0x2] =	sbarrier.arrive $0xFFFF  }
0x1eb: {  	p0 =	sne.s32 s2, $0x0;
	s0 =	rddreg [dreg:$0x3]  }
0x1ec: {  	s0 =	sadd.s32 @!p0 $0x100000, s0  }
0x1ed: {  	[sflag:s0] =	ssyncadd.tile.s32 @!p0 $0x1;
	_ =	shalt  }
.Lfunc_end2:
_tile_overlayer_lowered:
.L_overlay_start_2:
0x1ee: {  	(tag) =	ssettag $0x2  }
0x1ef: {  	s0 =	rddreg [dreg:$0x0];
	s2 =	stileid.u32  }
0x1f0: {  	s1 =	rddreg [dreg:$0x1];
	p0 =	sne.s32 s2, $0x0  }
0x1f1: {  	s3 =	rddreg [dreg:$0x2];
	[bflag:$0x3] =	sbarrier.arrive $0xFFFF;
	s2 =	simm.s32 @!p0 $0x1C0F  }
0x1f2: {  	[timem:s3], [sflag:s2] =	dma.local @!p0 [hbm:s0], s1  }
0x1f3: {  	s0 =	simm.s32 @!p0 $0xF  }
0x1f4: {  	_ =	swait.ge @!p0 [sflag:s0], s1  }
0x1f5: {  	s1 =	ssub.s32 @!p0 $0x0, s1;
	[sflag:s0] =	ssyncset.done @!p0 $0x0  }
0x1f6: {  	[sflag:s0] =	ssyncadd.s32 @!p0 s1  }
0x1f7: {  	[bflag:$0x3] =	sbarrier.arrive $0xFFFF  }
0x1f8: {  	_ =	shalt  }

</sc_bundles>
